<compile_context>
chip_gen: v7x
topology: tpu7x:2x2x1
jax: 0.10.2.dev20260603
libtpu: 0.0.44.dev20260713+nightly
codegen_flags: <defaults>
</compile_context>

<pallas_src>
import functools

import jax
import jax.numpy as jnp
from jax import lax
from jax.experimental import pallas as pl
from jax.experimental.pallas import tpu as pltpu
from jax.experimental.pallas import tpu_sc as plsc

N = 10000
E = 320000
G = 64
D = 128
DOUT = 256

NC, NS = 2, 16
NW = NC * NS
NPAD = 10240
EPT = E // NW
CHUNK = 80
NCHUNK = EPT // CHUNK
RPT = NPAD // NS

_mesh = plsc.VectorSubcoreMesh(core_axis_name="c", subcore_axis_name="s")


def _zero_rows(ref, nrows):
    z = jnp.zeros((16,), jnp.float32)

    @pl.loop(0, nrows)
    def _(i):
        for j in range(128 // 16):
            ref[i, pl.ds(j * 16, 16)] = z


@functools.partial(
    pl.kernel,
    out_type=jax.ShapeDtypeStruct((NC, NPAD), jnp.float32),
    mesh=_mesh,
    scratch_types=[
        pltpu.VMEM((NCHUNK, CHUNK), jnp.int32),
        pltpu.VMEM((CHUNK,), jnp.float32),
        pltpu.VMEM((RPT,), jnp.float32),
        pltpu.VMEM_SHARED((NPAD,), jnp.float32),
    ],
)
def _deg_kernel(dst_hbm, out_hbm, dst_v, ones_v, z_v, hist_sp):
    cid = lax.axis_index("c")
    sid = lax.axis_index("s")
    wid = cid * NS + sid

    pltpu.sync_copy(dst_hbm.at[wid], dst_v)
    one = jnp.ones((16,), jnp.float32)
    zero = jnp.zeros((16,), jnp.float32)
    for j in range(CHUNK // 16):
        ones_v[pl.ds(j * 16, 16)] = one

    @pl.loop(0, RPT // 16)
    def _(i):
        z_v[pl.ds(i * 16, 16)] = zero

    pltpu.sync_copy(z_v, hist_sp.at[pl.ds(sid * RPT, RPT)])
    plsc.subcore_barrier()

    @pl.loop(0, NCHUNK)
    def _(j):
        pltpu.sync_copy(ones_v, hist_sp.at[dst_v.at[j]], add=True)

    plsc.subcore_barrier()
    pltpu.sync_copy(hist_sp.at[pl.ds(sid * RPT, RPT)],
                    out_hbm.at[cid, pl.ds(sid * RPT, RPT)])


@functools.partial(
    pl.kernel,
    out_type=jax.ShapeDtypeStruct((NC, NPAD, D), jnp.float32),
    mesh=_mesh,
    scratch_types=[
        pltpu.VMEM((NCHUNK, CHUNK), jnp.int32),
        pltpu.VMEM((NCHUNK, CHUNK), jnp.int32),
        pltpu.VMEM((CHUNK, D), jnp.float32),
        pltpu.VMEM_SHARED((NPAD, D), jnp.float32),
    ],
)
def _scat_kernel(hs_hbm, src_hbm, dst_hbm, out_hbm, src_v, dst_v, rows_v,
                 acc_sp):
    cid = lax.axis_index("c")
    sid = lax.axis_index("s")
    wid = cid * NS + sid

    pltpu.sync_copy(src_hbm.at[wid], src_v)
    pltpu.sync_copy(dst_hbm.at[wid], dst_v)

    _zero_rows(rows_v, CHUNK)
    for r in range(RPT // CHUNK):
        pltpu.sync_copy(rows_v, acc_sp.at[pl.ds(sid * RPT + r * CHUNK, CHUNK)])
    plsc.subcore_barrier()

    @pl.loop(0, NCHUNK)
    def _(j):
        pltpu.sync_copy(hs_hbm.at[src_v.at[j]], rows_v)
        pltpu.sync_copy(rows_v, acc_sp.at[dst_v.at[j]], add=True)

    plsc.subcore_barrier()
    pltpu.sync_copy(acc_sp.at[pl.ds(sid * RPT, RPT)],
                    out_hbm.at[cid].at[pl.ds(sid * RPT, RPT)])


_BLK = 1000
_NBLK = N // _BLK


def _tc_prep_body(deg0, deg1, x, W, dinv_o, hs_o):
    deg = deg0[...] + deg1[...] + 1.0
    dinv = lax.rsqrt(deg)
    dinv_o[...] = dinv
    hs_o[...] = jnp.dot(x[...], W[...], preferred_element_type=jnp.float32) * dinv


_tc_prep = pl.pallas_call(
    _tc_prep_body,
    grid=(_NBLK,),
    in_specs=[
        pl.BlockSpec((_BLK, 1), lambda i: (i, 0)),
        pl.BlockSpec((_BLK, 1), lambda i: (i, 0)),
        pl.BlockSpec((_BLK, D), lambda i: (i, 0)),
        pl.BlockSpec((D, D), lambda i: (0, 0)),
    ],
    out_specs=[
        pl.BlockSpec((_BLK, 1), lambda i: (i, 0)),
        pl.BlockSpec((_BLK, D), lambda i: (i, 0)),
    ],
    out_shape=[
        jax.ShapeDtypeStruct((N, 1), jnp.float32),
        jax.ShapeDtypeStruct((N, D), jnp.float32),
    ],
)


def _tc_combine_body(p0, p1, hs, dinv, b, W, hs_o):
    h = jnp.maximum(dinv[...] * (p0[...] + p1[...] + hs[...]) + b[...], 0.0)
    hs_o[...] = jnp.dot(h, W[...], preferred_element_type=jnp.float32) * dinv[...]


_tc_combine = pl.pallas_call(
    _tc_combine_body,
    grid=(_NBLK,),
    in_specs=[
        pl.BlockSpec((_BLK, D), lambda i: (i, 0)),
        pl.BlockSpec((_BLK, D), lambda i: (i, 0)),
        pl.BlockSpec((_BLK, D), lambda i: (i, 0)),
        pl.BlockSpec((_BLK, 1), lambda i: (i, 0)),
        pl.BlockSpec((1, D), lambda i: (0, 0)),
        pl.BlockSpec((D, D), lambda i: (0, 0)),
    ],
    out_specs=pl.BlockSpec((_BLK, D), lambda i: (i, 0)),
    out_shape=jax.ShapeDtypeStruct((N, D), jnp.float32),
)


def _tc_final_body(p0, p1, hs, dinv, b, batch, Wfc, bfc, out,
                   sums_ref, counts_ref):
    i = pl.program_id(0)
    h = jnp.maximum(dinv[...] * (p0[...] + p1[...] + hs[...]) + b[...], 0.0)
    gids = lax.broadcasted_iota(jnp.int32, (1, G), 1)
    onehot = jnp.where(batch[...] == gids, 1.0, 0.0)
    dn = (((0,), (0,)), ((), ()))
    ps = lax.dot_general(onehot, h, dn, preferred_element_type=jnp.float32)
    pc = lax.dot_general(onehot, jnp.ones_like(h), dn,
                         preferred_element_type=jnp.float32)

    @pl.when(i == 0)
    def _():
        sums_ref[...] = ps
        counts_ref[...] = pc

    @pl.when(i > 0)
    def _():
        sums_ref[...] += ps
        counts_ref[...] += pc

    @pl.when(i == pl.num_programs(0) - 1)
    def _():
        pooled = sums_ref[...] / jnp.maximum(counts_ref[...], 1.0)
        out[...] = jnp.dot(pooled, Wfc[...],
                           preferred_element_type=jnp.float32) + bfc[...]


_tc_final = pl.pallas_call(
    _tc_final_body,
    grid=(_NBLK,),
    in_specs=[
        pl.BlockSpec((_BLK, D), lambda i: (i, 0)),
        pl.BlockSpec((_BLK, D), lambda i: (i, 0)),
        pl.BlockSpec((_BLK, D), lambda i: (i, 0)),
        pl.BlockSpec((_BLK, 1), lambda i: (i, 0)),
        pl.BlockSpec((1, D), lambda i: (0, 0)),
        pl.BlockSpec((_BLK, 1), lambda i: (i, 0)),
        pl.BlockSpec((D, DOUT), lambda i: (0, 0)),
        pl.BlockSpec((1, DOUT), lambda i: (0, 0)),
    ],
    out_specs=pl.BlockSpec((G, DOUT), lambda i: (0, 0)),
    out_shape=jax.ShapeDtypeStruct((G, DOUT), jnp.float32),
    scratch_shapes=[
        pltpu.VMEM((G, D), jnp.float32),
        pltpu.VMEM((G, D), jnp.float32),
    ],
)


def kernel(x, edge_index, batch, W1, b1, W2, b2, W3, b3, Wfc, bfc):
    src = edge_index[0].reshape(NW, NCHUNK, CHUNK)
    dst = edge_index[1].reshape(NW, NCHUNK, CHUNK)

    degp = _deg_kernel(dst)
    deg0 = degp[0, :N].reshape(N, 1)
    deg1 = degp[1, :N].reshape(N, 1)
    dinv, hs = _tc_prep(deg0, deg1, x, W1)

    p = _scat_kernel(hs, src, dst)
    hs = _tc_combine(p[0, :N], p[1, :N], hs, dinv, b1.reshape(1, D), W2)
    p = _scat_kernel(hs, src, dst)
    hs = _tc_combine(p[0, :N], p[1, :N], hs, dinv, b2.reshape(1, D), W3)
    p = _scat_kernel(hs, src, dst)
    return _tc_final(p[0, :N], p[1, :N], hs, dinv, b3.reshape(1, D),
                     batch.reshape(N, 1), Wfc, bfc.reshape(1, DOUT))

# --- scband reference (transcript-rebuilt; emitter-appended) ---
"""Pipeline reference for scband-scaffold-gnnencoder-12051678233105 (READ-ONLY COPY).

The authoritative reference and input builder live on the scoring server;
editing this copy changes nothing except your own understanding.
"""

import jax, jax.numpy as jnp
import numpy as np

N_NODES = 10000
N_EDGES = 320000
N_GRAPHS = 64
D_IN = 128
D_H = 128
D_OUT = 256


def _gcn_conv(x, src, dst, W, b, num_nodes):
    # PyG GCNConv: add self loops, symmetric normalization, linear-then-propagate
    loop = jnp.arange(num_nodes, dtype=src.dtype)
    s = jnp.concatenate([src, loop])
    d = jnp.concatenate([dst, loop])
    deg = jnp.zeros((num_nodes,), dtype=x.dtype).at[d].add(1.0)
    dinv = jnp.where(deg > 0, deg ** -0.5, 0.0)
    norm = dinv[s] * dinv[d]
    h = x @ W
    msgs = h[s] * norm[:, None]
    out = jnp.zeros((num_nodes, W.shape[1]), dtype=x.dtype).at[d].add(msgs)
    return out + b


def setup_inputs(seed: int = 0):
    key = jax.random.key(seed)
    ks = jax.random.split(key, 8)
    x = jax.random.normal(ks[0], (N_NODES, D_IN), dtype=jnp.float32)
    edge_index = jax.random.randint(ks[1], (2, N_EDGES), 0, N_NODES, dtype=jnp.int32)
    batch = jnp.sort(jax.random.randint(ks[2], (N_NODES,), 0, N_GRAPHS, dtype=jnp.int32))
    s_in = 1.0 / np.sqrt(D_IN)
    s_h = 1.0 / np.sqrt(D_H)
    W1 = jax.random.normal(ks[3], (D_IN, D_H), dtype=jnp.float32) * s_in
    b1 = jnp.zeros((D_H,), dtype=jnp.float32)
    W2 = jax.random.normal(ks[4], (D_H, D_H), dtype=jnp.float32) * s_h
    b2 = jnp.zeros((D_H,), dtype=jnp.float32)
    W3 = jax.random.normal(ks[5], (D_H, D_H), dtype=jnp.float32) * s_h
    b3 = jnp.zeros((D_H,), dtype=jnp.float32)
    Wfc = jax.random.normal(ks[6], (D_H, D_OUT), dtype=jnp.float32) * s_h
    bfc = jnp.zeros((D_OUT,), dtype=jnp.float32)
    return {"x": x, "edge_index": edge_index, "batch": batch,
            "W1": W1, "b1": b1, "W2": W2, "b2": b2, "W3": W3, "b3": b3,
            "Wfc": Wfc, "bfc": bfc}


def reference(x, edge_index, batch, W1, b1, W2, b2, W3, b3, Wfc, bfc):
    src = edge_index[0]
    dst = edge_index[1]
    h = jax.nn.relu(_gcn_conv(x, src, dst, W1, b1, N_NODES))
    h = jax.nn.relu(_gcn_conv(h, src, dst, W2, b2, N_NODES))
    h = jax.nn.relu(_gcn_conv(h, src, dst, W3, b3, N_NODES))
    sums = jax.ops.segment_sum(h, batch, num_segments=N_GRAPHS)
    counts = jax.ops.segment_sum(jnp.ones((N_NODES,), dtype=h.dtype), batch, num_segments=N_GRAPHS)
    pooled = jnp.where(counts[:, None] > 0, sums / jnp.maximum(counts, 1.0)[:, None], 0.0)
    return pooled @ Wfc + bfc

if __name__ == "__main__":
    import jax
    _d = setup_inputs()
    print(jax.jit(kernel)(*tuple(_d.values())))

</pallas_src>

<mosaic_0001>
#map = affine_map<(d0, d1) -> (0, 0)>
#map1 = affine_map<(d0, d1) -> (0, 0, 0)>
module attributes {stable_mosaic.version = 14 : i64} {
  func.func @_scat_kernel(%arg0: i32, %arg1: i32, %arg2: memref<10000x128xf32, #tpu.memory_space<hbm>>, %arg3: memref<32x125x80xi32, #tpu.memory_space<hbm>>, %arg4: memref<32x125x80xi32, #tpu.memory_space<hbm>>, %arg5: memref<2x10240x128xf32, #tpu.memory_space<hbm>>, %arg6: memref<125x80xi32, #tpu.memory_space<vmem>>, %arg7: memref<125x80xi32, #tpu.memory_space<vmem>>, %arg8: memref<80x128xf32, #tpu.memory_space<vmem>>, %arg9: memref<10240x128xf32, #tpu.memory_space<vmem_shared>>) attributes {dimension_semantics = [#tpu.dimension_semantics<core_parallel>, #tpu.dimension_semantics<subcore_parallel>], iteration_bounds = array<i64: 2, 16>, scalar_prefetch = 0 : i64, scratch_operands = 4 : i64, tpu.core_type = #tpu.core_type<sc_vector_subcore>, window_params = [{transform_indices = #map}, {transform_indices = #map1}, {transform_indices = #map1}, {transform_indices = #map1}]} {
    %mul3A = arith.constant 16 : i32
    %mul3A_0 = arith.muli %arg0, %mul3A : i32
    %add3A = arith.addi %mul3A_0, %arg1 : i32
    "tpu.region"() ({
      %run_scoped3A = tpu.sem_alloc : memref<!tpu.dma_semaphore, #tpu.memory_space<semaphore_mem>>
      %dma_start3A = arith.constant 0 : i32
      %dma_start3A_48 = arith.constant 0 : i32
      %dma_start3A_49 = tpu.memref_slice %arg3[%add3A, %dma_start3A, %dma_start3A_48] : memref<32x125x80xi32, #tpu.memory_space<hbm>> -> memref<1x125x80xi32, #tpu.memory_space<hbm>>
      %dma_start3A_50 = tpu.memref_squeeze %dma_start3A_49 : memref<1x125x80xi32, #tpu.memory_space<hbm>> -> memref<125x80xi32, #tpu.memory_space<hbm>>
      %dma_start3A_51 = arith.constant 0 : i32
      %dma_start3A_52 = arith.constant 0 : i32
      %dma_start3A_53 = tpu.memref_slice %arg3[%add3A, %dma_start3A_51, %dma_start3A_52] : memref<32x125x80xi32, #tpu.memory_space<hbm>> -> memref<1x125x80xi32, #tpu.memory_space<hbm>>
      %dma_start3A_54 = tpu.memref_squeeze %dma_start3A_53 : memref<1x125x80xi32, #tpu.memory_space<hbm>> -> memref<125x80xi32, #tpu.memory_space<hbm>>
      tpu.enqueue_dma source(%dma_start3A_54 : memref<125x80xi32, #tpu.memory_space<hbm>>) target(%arg6 : memref<125x80xi32, #tpu.memory_space<vmem>>) target_semaphore(%run_scoped3A : memref<!tpu.dma_semaphore, #tpu.memory_space<semaphore_mem>>)
      %dma_wait3A = arith.constant 0 : i32
      %dma_wait3A_55 = arith.constant 0 : i32
      %dma_wait3A_56 = tpu.memref_slice %arg3[%add3A, %dma_wait3A, %dma_wait3A_55] : memref<32x125x80xi32, #tpu.memory_space<hbm>> -> memref<1x125x80xi32, #tpu.memory_space<hbm>>
      %dma_wait3A_57 = tpu.memref_squeeze %dma_wait3A_56 : memref<1x125x80xi32, #tpu.memory_space<hbm>> -> memref<125x80xi32, #tpu.memory_space<hbm>>
      %dma_wait3A_58 = arith.constant 0 : i32
      %dma_wait3A_59 = arith.constant 0 : i32
      %dma_wait3A_60 = tpu.memref_slice %arg3[%add3A, %dma_wait3A_58, %dma_wait3A_59] : memref<32x125x80xi32, #tpu.memory_space<hbm>> -> memref<1x125x80xi32, #tpu.memory_space<hbm>>
      %dma_wait3A_61 = tpu.memref_squeeze %dma_wait3A_60 : memref<1x125x80xi32, #tpu.memory_space<hbm>> -> memref<125x80xi32, #tpu.memory_space<hbm>>
      tpu.wait_dma2 semaphore(%run_scoped3A : memref<!tpu.dma_semaphore, #tpu.memory_space<semaphore_mem>>) src(%dma_wait3A_61 : memref<125x80xi32, #tpu.memory_space<hbm>>) dst(%arg6 : memref<125x80xi32, #tpu.memory_space<vmem>>)
      tpu.yield
    }) : () -> ()
    "tpu.region"() ({
      %run_scoped3A = tpu.sem_alloc : memref<!tpu.dma_semaphore, #tpu.memory_space<semaphore_mem>>
      %dma_start3A = arith.constant 0 : i32
      %dma_start3A_48 = arith.constant 0 : i32
      %dma_start3A_49 = tpu.memref_slice %arg4[%add3A, %dma_start3A, %dma_start3A_48] : memref<32x125x80xi32, #tpu.memory_space<hbm>> -> memref<1x125x80xi32, #tpu.memory_space<hbm>>
      %dma_start3A_50 = tpu.memref_squeeze %dma_start3A_49 : memref<1x125x80xi32, #tpu.memory_space<hbm>> -> memref<125x80xi32, #tpu.memory_space<hbm>>
      %dma_start3A_51 = arith.constant 0 : i32
      %dma_start3A_52 = arith.constant 0 : i32
      %dma_start3A_53 = tpu.memref_slice %arg4[%add3A, %dma_start3A_51, %dma_start3A_52] : memref<32x125x80xi32, #tpu.memory_space<hbm>> -> memref<1x125x80xi32, #tpu.memory_space<hbm>>
      %dma_start3A_54 = tpu.memref_squeeze %dma_start3A_53 : memref<1x125x80xi32, #tpu.memory_space<hbm>> -> memref<125x80xi32, #tpu.memory_space<hbm>>
      tpu.enqueue_dma source(%dma_start3A_54 : memref<125x80xi32, #tpu.memory_space<hbm>>) target(%arg7 : memref<125x80xi32, #tpu.memory_space<vmem>>) target_semaphore(%run_scoped3A : memref<!tpu.dma_semaphore, #tpu.memory_space<semaphore_mem>>)
      %dma_wait3A = arith.constant 0 : i32
      %dma_wait3A_55 = arith.constant 0 : i32
      %dma_wait3A_56 = tpu.memref_slice %arg4[%add3A, %dma_wait3A, %dma_wait3A_55] : memref<32x125x80xi32, #tpu.memory_space<hbm>> -> memref<1x125x80xi32, #tpu.memory_space<hbm>>
      %dma_wait3A_57 = tpu.memref_squeeze %dma_wait3A_56 : memref<1x125x80xi32, #tpu.memory_space<hbm>> -> memref<125x80xi32, #tpu.memory_space<hbm>>
      %dma_wait3A_58 = arith.constant 0 : i32
      %dma_wait3A_59 = arith.constant 0 : i32
      %dma_wait3A_60 = tpu.memref_slice %arg4[%add3A, %dma_wait3A_58, %dma_wait3A_59] : memref<32x125x80xi32, #tpu.memory_space<hbm>> -> memref<1x125x80xi32, #tpu.memory_space<hbm>>
      %dma_wait3A_61 = tpu.memref_squeeze %dma_wait3A_60 : memref<1x125x80xi32, #tpu.memory_space<hbm>> -> memref<125x80xi32, #tpu.memory_space<hbm>>
      tpu.wait_dma2 semaphore(%run_scoped3A : memref<!tpu.dma_semaphore, #tpu.memory_space<semaphore_mem>>) src(%dma_wait3A_61 : memref<125x80xi32, #tpu.memory_space<hbm>>) dst(%arg7 : memref<125x80xi32, #tpu.memory_space<vmem>>)
      tpu.yield
    }) : () -> ()
    %broadcast_in_dim3A = arith.constant 0.000000e+00 : f32
    %broadcast_in_dim3A_1 = vector.broadcast %broadcast_in_dim3A : f32 to vector<16xf32>
    %scan3A = arith.constant 0 : i32
    %scan3A_2 = arith.constant 80 : i32
    %scan3A_3 = arith.addi %scan3A, %scan3A_2 : i32
    %scan3A_4 = arith.constant 1 : i32
    scf.for %scan3A_48 = %scan3A to %scan3A_3 step %scan3A_4  : i32 {
      %mul3A_49 = arith.constant 1 : i32
      %mul3A_50 = arith.muli %scan3A_48, %mul3A_49 : i32
      %add3A_51 = arith.constant 0 : i32
      %add3A_52 = arith.addi %add3A_51, %mul3A_50 : i32
      %swap3A = arith.index_cast %add3A_52 : i32 to index
      %swap3A_53 = arith.constant 0 : index
      %swap3A_54 = tpu.vector_load %arg8[%swap3A, %swap3A_53] {strides = array<i32>} : memref<80x128xf32, #tpu.memory_space<vmem>>, vector<1x16xf32>,
      %swap3A_55 = vector.shape_cast %swap3A_54 : vector<1x16xf32> to vector<16xf32>
      %swap3A_56 = vector.shape_cast %broadcast_in_dim3A_1 : vector<16xf32> to vector<1x16xf32>
      tpu.vector_store %arg8[%swap3A, %swap3A_53], %swap3A_56 {strides = array<i32>} : memref<80x128xf32, #tpu.memory_space<vmem>>, vector<1x16xf32>,
      %swap3A_57 = arith.index_cast %add3A_52 : i32 to index
      %swap3A_58 = arith.constant 16 : index
      %swap3A_59 = tpu.vector_load %arg8[%swap3A_57, %swap3A_58] {strides = array<i32>} : memref<80x128xf32, #tpu.memory_space<vmem>>, vector<1x16xf32>,
      %swap3A_60 = vector.shape_cast %swap3A_59 : vector<1x16xf32> to vector<16xf32>
      %swap3A_61 = vector.shape_cast %broadcast_in_dim3A_1 : vector<16xf32> to vector<1x16xf32>
      tpu.vector_store %arg8[%swap3A_57, %swap3A_58], %swap3A_61 {strides = array<i32>} : memref<80x128xf32, #tpu.memory_space<vmem>>, vector<1x16xf32>,
      %swap3A_62 = arith.index_cast %add3A_52 : i32 to index
      %swap3A_63 = arith.constant 32 : index
      %swap3A_64 = tpu.vector_load %arg8[%swap3A_62, %swap3A_63] {strides = array<i32>} : memref<80x128xf32, #tpu.memory_space<vmem>>, vector<1x16xf32>,
      %swap3A_65 = vector.shape_cast %swap3A_64 : vector<1x16xf32> to vector<16xf32>
      %swap3A_66 = vector.shape_cast %broadcast_in_dim3A_1 : vector<16xf32> to vector<1x16xf32>
      tpu.vector_store %arg8[%swap3A_62, %swap3A_63], %swap3A_66 {strides = array<i32>} : memref<80x128xf32, #tpu.memory_space<vmem>>, vector<1x16xf32>,
      %swap3A_67 = arith.index_cast %add3A_52 : i32 to index
      %swap3A_68 = arith.constant 48 : index
      %swap3A_69 = tpu.vector_load %arg8[%swap3A_67, %swap3A_68] {strides = array<i32>} : memref<80x128xf32, #tpu.memory_space<vmem>>, vector<1x16xf32>,
      %swap3A_70 = vector.shape_cast %swap3A_69 : vector<1x16xf32> to vector<16xf32>
      %swap3A_71 = vector.shape_cast %broadcast_in_dim3A_1 : vector<16xf32> to vector<1x16xf32>
      tpu.vector_store %arg8[%swap3A_67, %swap3A_68], %swap3A_71 {strides = array<i32>} : memref<80x128xf32, #tpu.memory_space<vmem>>, vector<1x16xf32>,
      %swap3A_72 = arith.index_cast %add3A_52 : i32 to index
      %swap3A_73 = arith.constant 64 : index
      %swap3A_74 = tpu.vector_load %arg8[%swap3A_72, %swap3A_73] {strides = array<i32>} : memref<80x128xf32, #tpu.memory_space<vmem>>, vector<1x16xf32>,
      %swap3A_75 = vector.shape_cast %swap3A_74 : vector<1x16xf32> to vector<16xf32>
      %swap3A_76 = vector.shape_cast %broadcast_in_dim3A_1 : vector<16xf32> to vector<1x16xf32>
      tpu.vector_store %arg8[%swap3A_72, %swap3A_73], %swap3A_76 {strides = array<i32>} : memref<80x128xf32, #tpu.memory_space<vmem>>, vector<1x16xf32>,
      %swap3A_77 = arith.index_cast %add3A_52 : i32 to index
      %swap3A_78 = arith.constant 80 : index
      %swap3A_79 = tpu.vector_load %arg8[%swap3A_77, %swap3A_78] {strides = array<i32>} : memref<80x128xf32, #tpu.memory_space<vmem>>, vector<1x16xf32>,
      %swap3A_80 = vector.shape_cast %swap3A_79 : vector<1x16xf32> to vector<16xf32>
      %swap3A_81 = vector.shape_cast %broadcast_in_dim3A_1 : vector<16xf32> to vector<1x16xf32>
      tpu.vector_store %arg8[%swap3A_77, %swap3A_78], %swap3A_81 {strides = array<i32>} : memref<80x128xf32, #tpu.memory_space<vmem>>, vector<1x16xf32>,
      %swap3A_82 = arith.index_cast %add3A_52 : i32 to index
      %swap3A_83 = arith.constant 96 : index
      %swap3A_84 = tpu.vector_load %arg8[%swap3A_82, %swap3A_83] {strides = array<i32>} : memref<80x128xf32, #tpu.memory_space<vmem>>, vector<1x16xf32>,
      %swap3A_85 = vector.shape_cast %swap3A_84 : vector<1x16xf32> to vector<16xf32>
      %swap3A_86 = vector.shape_cast %broadcast_in_dim3A_1 : vector<16xf32> to vector<1x16xf32>
      tpu.vector_store %arg8[%swap3A_82, %swap3A_83], %swap3A_86 {strides = array<i32>} : memref<80x128xf32, #tpu.memory_space<vmem>>, vector<1x16xf32>,
      %swap3A_87 = arith.index_cast %add3A_52 : i32 to index
      %swap3A_88 = arith.constant 112 : index
      %swap3A_89 = tpu.vector_load %arg8[%swap3A_87, %swap3A_88] {strides = array<i32>} : memref<80x128xf32, #tpu.memory_space<vmem>>, vector<1x16xf32>,
      %swap3A_90 = vector.shape_cast %swap3A_89 : vector<1x16xf32> to vector<16xf32>
      %swap3A_91 = vector.shape_cast %broadcast_in_dim3A_1 : vector<16xf32> to vector<1x16xf32>
      tpu.vector_store %arg8[%swap3A_87, %swap3A_88], %swap3A_91 {strides = array<i32>} : memref<80x128xf32, #tpu.memory_space<vmem>>, vector<1x16xf32>,
    }
    %scan3A_5 = arith.constant 80 : i32
    %mul3A_6 = arith.constant 640 : i32
    %mul3A_7 = arith.muli %arg1, %mul3A_6 : i32
    %add3A_8 = arith.constant 0 : i32
    %add3A_9 = arith.addi %mul3A_7, %add3A_8 : i32
    "tpu.region"() ({
      %run_scoped3A = tpu.sem_alloc : memref<!tpu.dma_semaphore, #tpu.memory_space<semaphore_mem>>
      %dma_start3A = arith.constant 0 : i32
      %dma_start3A_48 = tpu.memref_slice %arg9[%add3A_9, %dma_start3A] : memref<10240x128xf32, #tpu.memory_space<vmem_shared>> -> memref<80x128xf32, #tpu.memory_space<vmem_shared>>
      %dma_start3A_49 = arith.constant 0 : i32
      %dma_start3A_50 = tpu.memref_slice %arg9[%add3A_9, %dma_start3A_49] : memref<10240x128xf32, #tpu.memory_space<vmem_shared>> -> memref<80x128xf32, #tpu.memory_space<vmem_shared>>
      tpu.enqueue_dma source(%arg8 : memref<80x128xf32, #tpu.memory_space<vmem>>) target(%dma_start3A_50 : memref<80x128xf32, #tpu.memory_space<vmem_shared>>) target_semaphore(%run_scoped3A : memref<!tpu.dma_semaphore, #tpu.memory_space<semaphore_mem>>)
      %dma_wait3A = arith.constant 0 : i32
      %dma_wait3A_51 = tpu.memref_slice %arg9[%add3A_9, %dma_wait3A] : memref<10240x128xf32, #tpu.memory_space<vmem_shared>> -> memref<80x128xf32, #tpu.memory_space<vmem_shared>>
      %dma_wait3A_52 = arith.constant 0 : i32
      %dma_wait3A_53 = tpu.memref_slice %arg9[%add3A_9, %dma_wait3A_52] : memref<10240x128xf32, #tpu.memory_space<vmem_shared>> -> memref<80x128xf32, #tpu.memory_space<vmem_shared>>
      tpu.wait_dma2 semaphore(%run_scoped3A : memref<!tpu.dma_semaphore, #tpu.memory_space<semaphore_mem>>) src(%arg8 : memref<80x128xf32, #tpu.memory_space<vmem>>) dst(%dma_wait3A_53 : memref<80x128xf32, #tpu.memory_space<vmem_shared>>)
      tpu.yield
    }) : () -> ()
    %mul3A_10 = arith.constant 640 : i32
    %mul3A_11 = arith.muli %arg1, %mul3A_10 : i32
    %add3A_12 = arith.constant 80 : i32
    %add3A_13 = arith.addi %mul3A_11, %add3A_12 : i32
    "tpu.region"() ({
      %run_scoped3A = tpu.sem_alloc : memref<!tpu.dma_semaphore, #tpu.memory_space<semaphore_mem>>
      %dma_start3A = arith.constant 0 : i32
      %dma_start3A_48 = tpu.memref_slice %arg9[%add3A_13, %dma_start3A] : memref<10240x128xf32, #tpu.memory_space<vmem_shared>> -> memref<80x128xf32, #tpu.memory_space<vmem_shared>>
      %dma_start3A_49 = arith.constant 0 : i32
      %dma_start3A_50 = tpu.memref_slice %arg9[%add3A_13, %dma_start3A_49] : memref<10240x128xf32, #tpu.memory_space<vmem_shared>> -> memref<80x128xf32, #tpu.memory_space<vmem_shared>>
      tpu.enqueue_dma source(%arg8 : memref<80x128xf32, #tpu.memory_space<vmem>>) target(%dma_start3A_50 : memref<80x128xf32, #tpu.memory_space<vmem_shared>>) target_semaphore(%run_scoped3A : memref<!tpu.dma_semaphore, #tpu.memory_space<semaphore_mem>>)
      %dma_wait3A = arith.constant 0 : i32
      %dma_wait3A_51 = tpu.memref_slice %arg9[%add3A_13, %dma_wait3A] : memref<10240x128xf32, #tpu.memory_space<vmem_shared>> -> memref<80x128xf32, #tpu.memory_space<vmem_shared>>
      %dma_wait3A_52 = arith.constant 0 : i32
      %dma_wait3A_53 = tpu.memref_slice %arg9[%add3A_13, %dma_wait3A_52] : memref<10240x128xf32, #tpu.memory_space<vmem_shared>> -> memref<80x128xf32, #tpu.memory_space<vmem_shared>>
      tpu.wait_dma2 semaphore(%run_scoped3A : memref<!tpu.dma_semaphore, #tpu.memory_space<semaphore_mem>>) src(%arg8 : memref<80x128xf32, #tpu.memory_space<vmem>>) dst(%dma_wait3A_53 : memref<80x128xf32, #tpu.memory_space<vmem_shared>>)
      tpu.yield
    }) : () -> ()
    %mul3A_14 = arith.constant 640 : i32
    %mul3A_15 = arith.muli %arg1, %mul3A_14 : i32
    %add3A_16 = arith.constant 160 : i32
    %add3A_17 = arith.addi %mul3A_15, %add3A_16 : i32
    "tpu.region"() ({
      %run_scoped3A = tpu.sem_alloc : memref<!tpu.dma_semaphore, #tpu.memory_space<semaphore_mem>>
      %dma_start3A = arith.constant 0 : i32
      %dma_start3A_48 = tpu.memref_slice %arg9[%add3A_17, %dma_start3A] : memref<10240x128xf32, #tpu.memory_space<vmem_shared>> -> memref<80x128xf32, #tpu.memory_space<vmem_shared>>
      %dma_start3A_49 = arith.constant 0 : i32
      %dma_start3A_50 = tpu.memref_slice %arg9[%add3A_17, %dma_start3A_49] : memref<10240x128xf32, #tpu.memory_space<vmem_shared>> -> memref<80x128xf32, #tpu.memory_space<vmem_shared>>
      tpu.enqueue_dma source(%arg8 : memref<80x128xf32, #tpu.memory_space<vmem>>) target(%dma_start3A_50 : memref<80x128xf32, #tpu.memory_space<vmem_shared>>) target_semaphore(%run_scoped3A : memref<!tpu.dma_semaphore, #tpu.memory_space<semaphore_mem>>)
      %dma_wait3A = arith.constant 0 : i32
      %dma_wait3A_51 = tpu.memref_slice %arg9[%add3A_17, %dma_wait3A] : memref<10240x128xf32, #tpu.memory_space<vmem_shared>> -> memref<80x128xf32, #tpu.memory_space<vmem_shared>>
      %dma_wait3A_52 = arith.constant 0 : i32
      %dma_wait3A_53 = tpu.memref_slice %arg9[%add3A_17, %dma_wait3A_52] : memref<10240x128xf32, #tpu.memory_space<vmem_shared>> -> memref<80x128xf32, #tpu.memory_space<vmem_shared>>
      tpu.wait_dma2 semaphore(%run_scoped3A : memref<!tpu.dma_semaphore, #tpu.memory_space<semaphore_mem>>) src(%arg8 : memref<80x128xf32, #tpu.memory_space<vmem>>) dst(%dma_wait3A_53 : memref<80x128xf32, #tpu.memory_space<vmem_shared>>)
      tpu.yield
    }) : () -> ()
    %mul3A_18 = arith.constant 640 : i32
    %mul3A_19 = arith.muli %arg1, %mul3A_18 : i32
    %add3A_20 = arith.constant 240 : i32
    %add3A_21 = arith.addi %mul3A_19, %add3A_20 : i32
    "tpu.region"() ({
      %run_scoped3A = tpu.sem_alloc : memref<!tpu.dma_semaphore, #tpu.memory_space<semaphore_mem>>
      %dma_start3A = arith.constant 0 : i32
      %dma_start3A_48 = tpu.memref_slice %arg9[%add3A_21, %dma_start3A] : memref<10240x128xf32, #tpu.memory_space<vmem_shared>> -> memref<80x128xf32, #tpu.memory_space<vmem_shared>>
      %dma_start3A_49 = arith.constant 0 : i32
      %dma_start3A_50 = tpu.memref_slice %arg9[%add3A_21, %dma_start3A_49] : memref<10240x128xf32, #tpu.memory_space<vmem_shared>> -> memref<80x128xf32, #tpu.memory_space<vmem_shared>>
      tpu.enqueue_dma source(%arg8 : memref<80x128xf32, #tpu.memory_space<vmem>>) target(%dma_start3A_50 : memref<80x128xf32, #tpu.memory_space<vmem_shared>>) target_semaphore(%run_scoped3A : memref<!tpu.dma_semaphore, #tpu.memory_space<semaphore_mem>>)
      %dma_wait3A = arith.constant 0 : i32
      %dma_wait3A_51 = tpu.memref_slice %arg9[%add3A_21, %dma_wait3A] : memref<10240x128xf32, #tpu.memory_space<vmem_shared>> -> memref<80x128xf32, #tpu.memory_space<vmem_shared>>
      %dma_wait3A_52 = arith.constant 0 : i32
      %dma_wait3A_53 = tpu.memref_slice %arg9[%add3A_21, %dma_wait3A_52] : memref<10240x128xf32, #tpu.memory_space<vmem_shared>> -> memref<80x128xf32, #tpu.memory_space<vmem_shared>>
      tpu.wait_dma2 semaphore(%run_scoped3A : memref<!tpu.dma_semaphore, #tpu.memory_space<semaphore_mem>>) src(%arg8 : memref<80x128xf32, #tpu.memory_space<vmem>>) dst(%dma_wait3A_53 : memref<80x128xf32, #tpu.memory_space<vmem_shared>>)
      tpu.yield
    }) : () -> ()
    %mul3A_22 = arith.constant 640 : i32
    %mul3A_23 = arith.muli %arg1, %mul3A_22 : i32
    %add3A_24 = arith.constant 320 : i32
    %add3A_25 = arith.addi %mul3A_23, %add3A_24 : i32
    "tpu.region"() ({
      %run_scoped3A = tpu.sem_alloc : memref<!tpu.dma_semaphore, #tpu.memory_space<semaphore_mem>>
      %dma_start3A = arith.constant 0 : i32
      %dma_start3A_48 = tpu.memref_slice %arg9[%add3A_25, %dma_start3A] : memref<10240x128xf32, #tpu.memory_space<vmem_shared>> -> memref<80x128xf32, #tpu.memory_space<vmem_shared>>
      %dma_start3A_49 = arith.constant 0 : i32
      %dma_start3A_50 = tpu.memref_slice %arg9[%add3A_25, %dma_start3A_49] : memref<10240x128xf32, #tpu.memory_space<vmem_shared>> -> memref<80x128xf32, #tpu.memory_space<vmem_shared>>
      tpu.enqueue_dma source(%arg8 : memref<80x128xf32, #tpu.memory_space<vmem>>) target(%dma_start3A_50 : memref<80x128xf32, #tpu.memory_space<vmem_shared>>) target_semaphore(%run_scoped3A : memref<!tpu.dma_semaphore, #tpu.memory_space<semaphore_mem>>)
      %dma_wait3A = arith.constant 0 : i32
      %dma_wait3A_51 = tpu.memref_slice %arg9[%add3A_25, %dma_wait3A] : memref<10240x128xf32, #tpu.memory_space<vmem_shared>> -> memref<80x128xf32, #tpu.memory_space<vmem_shared>>
      %dma_wait3A_52 = arith.constant 0 : i32
      %dma_wait3A_53 = tpu.memref_slice %arg9[%add3A_25, %dma_wait3A_52] : memref<10240x128xf32, #tpu.memory_space<vmem_shared>> -> memref<80x128xf32, #tpu.memory_space<vmem_shared>>
      tpu.wait_dma2 semaphore(%run_scoped3A : memref<!tpu.dma_semaphore, #tpu.memory_space<semaphore_mem>>) src(%arg8 : memref<80x128xf32, #tpu.memory_space<vmem>>) dst(%dma_wait3A_53 : memref<80x128xf32, #tpu.memory_space<vmem_shared>>)
      tpu.yield
    }) : () -> ()
    %mul3A_26 = arith.constant 640 : i32
    %mul3A_27 = arith.muli %arg1, %mul3A_26 : i32
    %add3A_28 = arith.constant 400 : i32
    %add3A_29 = arith.addi %mul3A_27, %add3A_28 : i32
    "tpu.region"() ({
      %run_scoped3A = tpu.sem_alloc : memref<!tpu.dma_semaphore, #tpu.memory_space<semaphore_mem>>
      %dma_start3A = arith.constant 0 : i32
      %dma_start3A_48 = tpu.memref_slice %arg9[%add3A_29, %dma_start3A] : memref<10240x128xf32, #tpu.memory_space<vmem_shared>> -> memref<80x128xf32, #tpu.memory_space<vmem_shared>>
      %dma_start3A_49 = arith.constant 0 : i32
      %dma_start3A_50 = tpu.memref_slice %arg9[%add3A_29, %dma_start3A_49] : memref<10240x128xf32, #tpu.memory_space<vmem_shared>> -> memref<80x128xf32, #tpu.memory_space<vmem_shared>>
      tpu.enqueue_dma source(%arg8 : memref<80x128xf32, #tpu.memory_space<vmem>>) target(%dma_start3A_50 : memref<80x128xf32, #tpu.memory_space<vmem_shared>>) target_semaphore(%run_scoped3A : memref<!tpu.dma_semaphore, #tpu.memory_space<semaphore_mem>>)
      %dma_wait3A = arith.constant 0 : i32
      %dma_wait3A_51 = tpu.memref_slice %arg9[%add3A_29, %dma_wait3A] : memref<10240x128xf32, #tpu.memory_space<vmem_shared>> -> memref<80x128xf32, #tpu.memory_space<vmem_shared>>
      %dma_wait3A_52 = arith.constant 0 : i32
      %dma_wait3A_53 = tpu.memref_slice %arg9[%add3A_29, %dma_wait3A_52] : memref<10240x128xf32, #tpu.memory_space<vmem_shared>> -> memref<80x128xf32, #tpu.memory_space<vmem_shared>>
      tpu.wait_dma2 semaphore(%run_scoped3A : memref<!tpu.dma_semaphore, #tpu.memory_space<semaphore_mem>>) src(%arg8 : memref<80x128xf32, #tpu.memory_space<vmem>>) dst(%dma_wait3A_53 : memref<80x128xf32, #tpu.memory_space<vmem_shared>>)
      tpu.yield
    }) : () -> ()
    %mul3A_30 = arith.constant 640 : i32
    %mul3A_31 = arith.muli %arg1, %mul3A_30 : i32
    %add3A_32 = arith.constant 480 : i32
    %add3A_33 = arith.addi %mul3A_31, %add3A_32 : i32
    "tpu.region"() ({
      %run_scoped3A = tpu.sem_alloc : memref<!tpu.dma_semaphore, #tpu.memory_space<semaphore_mem>>
      %dma_start3A = arith.constant 0 : i32
      %dma_start3A_48 = tpu.memref_slice %arg9[%add3A_33, %dma_start3A] : memref<10240x128xf32, #tpu.memory_space<vmem_shared>> -> memref<80x128xf32, #tpu.memory_space<vmem_shared>>
      %dma_start3A_49 = arith.constant 0 : i32
      %dma_start3A_50 = tpu.memref_slice %arg9[%add3A_33, %dma_start3A_49] : memref<10240x128xf32, #tpu.memory_space<vmem_shared>> -> memref<80x128xf32, #tpu.memory_space<vmem_shared>>
      tpu.enqueue_dma source(%arg8 : memref<80x128xf32, #tpu.memory_space<vmem>>) target(%dma_start3A_50 : memref<80x128xf32, #tpu.memory_space<vmem_shared>>) target_semaphore(%run_scoped3A : memref<!tpu.dma_semaphore, #tpu.memory_space<semaphore_mem>>)
      %dma_wait3A = arith.constant 0 : i32
      %dma_wait3A_51 = tpu.memref_slice %arg9[%add3A_33, %dma_wait3A] : memref<10240x128xf32, #tpu.memory_space<vmem_shared>> -> memref<80x128xf32, #tpu.memory_space<vmem_shared>>
      %dma_wait3A_52 = arith.constant 0 : i32
      %dma_wait3A_53 = tpu.memref_slice %arg9[%add3A_33, %dma_wait3A_52] : memref<10240x128xf32, #tpu.memory_space<vmem_shared>> -> memref<80x128xf32, #tpu.memory_space<vmem_shared>>
      tpu.wait_dma2 semaphore(%run_scoped3A : memref<!tpu.dma_semaphore, #tpu.memory_space<semaphore_mem>>) src(%arg8 : memref<80x128xf32, #tpu.memory_space<vmem>>) dst(%dma_wait3A_53 : memref<80x128xf32, #tpu.memory_space<vmem_shared>>)
      tpu.yield
    }) : () -> ()
    %mul3A_34 = arith.constant 640 : i32
    %mul3A_35 = arith.muli %arg1, %mul3A_34 : i32
    %add3A_36 = arith.constant 560 : i32
    %add3A_37 = arith.addi %mul3A_35, %add3A_36 : i32
    "tpu.region"() ({
      %run_scoped3A = tpu.sem_alloc : memref<!tpu.dma_semaphore, #tpu.memory_space<semaphore_mem>>
      %dma_start3A = arith.constant 0 : i32
      %dma_start3A_48 = tpu.memref_slice %arg9[%add3A_37, %dma_start3A] : memref<10240x128xf32, #tpu.memory_space<vmem_shared>> -> memref<80x128xf32, #tpu.memory_space<vmem_shared>>
      %dma_start3A_49 = arith.constant 0 : i32
      %dma_start3A_50 = tpu.memref_slice %arg9[%add3A_37, %dma_start3A_49] : memref<10240x128xf32, #tpu.memory_space<vmem_shared>> -> memref<80x128xf32, #tpu.memory_space<vmem_shared>>
      tpu.enqueue_dma source(%arg8 : memref<80x128xf32, #tpu.memory_space<vmem>>) target(%dma_start3A_50 : memref<80x128xf32, #tpu.memory_space<vmem_shared>>) target_semaphore(%run_scoped3A : memref<!tpu.dma_semaphore, #tpu.memory_space<semaphore_mem>>)
      %dma_wait3A = arith.constant 0 : i32
      %dma_wait3A_51 = tpu.memref_slice %arg9[%add3A_37, %dma_wait3A] : memref<10240x128xf32, #tpu.memory_space<vmem_shared>> -> memref<80x128xf32, #tpu.memory_space<vmem_shared>>
      %dma_wait3A_52 = arith.constant 0 : i32
      %dma_wait3A_53 = tpu.memref_slice %arg9[%add3A_37, %dma_wait3A_52] : memref<10240x128xf32, #tpu.memory_space<vmem_shared>> -> memref<80x128xf32, #tpu.memory_space<vmem_shared>>
      tpu.wait_dma2 semaphore(%run_scoped3A : memref<!tpu.dma_semaphore, #tpu.memory_space<semaphore_mem>>) src(%arg8 : memref<80x128xf32, #tpu.memory_space<vmem>>) dst(%dma_wait3A_53 : memref<80x128xf32, #tpu.memory_space<vmem_shared>>)
      tpu.yield
    }) : () -> ()
    %barrier3A = arith.constant 0 : index
    tpu.barrier barrier_id(%barrier3A)
    %scan3A_38 = arith.constant 0 : i32
    %scan3A_39 = arith.constant 125 : i32
    %scan3A_40 = arith.addi %scan3A_38, %scan3A_39 : i32
    %scan3A_41 = arith.constant 1 : i32
    scf.for %scan3A_48 = %scan3A_38 to %scan3A_40 step %scan3A_41  : i32 {
      %mul3A_49 = arith.constant 1 : i32
      %mul3A_50 = arith.muli %scan3A_48, %mul3A_49 : i32
      %add3A_51 = arith.constant 0 : i32
      %add3A_52 = arith.addi %add3A_51, %mul3A_50 : i32
      "tpu.region"() ({
        %run_scoped3A = tpu.sem_alloc : memref<!tpu.dma_semaphore, #tpu.memory_space<semaphore_mem>>
        %dma_start3A = arith.constant 0 : i32
        %dma_start3A_53 = tpu.memref_slice %arg6[%add3A_52, %dma_start3A] : memref<125x80xi32, #tpu.memory_space<vmem>> -> memref<1x80xi32, #tpu.memory_space<vmem>>
        %dma_start3A_54 = tpu.memref_squeeze %dma_start3A_53 : memref<1x80xi32, #tpu.memory_space<vmem>> -> memref<80xi32, #tpu.memory_space<vmem>>
        %dma_start3A_55 = arith.constant 0 : i32
        %dma_start3A_56 = arith.constant 0 : i32
        %dma_start3A_57 = tpu.memref_slice %arg2[%dma_start3A_55, %dma_start3A_56] : memref<10000x128xf32, #tpu.memory_space<hbm>> -> memref<10000x128xf32, #tpu.memory_space<hbm>>
        tpu.enqueue_indirect_dma source(%dma_start3A_57 : memref<10000x128xf32, #tpu.memory_space<hbm>>) target(%arg8 : memref<80x128xf32, #tpu.memory_space<vmem>>) offsets(%dma_start3A_54 : memref<80xi32, #tpu.memory_space<vmem>>) semaphore(%run_scoped3A : memref<!tpu.dma_semaphore, #tpu.memory_space<semaphore_mem>>)
        %dma_wait3A = arith.constant 0 : i32
        %dma_wait3A_58 = tpu.memref_slice %arg6[%add3A_52, %dma_wait3A] : memref<125x80xi32, #tpu.memory_space<vmem>> -> memref<1x80xi32, #tpu.memory_space<vmem>>
        %dma_wait3A_59 = tpu.memref_squeeze %dma_wait3A_58 : memref<1x80xi32, #tpu.memory_space<vmem>> -> memref<80xi32, #tpu.memory_space<vmem>>
        %dma_wait3A_60 = arith.constant 0 : i32
        %dma_wait3A_61 = arith.constant 0 : i32
        %dma_wait3A_62 = tpu.memref_slice %arg2[%dma_wait3A_60, %dma_wait3A_61] : memref<10000x128xf32, #tpu.memory_space<hbm>> -> memref<10000x128xf32, #tpu.memory_space<hbm>>
        tpu.wait_indirect_dma semaphore(%run_scoped3A : memref<!tpu.dma_semaphore, #tpu.memory_space<semaphore_mem>>) src(%dma_wait3A_62 : memref<10000x128xf32, #tpu.memory_space<hbm>>) dst(%arg8 : memref<80x128xf32, #tpu.memory_space<vmem>>)
        tpu.yield
      }) : () -> ()
      "tpu.region"() ({
        %run_scoped3A = tpu.sem_alloc : memref<!tpu.dma_semaphore, #tpu.memory_space<semaphore_mem>>
        %dma_start3A = arith.constant 0 : i32
        %dma_start3A_53 = tpu.memref_slice %arg7[%add3A_52, %dma_start3A] : memref<125x80xi32, #tpu.memory_space<vmem>> -> memref<1x80xi32, #tpu.memory_space<vmem>>
        %dma_start3A_54 = tpu.memref_squeeze %dma_start3A_53 : memref<1x80xi32, #tpu.memory_space<vmem>> -> memref<80xi32, #tpu.memory_space<vmem>>
        %dma_start3A_55 = arith.constant 0 : i32
        %dma_start3A_56 = arith.constant 0 : i32
        %dma_start3A_57 = tpu.memref_slice %arg9[%dma_start3A_55, %dma_start3A_56] : memref<10240x128xf32, #tpu.memory_space<vmem_shared>> -> memref<10240x128xf32, #tpu.memory_space<vmem_shared>>
        tpu.enqueue_indirect_dma source(%arg8 : memref<80x128xf32, #tpu.memory_space<vmem>>) target(%dma_start3A_57 : memref<10240x128xf32, #tpu.memory_space<vmem_shared>>) offsets(%dma_start3A_54 : memref<80xi32, #tpu.memory_space<vmem>>) semaphore(%run_scoped3A : memref<!tpu.dma_semaphore, #tpu.memory_space<semaphore_mem>>) {add = true}
        %dma_wait3A = arith.constant 0 : i32
        %dma_wait3A_58 = tpu.memref_slice %arg7[%add3A_52, %dma_wait3A] : memref<125x80xi32, #tpu.memory_space<vmem>> -> memref<1x80xi32, #tpu.memory_space<vmem>>
        %dma_wait3A_59 = tpu.memref_squeeze %dma_wait3A_58 : memref<1x80xi32, #tpu.memory_space<vmem>> -> memref<80xi32, #tpu.memory_space<vmem>>
        %dma_wait3A_60 = arith.constant 0 : i32
        %dma_wait3A_61 = arith.constant 0 : i32
        %dma_wait3A_62 = tpu.memref_slice %arg9[%dma_wait3A_60, %dma_wait3A_61] : memref<10240x128xf32, #tpu.memory_space<vmem_shared>> -> memref<10240x128xf32, #tpu.memory_space<vmem_shared>>
        tpu.wait_indirect_dma semaphore(%run_scoped3A : memref<!tpu.dma_semaphore, #tpu.memory_space<semaphore_mem>>) src(%arg8 : memref<80x128xf32, #tpu.memory_space<vmem>>) dst(%dma_wait3A_62 : memref<10240x128xf32, #tpu.memory_space<vmem_shared>>)
        tpu.yield
      }) : () -> ()
    }
    %scan3A_42 = arith.constant 125 : i32
    %barrier3A_43 = arith.constant 0 : index
    tpu.barrier barrier_id(%barrier3A_43)
    %mul3A_44 = arith.constant 640 : i32
    %mul3A_45 = arith.muli %arg1, %mul3A_44 : i32
    %mul3A_46 = arith.constant 640 : i32
    %mul3A_47 = arith.muli %arg1, %mul3A_46 : i32
    "tpu.region"() ({
      %run_scoped3A = tpu.sem_alloc : memref<!tpu.dma_semaphore, #tpu.memory_space<semaphore_mem>>
      %dma_start3A = arith.constant 0 : i32
      %dma_start3A_48 = arith.constant 0 : i32
      %dma_start3A_49 = tpu.memref_slice %arg5[%arg0, %dma_start3A, %dma_start3A_48] : memref<2x10240x128xf32, #tpu.memory_space<hbm>> -> memref<1x10240x128xf32, #tpu.memory_space<hbm>>
      %dma_start3A_50 = tpu.memref_squeeze %dma_start3A_49 : memref<1x10240x128xf32, #tpu.memory_space<hbm>> -> memref<10240x128xf32, #tpu.memory_space<hbm>>
      %dma_start3A_51 = arith.constant 0 : i32
      %dma_start3A_52 = tpu.memref_slice %dma_start3A_50[%mul3A_47, %dma_start3A_51] : memref<10240x128xf32, #tpu.memory_space<hbm>> -> memref<640x128xf32, #tpu.memory_space<hbm>>
      %dma_start3A_53 = arith.constant 0 : i32
      %dma_start3A_54 = tpu.memref_slice %arg9[%mul3A_45, %dma_start3A_53] : memref<10240x128xf32, #tpu.memory_space<vmem_shared>> -> memref<640x128xf32, #tpu.memory_space<vmem_shared>>
      tpu.enqueue_dma source(%dma_start3A_54 : memref<640x128xf32, #tpu.memory_space<vmem_shared>>) target(%dma_start3A_52 : memref<640x128xf32, #tpu.memory_space<hbm>>) target_semaphore(%run_scoped3A : memref<!tpu.dma_semaphore, #tpu.memory_space<semaphore_mem>>)
      %dma_wait3A = arith.constant 0 : i32
      %dma_wait3A_55 = arith.constant 0 : i32
      %dma_wait3A_56 = tpu.memref_slice %arg5[%arg0, %dma_wait3A, %dma_wait3A_55] : memref<2x10240x128xf32, #tpu.memory_space<hbm>> -> memref<1x10240x128xf32, #tpu.memory_space<hbm>>
      %dma_wait3A_57 = tpu.memref_squeeze %dma_wait3A_56 : memref<1x10240x128xf32, #tpu.memory_space<hbm>> -> memref<10240x128xf32, #tpu.memory_space<hbm>>
      %dma_wait3A_58 = arith.constant 0 : i32
      %dma_wait3A_59 = tpu.memref_slice %dma_wait3A_57[%mul3A_47, %dma_wait3A_58] : memref<10240x128xf32, #tpu.memory_space<hbm>> -> memref<640x128xf32, #tpu.memory_space<hbm>>
      %dma_wait3A_60 = arith.constant 0 : i32
      %dma_wait3A_61 = tpu.memref_slice %arg9[%mul3A_45, %dma_wait3A_60] : memref<10240x128xf32, #tpu.memory_space<vmem_shared>> -> memref<640x128xf32, #tpu.memory_space<vmem_shared>>
      tpu.wait_dma2 semaphore(%run_scoped3A : memref<!tpu.dma_semaphore, #tpu.memory_space<semaphore_mem>>) src(%dma_wait3A_61 : memref<640x128xf32, #tpu.memory_space<vmem_shared>>) dst(%dma_wait3A_59 : memref<640x128xf32, #tpu.memory_space<hbm>>)
      tpu.yield
    }) : () -> ()
    return
  }
}

#map = affine_map<(d0, d1) -> (0, 0)>
#map1 = affine_map<(d0, d1) -> (0, 0, 0)>
module attributes {stable_mosaic.version = 14 : i64} {
  func.func @_scat_kernel(%arg0: i32, %arg1: i32, %arg2: memref<10000x128xf32, #tpu.memory_space<hbm>>, %arg3: memref<32x125x80xi32, #tpu.memory_space<hbm>>, %arg4: memref<32x125x80xi32, #tpu.memory_space<hbm>>, %arg5: memref<2x10240x128xf32, #tpu.memory_space<hbm>>, %arg6: memref<125x80xi32, #tpu.memory_space<vmem>>, %arg7: memref<125x80xi32, #tpu.memory_space<vmem>>, %arg8: memref<80x128xf32, #tpu.memory_space<vmem>>, %arg9: memref<10240x128xf32, #tpu.memory_space<vmem_shared>>) attributes {dimension_semantics = [#tpu.dimension_semantics<core_parallel>, #tpu.dimension_semantics<subcore_parallel>], iteration_bounds = array<i64: 2, 16>, scalar_prefetch = 0 : i64, scratch_operands = 4 : i64, tpu.core_type = #tpu.core_type<sc_vector_subcore>, window_params = [{transform_indices = #map}, {transform_indices = #map1}, {transform_indices = #map1}, {transform_indices = #map1}]} {
    %mul3A = arith.constant 16 : i32
    %mul3A_0 = arith.muli %arg0, %mul3A : i32
    %add3A = arith.addi %mul3A_0, %arg1 : i32
    "tpu.region"() ({
      %run_scoped3A = tpu.sem_alloc : memref<!tpu.dma_semaphore, #tpu.memory_space<semaphore_mem>>
      %dma_start3A = arith.constant 0 : i32
      %dma_start3A_48 = arith.constant 0 : i32
      %dma_start3A_49 = tpu.memref_slice %arg3[%add3A, %dma_start3A, %dma_start3A_48] : memref<32x125x80xi32, #tpu.memory_space<hbm>> -> memref<1x125x80xi32, #tpu.memory_space<hbm>>
      %dma_start3A_50 = tpu.memref_squeeze %dma_start3A_49 : memref<1x125x80xi32, #tpu.memory_space<hbm>> -> memref<125x80xi32, #tpu.memory_space<hbm>>
      %dma_start3A_51 = arith.constant 0 : i32
      %dma_start3A_52 = arith.constant 0 : i32
      %dma_start3A_53 = tpu.memref_slice %arg3[%add3A, %dma_start3A_51, %dma_start3A_52] : memref<32x125x80xi32, #tpu.memory_space<hbm>> -> memref<1x125x80xi32, #tpu.memory_space<hbm>>
      %dma_start3A_54 = tpu.memref_squeeze %dma_start3A_53 : memref<1x125x80xi32, #tpu.memory_space<hbm>> -> memref<125x80xi32, #tpu.memory_space<hbm>>
      tpu.enqueue_dma source(%dma_start3A_54 : memref<125x80xi32, #tpu.memory_space<hbm>>) target(%arg6 : memref<125x80xi32, #tpu.memory_space<vmem>>) target_semaphore(%run_scoped3A : memref<!tpu.dma_semaphore, #tpu.memory_space<semaphore_mem>>)
      %dma_wait3A = arith.constant 0 : i32
      %dma_wait3A_55 = arith.constant 0 : i32
      %dma_wait3A_56 = tpu.memref_slice %arg3[%add3A, %dma_wait3A, %dma_wait3A_55] : memref<32x125x80xi32, #tpu.memory_space<hbm>> -> memref<1x125x80xi32, #tpu.memory_space<hbm>>
      %dma_wait3A_57 = tpu.memref_squeeze %dma_wait3A_56 : memref<1x125x80xi32, #tpu.memory_space<hbm>> -> memref<125x80xi32, #tpu.memory_space<hbm>>
      %dma_wait3A_58 = arith.constant 0 : i32
      %dma_wait3A_59 = arith.constant 0 : i32
      %dma_wait3A_60 = tpu.memref_slice %arg3[%add3A, %dma_wait3A_58, %dma_wait3A_59] : memref<32x125x80xi32, #tpu.memory_space<hbm>> -> memref<1x125x80xi32, #tpu.memory_space<hbm>>
      %dma_wait3A_61 = tpu.memref_squeeze %dma_wait3A_60 : memref<1x125x80xi32, #tpu.memory_space<hbm>> -> memref<125x80xi32, #tpu.memory_space<hbm>>
      tpu.wait_dma2 semaphore(%run_scoped3A : memref<!tpu.dma_semaphore, #tpu.memory_space<semaphore_mem>>) src(%dma_wait3A_61 : memref<125x80xi32, #tpu.memory_space<hbm>>) dst(%arg6 : memref<125x80xi32, #tpu.memory_space<vmem>>)
      tpu.yield
    }) : () -> ()
    "tpu.region"() ({
      %run_scoped3A = tpu.sem_alloc : memref<!tpu.dma_semaphore, #tpu.memory_space<semaphore_mem>>
      %dma_start3A = arith.constant 0 : i32
      %dma_start3A_48 = arith.constant 0 : i32
      %dma_start3A_49 = tpu.memref_slice %arg4[%add3A, %dma_start3A, %dma_start3A_48] : memref<32x125x80xi32, #tpu.memory_space<hbm>> -> memref<1x125x80xi32, #tpu.memory_space<hbm>>
      %dma_start3A_50 = tpu.memref_squeeze %dma_start3A_49 : memref<1x125x80xi32, #tpu.memory_space<hbm>> -> memref<125x80xi32, #tpu.memory_space<hbm>>
      %dma_start3A_51 = arith.constant 0 : i32
      %dma_start3A_52 = arith.constant 0 : i32
      %dma_start3A_53 = tpu.memref_slice %arg4[%add3A, %dma_start3A_51, %dma_start3A_52] : memref<32x125x80xi32, #tpu.memory_space<hbm>> -> memref<1x125x80xi32, #tpu.memory_space<hbm>>
      %dma_start3A_54 = tpu.memref_squeeze %dma_start3A_53 : memref<1x125x80xi32, #tpu.memory_space<hbm>> -> memref<125x80xi32, #tpu.memory_space<hbm>>
      tpu.enqueue_dma source(%dma_start3A_54 : memref<125x80xi32, #tpu.memory_space<hbm>>) target(%arg7 : memref<125x80xi32, #tpu.memory_space<vmem>>) target_semaphore(%run_scoped3A : memref<!tpu.dma_semaphore, #tpu.memory_space<semaphore_mem>>)
      %dma_wait3A = arith.constant 0 : i32
      %dma_wait3A_55 = arith.constant 0 : i32
      %dma_wait3A_56 = tpu.memref_slice %arg4[%add3A, %dma_wait3A, %dma_wait3A_55] : memref<32x125x80xi32, #tpu.memory_space<hbm>> -> memref<1x125x80xi32, #tpu.memory_space<hbm>>
      %dma_wait3A_57 = tpu.memref_squeeze %dma_wait3A_56 : memref<1x125x80xi32, #tpu.memory_space<hbm>> -> memref<125x80xi32, #tpu.memory_space<hbm>>
      %dma_wait3A_58 = arith.constant 0 : i32
      %dma_wait3A_59 = arith.constant 0 : i32
      %dma_wait3A_60 = tpu.memref_slice %arg4[%add3A, %dma_wait3A_58, %dma_wait3A_59] : memref<32x125x80xi32, #tpu.memory_space<hbm>> -> memref<1x125x80xi32, #tpu.memory_space<hbm>>
      %dma_wait3A_61 = tpu.memref_squeeze %dma_wait3A_60 : memref<1x125x80xi32, #tpu.memory_space<hbm>> -> memref<125x80xi32, #tpu.memory_space<hbm>>
      tpu.wait_dma2 semaphore(%run_scoped3A : memref<!tpu.dma_semaphore, #tpu.memory_space<semaphore_mem>>) src(%dma_wait3A_61 : memref<125x80xi32, #tpu.memory_space<hbm>>) dst(%arg7 : memref<125x80xi32, #tpu.memory_space<vmem>>)
      tpu.yield
    }) : () -> ()
    %broadcast_in_dim3A = arith.constant 0.000000e+00 : f32
    %broadcast_in_dim3A_1 = vector.broadcast %broadcast_in_dim3A : f32 to vector<16xf32>
    %scan3A = arith.constant 0 : i32
    %scan3A_2 = arith.constant 80 : i32
    %scan3A_3 = arith.addi %scan3A, %scan3A_2 : i32
    %scan3A_4 = arith.constant 1 : i32
    scf.for %scan3A_48 = %scan3A to %scan3A_3 step %scan3A_4  : i32 {
      %mul3A_49 = arith.constant 1 : i32
      %mul3A_50 = arith.muli %scan3A_48, %mul3A_49 : i32
      %add3A_51 = arith.constant 0 : i32
      %add3A_52 = arith.addi %add3A_51, %mul3A_50 : i32
      %swap3A = arith.index_cast %add3A_52 : i32 to index
      %swap3A_53 = arith.constant 0 : index
      %swap3A_54 = tpu.vector_load %arg8[%swap3A, %swap3A_53] {strides = array<i32>} : memref<80x128xf32, #tpu.memory_space<vmem>>, vector<1x16xf32>,
      %swap3A_55 = vector.shape_cast %swap3A_54 : vector<1x16xf32> to vector<16xf32>
      %swap3A_56 = vector.shape_cast %broadcast_in_dim3A_1 : vector<16xf32> to vector<1x16xf32>
      tpu.vector_store %arg8[%swap3A, %swap3A_53], %swap3A_56 {strides = array<i32>} : memref<80x128xf32, #tpu.memory_space<vmem>>, vector<1x16xf32>,
      %swap3A_57 = arith.index_cast %add3A_52 : i32 to index
      %swap3A_58 = arith.constant 16 : index
      %swap3A_59 = tpu.vector_load %arg8[%swap3A_57, %swap3A_58] {strides = array<i32>} : memref<80x128xf32, #tpu.memory_space<vmem>>, vector<1x16xf32>,
      %swap3A_60 = vector.shape_cast %swap3A_59 : vector<1x16xf32> to vector<16xf32>
      %swap3A_61 = vector.shape_cast %broadcast_in_dim3A_1 : vector<16xf32> to vector<1x16xf32>
      tpu.vector_store %arg8[%swap3A_57, %swap3A_58], %swap3A_61 {strides = array<i32>} : memref<80x128xf32, #tpu.memory_space<vmem>>, vector<1x16xf32>,
      %swap3A_62 = arith.index_cast %add3A_52 : i32 to index
      %swap3A_63 = arith.constant 32 : index
      %swap3A_64 = tpu.vector_load %arg8[%swap3A_62, %swap3A_63] {strides = array<i32>} : memref<80x128xf32, #tpu.memory_space<vmem>>, vector<1x16xf32>,
      %swap3A_65 = vector.shape_cast %swap3A_64 : vector<1x16xf32> to vector<16xf32>
      %swap3A_66 = vector.shape_cast %broadcast_in_dim3A_1 : vector<16xf32> to vector<1x16xf32>
      tpu.vector_store %arg8[%swap3A_62, %swap3A_63], %swap3A_66 {strides = array<i32>} : memref<80x128xf32, #tpu.memory_space<vmem>>, vector<1x16xf32>,
      %swap3A_67 = arith.index_cast %add3A_52 : i32 to index
      %swap3A_68 = arith.constant 48 : index
      %swap3A_69 = tpu.vector_load %arg8[%swap3A_67, %swap3A_68] {strides = array<i32>} : memref<80x128xf32, #tpu.memory_space<vmem>>, vector<1x16xf32>,
      %swap3A_70 = vector.shape_cast %swap3A_69 : vector<1x16xf32> to vector<16xf32>
      %swap3A_71 = vector.shape_cast %broadcast_in_dim3A_1 : vector<16xf32> to vector<1x16xf32>
      tpu.vector_store %arg8[%swap3A_67, %swap3A_68], %swap3A_71 {strides = array<i32>} : memref<80x128xf32, #tpu.memory_space<vmem>>, vector<1x16xf32>,
      %swap3A_72 = arith.index_cast %add3A_52 : i32 to index
      %swap3A_73 = arith.constant 64 : index
      %swap3A_74 = tpu.vector_load %arg8[%swap3A_72, %swap3A_73] {strides = array<i32>} : memref<80x128xf32, #tpu.memory_space<vmem>>, vector<1x16xf32>,
      %swap3A_75 = vector.shape_cast %swap3A_74 : vector<1x16xf32> to vector<16xf32>
      %swap3A_76 = vector.shape_cast %broadcast_in_dim3A_1 : vector<16xf32> to vector<1x16xf32>
      tpu.vector_store %arg8[%swap3A_72, %swap3A_73], %swap3A_76 {strides = array<i32>} : memref<80x128xf32, #tpu.memory_space<vmem>>, vector<1x16xf32>,
      %swap3A_77 = arith.index_cast %add3A_52 : i32 to index
      %swap3A_78 = arith.constant 80 : index
      %swap3A_79 = tpu.vector_load %arg8[%swap3A_77, %swap3A_78] {strides = array<i32>} : memref<80x128xf32, #tpu.memory_space<vmem>>, vector<1x16xf32>,
      %swap3A_80 = vector.shape_cast %swap3A_79 : vector<1x16xf32> to vector<16xf32>
      %swap3A_81 = vector.shape_cast %broadcast_in_dim3A_1 : vector<16xf32> to vector<1x16xf32>
      tpu.vector_store %arg8[%swap3A_77, %swap3A_78], %swap3A_81 {strides = array<i32>} : memref<80x128xf32, #tpu.memory_space<vmem>>, vector<1x16xf32>,
      %swap3A_82 = arith.index_cast %add3A_52 : i32 to index
      %swap3A_83 = arith.constant 96 : index
      %swap3A_84 = tpu.vector_load %arg8[%swap3A_82, %swap3A_83] {strides = array<i32>} : memref<80x128xf32, #tpu.memory_space<vmem>>, vector<1x16xf32>,
      %swap3A_85 = vector.shape_cast %swap3A_84 : vector<1x16xf32> to vector<16xf32>
      %swap3A_86 = vector.shape_cast %broadcast_in_dim3A_1 : vector<16xf32> to vector<1x16xf32>
      tpu.vector_store %arg8[%swap3A_82, %swap3A_83], %swap3A_86 {strides = array<i32>} : memref<80x128xf32, #tpu.memory_space<vmem>>, vector<1x16xf32>,
      %swap3A_87 = arith.index_cast %add3A_52 : i32 to index
      %swap3A_88 = arith.constant 112 : index
      %swap3A_89 = tpu.vector_load %arg8[%swap3A_87, %swap3A_88] {strides = array<i32>} : memref<80x128xf32, #tpu.memory_space<vmem>>, vector<1x16xf32>,
      %swap3A_90 = vector.shape_cast %swap3A_89 : vector<1x16xf32> to vector<16xf32>
      %swap3A_91 = vector.shape_cast %broadcast_in_dim3A_1 : vector<16xf32> to vector<1x16xf32>
      tpu.vector_store %arg8[%swap3A_87, %swap3A_88], %swap3A_91 {strides = array<i32>} : memref<80x128xf32, #tpu.memory_space<vmem>>, vector<1x16xf32>,
    }
    %scan3A_5 = arith.constant 80 : i32
    %mul3A_6 = arith.constant 640 : i32
    %mul3A_7 = arith.muli %arg1, %mul3A_6 : i32
    %add3A_8 = arith.constant 0 : i32
    %add3A_9 = arith.addi %mul3A_7, %add3A_8 : i32
    "tpu.region"() ({
      %run_scoped3A = tpu.sem_alloc : memref<!tpu.dma_semaphore, #tpu.memory_space<semaphore_mem>>
      %dma_start3A = arith.constant 0 : i32
      %dma_start3A_48 = tpu.memref_slice %arg9[%add3A_9, %dma_start3A] : memref<10240x128xf32, #tpu.memory_space<vmem_shared>> -> memref<80x128xf32, #tpu.memory_space<vmem_shared>>
      %dma_start3A_49 = arith.constant 0 : i32
      %dma_start3A_50 = tpu.memref_slice %arg9[%add3A_9, %dma_start3A_49] : memref<10240x128xf32, #tpu.memory_space<vmem_shared>> -> memref<80x128xf32, #tpu.memory_space<vmem_shared>>
      tpu.enqueue_dma source(%arg8 : memref<80x128xf32, #tpu.memory_space<vmem>>) target(%dma_start3A_50 : memref<80x128xf32, #tpu.memory_space<vmem_shared>>) target_semaphore(%run_scoped3A : memref<!tpu.dma_semaphore, #tpu.memory_space<semaphore_mem>>)
      %dma_wait3A = arith.constant 0 : i32
      %dma_wait3A_51 = tpu.memref_slice %arg9[%add3A_9, %dma_wait3A] : memref<10240x128xf32, #tpu.memory_space<vmem_shared>> -> memref<80x128xf32, #tpu.memory_space<vmem_shared>>
      %dma_wait3A_52 = arith.constant 0 : i32
      %dma_wait3A_53 = tpu.memref_slice %arg9[%add3A_9, %dma_wait3A_52] : memref<10240x128xf32, #tpu.memory_space<vmem_shared>> -> memref<80x128xf32, #tpu.memory_space<vmem_shared>>
      tpu.wait_dma2 semaphore(%run_scoped3A : memref<!tpu.dma_semaphore, #tpu.memory_space<semaphore_mem>>) src(%arg8 : memref<80x128xf32, #tpu.memory_space<vmem>>) dst(%dma_wait3A_53 : memref<80x128xf32, #tpu.memory_space<vmem_shared>>)
      tpu.yield
    }) : () -> ()
    %mul3A_10 = arith.constant 640 : i32
    %mul3A_11 = arith.muli %arg1, %mul3A_10 : i32
    %add3A_12 = arith.constant 80 : i32
    %add3A_13 = arith.addi %mul3A_11, %add3A_12 : i32
    "tpu.region"() ({
      %run_scoped3A = tpu.sem_alloc : memref<!tpu.dma_semaphore, #tpu.memory_space<semaphore_mem>>
      %dma_start3A = arith.constant 0 : i32
      %dma_start3A_48 = tpu.memref_slice %arg9[%add3A_13, %dma_start3A] : memref<10240x128xf32, #tpu.memory_space<vmem_shared>> -> memref<80x128xf32, #tpu.memory_space<vmem_shared>>
      %dma_start3A_49 = arith.constant 0 : i32
      %dma_start3A_50 = tpu.memref_slice %arg9[%add3A_13, %dma_start3A_49] : memref<10240x128xf32, #tpu.memory_space<vmem_shared>> -> memref<80x128xf32, #tpu.memory_space<vmem_shared>>
      tpu.enqueue_dma source(%arg8 : memref<80x128xf32, #tpu.memory_space<vmem>>) target(%dma_start3A_50 : memref<80x128xf32, #tpu.memory_space<vmem_shared>>) target_semaphore(%run_scoped3A : memref<!tpu.dma_semaphore, #tpu.memory_space<semaphore_mem>>)
      %dma_wait3A = arith.constant 0 : i32
      %dma_wait3A_51 = tpu.memref_slice %arg9[%add3A_13, %dma_wait3A] : memref<10240x128xf32, #tpu.memory_space<vmem_shared>> -> memref<80x128xf32, #tpu.memory_space<vmem_shared>>
      %dma_wait3A_52 = arith.constant 0 : i32
      %dma_wait3A_53 = tpu.memref_slice %arg9[%add3A_13, %dma_wait3A_52] : memref<10240x128xf32, #tpu.memory_space<vmem_shared>> -> memref<80x128xf32, #tpu.memory_space<vmem_shared>>
      tpu.wait_dma2 semaphore(%run_scoped3A : memref<!tpu.dma_semaphore, #tpu.memory_space<semaphore_mem>>) src(%arg8 : memref<80x128xf32, #tpu.memory_space<vmem>>) dst(%dma_wait3A_53 : memref<80x128xf32, #tpu.memory_space<vmem_shared>>)
      tpu.yield
    }) : () -> ()
    %mul3A_14 = arith.constant 640 : i32
    %mul3A_15 = arith.muli %arg1, %mul3A_14 : i32
    %add3A_16 = arith.constant 160 : i32
    %add3A_17 = arith.addi %mul3A_15, %add3A_16 : i32
    "tpu.region"() ({
      %run_scoped3A = tpu.sem_alloc : memref<!tpu.dma_semaphore, #tpu.memory_space<semaphore_mem>>
      %dma_start3A = arith.constant 0 : i32
      %dma_start3A_48 = tpu.memref_slice %arg9[%add3A_17, %dma_start3A] : memref<10240x128xf32, #tpu.memory_space<vmem_shared>> -> memref<80x128xf32, #tpu.memory_space<vmem_shared>>
      %dma_start3A_49 = arith.constant 0 : i32
      %dma_start3A_50 = tpu.memref_slice %arg9[%add3A_17, %dma_start3A_49] : memref<10240x128xf32, #tpu.memory_space<vmem_shared>> -> memref<80x128xf32, #tpu.memory_space<vmem_shared>>
      tpu.enqueue_dma source(%arg8 : memref<80x128xf32, #tpu.memory_space<vmem>>) target(%dma_start3A_50 : memref<80x128xf32, #tpu.memory_space<vmem_shared>>) target_semaphore(%run_scoped3A : memref<!tpu.dma_semaphore, #tpu.memory_space<semaphore_mem>>)
      %dma_wait3A = arith.constant 0 : i32
      %dma_wait3A_51 = tpu.memref_slice %arg9[%add3A_17, %dma_wait3A] : memref<10240x128xf32, #tpu.memory_space<vmem_shared>> -> memref<80x128xf32, #tpu.memory_space<vmem_shared>>
      %dma_wait3A_52 = arith.constant 0 : i32
      %dma_wait3A_53 = tpu.memref_slice %arg9[%add3A_17, %dma_wait3A_52] : memref<10240x128xf32, #tpu.memory_space<vmem_shared>> -> memref<80x128xf32, #tpu.memory_space<vmem_shared>>
      tpu.wait_dma2 semaphore(%run_scoped3A : memref<!tpu.dma_semaphore, #tpu.memory_space<semaphore_mem>>) src(%arg8 : memref<80x128xf32, #tpu.memory_space<vmem>>) dst(%dma_wait3A_53 : memref<80x128xf32, #tpu.memory_space<vmem_shared>>)
      tpu.yield
    }) : () -> ()
    %mul3A_18 = arith.constant 640 : i32
    %mul3A_19 = arith.muli %arg1, %mul3A_18 : i32
    %add3A_20 = arith.constant 240 : i32
    %add3A_21 = arith.addi %mul3A_19, %add3A_20 : i32
    "tpu.region"() ({
      %run_scoped3A = tpu.sem_alloc : memref<!tpu.dma_semaphore, #tpu.memory_space<semaphore_mem>>
      %dma_start3A = arith.constant 0 : i32
      %dma_start3A_48 = tpu.memref_slice %arg9[%add3A_21, %dma_start3A] : memref<10240x128xf32, #tpu.memory_space<vmem_shared>> -> memref<80x128xf32, #tpu.memory_space<vmem_shared>>
      %dma_start3A_49 = arith.constant 0 : i32
      %dma_start3A_50 = tpu.memref_slice %arg9[%add3A_21, %dma_start3A_49] : memref<10240x128xf32, #tpu.memory_space<vmem_shared>> -> memref<80x128xf32, #tpu.memory_space<vmem_shared>>
      tpu.enqueue_dma source(%arg8 : memref<80x128xf32, #tpu.memory_space<vmem>>) target(%dma_start3A_50 : memref<80x128xf32, #tpu.memory_space<vmem_shared>>) target_semaphore(%run_scoped3A : memref<!tpu.dma_semaphore, #tpu.memory_space<semaphore_mem>>)
      %dma_wait3A = arith.constant 0 : i32
      %dma_wait3A_51 = tpu.memref_slice %arg9[%add3A_21, %dma_wait3A] : memref<10240x128xf32, #tpu.memory_space<vmem_shared>> -> memref<80x128xf32, #tpu.memory_space<vmem_shared>>
      %dma_wait3A_52 = arith.constant 0 : i32
      %dma_wait3A_53 = tpu.memref_slice %arg9[%add3A_21, %dma_wait3A_52] : memref<10240x128xf32, #tpu.memory_space<vmem_shared>> -> memref<80x128xf32, #tpu.memory_space<vmem_shared>>
      tpu.wait_dma2 semaphore(%run_scoped3A : memref<!tpu.dma_semaphore, #tpu.memory_space<semaphore_mem>>) src(%arg8 : memref<80x128xf32, #tpu.memory_space<vmem>>) dst(%dma_wait3A_53 : memref<80x128xf32, #tpu.memory_space<vmem_shared>>)
      tpu.yield
    }) : () -> ()
    %mul3A_22 = arith.constant 640 : i32
    %mul3A_23 = arith.muli %arg1, %mul3A_22 : i32
    %add3A_24 = arith.constant 320 : i32
    %add3A_25 = arith.addi %mul3A_23, %add3A_24 : i32
    "tpu.region"() ({
      %run_scoped3A = tpu.sem_alloc : memref<!tpu.dma_semaphore, #tpu.memory_space<semaphore_mem>>
      %dma_start3A = arith.constant 0 : i32
      %dma_start3A_48 = tpu.memref_slice %arg9[%add3A_25, %dma_start3A] : memref<10240x128xf32, #tpu.memory_space<vmem_shared>> -> memref<80x128xf32, #tpu.memory_space<vmem_shared>>
      %dma_start3A_49 = arith.constant 0 : i32
      %dma_start3A_50 = tpu.memref_slice %arg9[%add3A_25, %dma_start3A_49] : memref<10240x128xf32, #tpu.memory_space<vmem_shared>> -> memref<80x128xf32, #tpu.memory_space<vmem_shared>>
      tpu.enqueue_dma source(%arg8 : memref<80x128xf32, #tpu.memory_space<vmem>>) target(%dma_start3A_50 : memref<80x128xf32, #tpu.memory_space<vmem_shared>>) target_semaphore(%run_scoped3A : memref<!tpu.dma_semaphore, #tpu.memory_space<semaphore_mem>>)
      %dma_wait3A = arith.constant 0 : i32
      %dma_wait3A_51 = tpu.memref_slice %arg9[%add3A_25, %dma_wait3A] : memref<10240x128xf32, #tpu.memory_space<vmem_shared>> -> memref<80x128xf32, #tpu.memory_space<vmem_shared>>
      %dma_wait3A_52 = arith.constant 0 : i32
      %dma_wait3A_53 = tpu.memref_slice %arg9[%add3A_25, %dma_wait3A_52] : memref<10240x128xf32, #tpu.memory_space<vmem_shared>> -> memref<80x128xf32, #tpu.memory_space<vmem_shared>>
      tpu.wait_dma2 semaphore(%run_scoped3A : memref<!tpu.dma_semaphore, #tpu.memory_space<semaphore_mem>>) src(%arg8 : memref<80x128xf32, #tpu.memory_space<vmem>>) dst(%dma_wait3A_53 : memref<80x128xf32, #tpu.memory_space<vmem_shared>>)
      tpu.yield
    }) : () -> ()
    %mul3A_26 = arith.constant 640 : i32
    %mul3A_27 = arith.muli %arg1, %mul3A_26 : i32
    %add3A_28 = arith.constant 400 : i32
    %add3A_29 = arith.addi %mul3A_27, %add3A_28 : i32
    "tpu.region"() ({
      %run_scoped3A = tpu.sem_alloc : memref<!tpu.dma_semaphore, #tpu.memory_space<semaphore_mem>>
      %dma_start3A = arith.constant 0 : i32
      %dma_start3A_48 = tpu.memref_slice %arg9[%add3A_29, %dma_start3A] : memref<10240x128xf32, #tpu.memory_space<vmem_shared>> -> memref<80x128xf32, #tpu.memory_space<vmem_shared>>
      %dma_start3A_49 = arith.constant 0 : i32
      %dma_start3A_50 = tpu.memref_slice %arg9[%add3A_29, %dma_start3A_49] : memref<10240x128xf32, #tpu.memory_space<vmem_shared>> -> memref<80x128xf32, #tpu.memory_space<vmem_shared>>
      tpu.enqueue_dma source(%arg8 : memref<80x128xf32, #tpu.memory_space<vmem>>) target(%dma_start3A_50 : memref<80x128xf32, #tpu.memory_space<vmem_shared>>) target_semaphore(%run_scoped3A : memref<!tpu.dma_semaphore, #tpu.memory_space<semaphore_mem>>)
      %dma_wait3A = arith.constant 0 : i32
      %dma_wait3A_51 = tpu.memref_slice %arg9[%add3A_29, %dma_wait3A] : memref<10240x128xf32, #tpu.memory_space<vmem_shared>> -> memref<80x128xf32, #tpu.memory_space<vmem_shared>>
      %dma_wait3A_52 = arith.constant 0 : i32
      %dma_wait3A_53 = tpu.memref_slice %arg9[%add3A_29, %dma_wait3A_52] : memref<10240x128xf32, #tpu.memory_space<vmem_shared>> -> memref<80x128xf32, #tpu.memory_space<vmem_shared>>
      tpu.wait_dma2 semaphore(%run_scoped3A : memref<!tpu.dma_semaphore, #tpu.memory_space<semaphore_mem>>) src(%arg8 : memref<80x128xf32, #tpu.memory_space<vmem>>) dst(%dma_wait3A_53 : memref<80x128xf32, #tpu.memory_space<vmem_shared>>)
      tpu.yield
    }) : () -> ()
    %mul3A_30 = arith.constant 640 : i32
    %mul3A_31 = arith.muli %arg1, %mul3A_30 : i32
    %add3A_32 = arith.constant 480 : i32
    %add3A_33 = arith.addi %mul3A_31, %add3A_32 : i32
    "tpu.region"() ({
      %run_scoped3A = tpu.sem_alloc : memref<!tpu.dma_semaphore, #tpu.memory_space<semaphore_mem>>
      %dma_start3A = arith.constant 0 : i32
      %dma_start3A_48 = tpu.memref_slice %arg9[%add3A_33, %dma_start3A] : memref<10240x128xf32, #tpu.memory_space<vmem_shared>> -> memref<80x128xf32, #tpu.memory_space<vmem_shared>>
      %dma_start3A_49 = arith.constant 0 : i32
      %dma_start3A_50 = tpu.memref_slice %arg9[%add3A_33, %dma_start3A_49] : memref<10240x128xf32, #tpu.memory_space<vmem_shared>> -> memref<80x128xf32, #tpu.memory_space<vmem_shared>>
      tpu.enqueue_dma source(%arg8 : memref<80x128xf32, #tpu.memory_space<vmem>>) target(%dma_start3A_50 : memref<80x128xf32, #tpu.memory_space<vmem_shared>>) target_semaphore(%run_scoped3A : memref<!tpu.dma_semaphore, #tpu.memory_space<semaphore_mem>>)
      %dma_wait3A = arith.constant 0 : i32
      %dma_wait3A_51 = tpu.memref_slice %arg9[%add3A_33, %dma_wait3A] : memref<10240x128xf32, #tpu.memory_space<vmem_shared>> -> memref<80x128xf32, #tpu.memory_space<vmem_shared>>
      %dma_wait3A_52 = arith.constant 0 : i32
      %dma_wait3A_53 = tpu.memref_slice %arg9[%add3A_33, %dma_wait3A_52] : memref<10240x128xf32, #tpu.memory_space<vmem_shared>> -> memref<80x128xf32, #tpu.memory_space<vmem_shared>>
      tpu.wait_dma2 semaphore(%run_scoped3A : memref<!tpu.dma_semaphore, #tpu.memory_space<semaphore_mem>>) src(%arg8 : memref<80x128xf32, #tpu.memory_space<vmem>>) dst(%dma_wait3A_53 : memref<80x128xf32, #tpu.memory_space<vmem_shared>>)
      tpu.yield
    }) : () -> ()
    %mul3A_34 = arith.constant 640 : i32
    %mul3A_35 = arith.muli %arg1, %mul3A_34 : i32
    %add3A_36 = arith.constant 560 : i32
    %add3A_37 = arith.addi %mul3A_35, %add3A_36 : i32
    "tpu.region"() ({
      %run_scoped3A = tpu.sem_alloc : memref<!tpu.dma_semaphore, #tpu.memory_space<semaphore_mem>>
      %dma_start3A = arith.constant 0 : i32
      %dma_start3A_48 = tpu.memref_slice %arg9[%add3A_37, %dma_start3A] : memref<10240x128xf32, #tpu.memory_space<vmem_shared>> -> memref<80x128xf32, #tpu.memory_space<vmem_shared>>
      %dma_start3A_49 = arith.constant 0 : i32
      %dma_start3A_50 = tpu.memref_slice %arg9[%add3A_37, %dma_start3A_49] : memref<10240x128xf32, #tpu.memory_space<vmem_shared>> -> memref<80x128xf32, #tpu.memory_space<vmem_shared>>
      tpu.enqueue_dma source(%arg8 : memref<80x128xf32, #tpu.memory_space<vmem>>) target(%dma_start3A_50 : memref<80x128xf32, #tpu.memory_space<vmem_shared>>) target_semaphore(%run_scoped3A : memref<!tpu.dma_semaphore, #tpu.memory_space<semaphore_mem>>)
      %dma_wait3A = arith.constant 0 : i32
      %dma_wait3A_51 = tpu.memref_slice %arg9[%add3A_37, %dma_wait3A] : memref<10240x128xf32, #tpu.memory_space<vmem_shared>> -> memref<80x128xf32, #tpu.memory_space<vmem_shared>>
      %dma_wait3A_52 = arith.constant 0 : i32
      %dma_wait3A_53 = tpu.memref_slice %arg9[%add3A_37, %dma_wait3A_52] : memref<10240x128xf32, #tpu.memory_space<vmem_shared>> -> memref<80x128xf32, #tpu.memory_space<vmem_shared>>
      tpu.wait_dma2 semaphore(%run_scoped3A : memref<!tpu.dma_semaphore, #tpu.memory_space<semaphore_mem>>) src(%arg8 : memref<80x128xf32, #tpu.memory_space<vmem>>) dst(%dma_wait3A_53 : memref<80x128xf32, #tpu.memory_space<vmem_shared>>)
      tpu.yield
    }) : () -> ()
    %barrier3A = arith.constant 0 : index
    tpu.barrier barrier_id(%barrier3A)
    %scan3A_38 = arith.constant 0 : i32
    %scan3A_39 = arith.constant 125 : i32
    %scan3A_40 = arith.addi %scan3A_38, %scan3A_39 : i32
    %scan3A_41 = arith.constant 1 : i32
    scf.for %scan3A_48 = %scan3A_38 to %scan3A_40 step %scan3A_41  : i32 {
      %mul3A_49 = arith.constant 1 : i32
      %mul3A_50 = arith.muli %scan3A_48, %mul3A_49 : i32
      %add3A_51 = arith.constant 0 : i32
      %add3A_52 = arith.addi %add3A_51, %mul3A_50 : i32
      "tpu.region"() ({
        %run_scoped3A = tpu.sem_alloc : memref<!tpu.dma_semaphore, #tpu.memory_space<semaphore_mem>>
        %dma_start3A = arith.constant 0 : i32
        %dma_start3A_53 = tpu.memref_slice %arg6[%add3A_52, %dma_start3A] : memref<125x80xi32, #tpu.memory_space<vmem>> -> memref<1x80xi32, #tpu.memory_space<vmem>>
        %dma_start3A_54 = tpu.memref_squeeze %dma_start3A_53 : memref<1x80xi32, #tpu.memory_space<vmem>> -> memref<80xi32, #tpu.memory_space<vmem>>
        %dma_start3A_55 = arith.constant 0 : i32
        %dma_start3A_56 = arith.constant 0 : i32
        %dma_start3A_57 = tpu.memref_slice %arg2[%dma_start3A_55, %dma_start3A_56] : memref<10000x128xf32, #tpu.memory_space<hbm>> -> memref<10000x128xf32, #tpu.memory_space<hbm>>
        tpu.enqueue_indirect_dma source(%dma_start3A_57 : memref<10000x128xf32, #tpu.memory_space<hbm>>) target(%arg8 : memref<80x128xf32, #tpu.memory_space<vmem>>) offsets(%dma_start3A_54 : memref<80xi32, #tpu.memory_space<vmem>>) semaphore(%run_scoped3A : memref<!tpu.dma_semaphore, #tpu.memory_space<semaphore_mem>>)
        %dma_wait3A = arith.constant 0 : i32
        %dma_wait3A_58 = tpu.memref_slice %arg6[%add3A_52, %dma_wait3A] : memref<125x80xi32, #tpu.memory_space<vmem>> -> memref<1x80xi32, #tpu.memory_space<vmem>>
        %dma_wait3A_59 = tpu.memref_squeeze %dma_wait3A_58 : memref<1x80xi32, #tpu.memory_space<vmem>> -> memref<80xi32, #tpu.memory_space<vmem>>
        %dma_wait3A_60 = arith.constant 0 : i32
        %dma_wait3A_61 = arith.constant 0 : i32
        %dma_wait3A_62 = tpu.memref_slice %arg2[%dma_wait3A_60, %dma_wait3A_61] : memref<10000x128xf32, #tpu.memory_space<hbm>> -> memref<10000x128xf32, #tpu.memory_space<hbm>>
        tpu.wait_indirect_dma semaphore(%run_scoped3A : memref<!tpu.dma_semaphore, #tpu.memory_space<semaphore_mem>>) src(%dma_wait3A_62 : memref<10000x128xf32, #tpu.memory_space<hbm>>) dst(%arg8 : memref<80x128xf32, #tpu.memory_space<vmem>>)
        tpu.yield
      }) : () -> ()
      "tpu.region"() ({
        %run_scoped3A = tpu.sem_alloc : memref<!tpu.dma_semaphore, #tpu.memory_space<semaphore_mem>>
        %dma_start3A = arith.constant 0 : i32
        %dma_start3A_53 = tpu.memref_slice %arg7[%add3A_52, %dma_start3A] : memref<125x80xi32, #tpu.memory_space<vmem>> -> memref<1x80xi32, #tpu.memory_space<vmem>>
        %dma_start3A_54 = tpu.memref_squeeze %dma_start3A_53 : memref<1x80xi32, #tpu.memory_space<vmem>> -> memref<80xi32, #tpu.memory_space<vmem>>
        %dma_start3A_55 = arith.constant 0 : i32
        %dma_start3A_56 = arith.constant 0 : i32
        %dma_start3A_57 = tpu.memref_slice %arg9[%dma_start3A_55, %dma_start3A_56] : memref<10240x128xf32, #tpu.memory_space<vmem_shared>> -> memref<10240x128xf32, #tpu.memory_space<vmem_shared>>
        tpu.enqueue_indirect_dma source(%arg8 : memref<80x128xf32, #tpu.memory_space<vmem>>) target(%dma_start3A_57 : memref<10240x128xf32, #tpu.memory_space<vmem_shared>>) offsets(%dma_start3A_54 : memref<80xi32, #tpu.memory_space<vmem>>) semaphore(%run_scoped3A : memref<!tpu.dma_semaphore, #tpu.memory_space<semaphore_mem>>) {add = true}
        %dma_wait3A = arith.constant 0 : i32
        %dma_wait3A_58 = tpu.memref_slice %arg7[%add3A_52, %dma_wait3A] : memref<125x80xi32, #tpu.memory_space<vmem>> -> memref<1x80xi32, #tpu.memory_space<vmem>>
        %dma_wait3A_59 = tpu.memref_squeeze %dma_wait3A_58 : memref<1x80xi32, #tpu.memory_space<vmem>> -> memref<80xi32, #tpu.memory_space<vmem>>
        %dma_wait3A_60 = arith.constant 0 : i32
        %dma_wait3A_61 = arith.constant 0 : i32
        %dma_wait3A_62 = tpu.memref_slice %arg9[%dma_wait3A_60, %dma_wait3A_61] : memref<10240x128xf32, #tpu.memory_space<vmem_shared>> -> memref<10240x128xf32, #tpu.memory_space<vmem_shared>>
        tpu.wait_indirect_dma semaphore(%run_scoped3A : memref<!tpu.dma_semaphore, #tpu.memory_space<semaphore_mem>>) src(%arg8 : memref<80x128xf32, #tpu.memory_space<vmem>>) dst(%dma_wait3A_62 : memref<10240x128xf32, #tpu.memory_space<vmem_shared>>)
        tpu.yield
      }) : () -> ()
    }
    %scan3A_42 = arith.constant 125 : i32
    %barrier3A_43 = arith.constant 0 : index
    tpu.barrier barrier_id(%barrier3A_43)
    %mul3A_44 = arith.constant 640 : i32
    %mul3A_45 = arith.muli %arg1, %mul3A_44 : i32
    %mul3A_46 = arith.constant 640 : i32
    %mul3A_47 = arith.muli %arg1, %mul3A_46 : i32
    "tpu.region"() ({
      %run_scoped3A = tpu.sem_alloc : memref<!tpu.dma_semaphore, #tpu.memory_space<semaphore_mem>>
      %dma_start3A = arith.constant 0 : i32
      %dma_start3A_48 = arith.constant 0 : i32
      %dma_start3A_49 = tpu.memref_slice %arg5[%arg0, %dma_start3A, %dma_start3A_48] : memref<2x10240x128xf32, #tpu.memory_space<hbm>> -> memref<1x10240x128xf32, #tpu.memory_space<hbm>>
      %dma_start3A_50 = tpu.memref_squeeze %dma_start3A_49 : memref<1x10240x128xf32, #tpu.memory_space<hbm>> -> memref<10240x128xf32, #tpu.memory_space<hbm>>
      %dma_start3A_51 = arith.constant 0 : i32
      %dma_start3A_52 = tpu.memref_slice %dma_start3A_50[%mul3A_47, %dma_start3A_51] : memref<10240x128xf32, #tpu.memory_space<hbm>> -> memref<640x128xf32, #tpu.memory_space<hbm>>
      %dma_start3A_53 = arith.constant 0 : i32
      %dma_start3A_54 = tpu.memref_slice %arg9[%mul3A_45, %dma_start3A_53] : memref<10240x128xf32, #tpu.memory_space<vmem_shared>> -> memref<640x128xf32, #tpu.memory_space<vmem_shared>>
      tpu.enqueue_dma source(%dma_start3A_54 : memref<640x128xf32, #tpu.memory_space<vmem_shared>>) target(%dma_start3A_52 : memref<640x128xf32, #tpu.memory_space<hbm>>) target_semaphore(%run_scoped3A : memref<!tpu.dma_semaphore, #tpu.memory_space<semaphore_mem>>)
      %dma_wait3A = arith.constant 0 : i32
      %dma_wait3A_55 = arith.constant 0 : i32
      %dma_wait3A_56 = tpu.memref_slice %arg5[%arg0, %dma_wait3A, %dma_wait3A_55] : memref<2x10240x128xf32, #tpu.memory_space<hbm>> -> memref<1x10240x128xf32, #tpu.memory_space<hbm>>
      %dma_wait3A_57 = tpu.memref_squeeze %dma_wait3A_56 : memref<1x10240x128xf32, #tpu.memory_space<hbm>> -> memref<10240x128xf32, #tpu.memory_space<hbm>>
      %dma_wait3A_58 = arith.constant 0 : i32
      %dma_wait3A_59 = tpu.memref_slice %dma_wait3A_57[%mul3A_47, %dma_wait3A_58] : memref<10240x128xf32, #tpu.memory_space<hbm>> -> memref<640x128xf32, #tpu.memory_space<hbm>>
      %dma_wait3A_60 = arith.constant 0 : i32
      %dma_wait3A_61 = tpu.memref_slice %arg9[%mul3A_45, %dma_wait3A_60] : memref<10240x128xf32, #tpu.memory_space<vmem_shared>> -> memref<640x128xf32, #tpu.memory_space<vmem_shared>>
      tpu.wait_dma2 semaphore(%run_scoped3A : memref<!tpu.dma_semaphore, #tpu.memory_space<semaphore_mem>>) src(%dma_wait3A_61 : memref<640x128xf32, #tpu.memory_space<vmem_shared>>) dst(%dma_wait3A_59 : memref<640x128xf32, #tpu.memory_space<hbm>>)
      tpu.yield
    }) : () -> ()
    return
  }
}

#map = affine_map<(d0, d1) -> (0, 0, 0)>
#map1 = affine_map<(d0, d1) -> (0, 0)>
module attributes {stable_mosaic.version = 14 : i64} {
  func.func @_deg_kernel(%arg0: i32, %arg1: i32, %arg2: memref<32x125x80xi32, #tpu.memory_space<hbm>>, %arg3: memref<2x10240xf32, #tpu.memory_space<hbm>>, %arg4: memref<125x80xi32, #tpu.memory_space<vmem>>, %arg5: memref<80xf32, #tpu.memory_space<vmem>>, %arg6: memref<640xf32, #tpu.memory_space<vmem>>, %arg7: memref<10240xf32, #tpu.memory_space<vmem_shared>>) attributes {dimension_semantics = [#tpu.dimension_semantics<core_parallel>, #tpu.dimension_semantics<subcore_parallel>], iteration_bounds = array<i64: 2, 16>, scalar_prefetch = 0 : i64, scratch_operands = 4 : i64, tpu.core_type = #tpu.core_type<sc_vector_subcore>, window_params = [{transform_indices = #map}, {transform_indices = #map1}]} {
    %mul3A = arith.constant 16 : i32
    %mul3A_0 = arith.muli %arg0, %mul3A : i32
    %add3A = arith.addi %mul3A_0, %arg1 : i32
    "tpu.region"() ({
      %run_scoped3A = tpu.sem_alloc : memref<!tpu.dma_semaphore, #tpu.memory_space<semaphore_mem>>
      %dma_start3A = arith.constant 0 : i32
      %dma_start3A_39 = arith.constant 0 : i32
      %dma_start3A_40 = tpu.memref_slice %arg2[%add3A, %dma_start3A, %dma_start3A_39] : memref<32x125x80xi32, #tpu.memory_space<hbm>> -> memref<1x125x80xi32, #tpu.memory_space<hbm>>
      %dma_start3A_41 = tpu.memref_squeeze %dma_start3A_40 : memref<1x125x80xi32, #tpu.memory_space<hbm>> -> memref<125x80xi32, #tpu.memory_space<hbm>>
      %dma_start3A_42 = arith.constant 0 : i32
      %dma_start3A_43 = arith.constant 0 : i32
      %dma_start3A_44 = tpu.memref_slice %arg2[%add3A, %dma_start3A_42, %dma_start3A_43] : memref<32x125x80xi32, #tpu.memory_space<hbm>> -> memref<1x125x80xi32, #tpu.memory_space<hbm>>
      %dma_start3A_45 = tpu.memref_squeeze %dma_start3A_44 : memref<1x125x80xi32, #tpu.memory_space<hbm>> -> memref<125x80xi32, #tpu.memory_space<hbm>>
      tpu.enqueue_dma source(%dma_start3A_45 : memref<125x80xi32, #tpu.memory_space<hbm>>) target(%arg4 : memref<125x80xi32, #tpu.memory_space<vmem>>) target_semaphore(%run_scoped3A : memref<!tpu.dma_semaphore, #tpu.memory_space<semaphore_mem>>)
      %dma_wait3A = arith.constant 0 : i32
      %dma_wait3A_46 = arith.constant 0 : i32
      %dma_wait3A_47 = tpu.memref_slice %arg2[%add3A, %dma_wait3A, %dma_wait3A_46] : memref<32x125x80xi32, #tpu.memory_space<hbm>> -> memref<1x125x80xi32, #tpu.memory_space<hbm>>
      %dma_wait3A_48 = tpu.memref_squeeze %dma_wait3A_47 : memref<1x125x80xi32, #tpu.memory_space<hbm>> -> memref<125x80xi32, #tpu.memory_space<hbm>>
      %dma_wait3A_49 = arith.constant 0 : i32
      %dma_wait3A_50 = arith.constant 0 : i32
      %dma_wait3A_51 = tpu.memref_slice %arg2[%add3A, %dma_wait3A_49, %dma_wait3A_50] : memref<32x125x80xi32, #tpu.memory_space<hbm>> -> memref<1x125x80xi32, #tpu.memory_space<hbm>>
      %dma_wait3A_52 = tpu.memref_squeeze %dma_wait3A_51 : memref<1x125x80xi32, #tpu.memory_space<hbm>> -> memref<125x80xi32, #tpu.memory_space<hbm>>
      tpu.wait_dma2 semaphore(%run_scoped3A : memref<!tpu.dma_semaphore, #tpu.memory_space<semaphore_mem>>) src(%dma_wait3A_52 : memref<125x80xi32, #tpu.memory_space<hbm>>) dst(%arg4 : memref<125x80xi32, #tpu.memory_space<vmem>>)
      tpu.yield
    }) : () -> ()
    %broadcast_in_dim3A = arith.constant 1.000000e+00 : f32
    %broadcast_in_dim3A_1 = vector.broadcast %broadcast_in_dim3A : f32 to vector<16xf32>
    %broadcast_in_dim3A_2 = arith.constant 0.000000e+00 : f32
    %broadcast_in_dim3A_3 = vector.broadcast %broadcast_in_dim3A_2 : f32 to vector<16xf32>
    %swap3A = arith.constant 0 : index
    %swap3A_4 = tpu.vector_load %arg5[%swap3A] {strides = array<i32>} : memref<80xf32, #tpu.memory_space<vmem>>, vector<16xf32>,
    %swap3A_5 = vector.shape_cast %swap3A_4 : vector<16xf32> to vector<16xf32>
    %swap3A_6 = vector.shape_cast %broadcast_in_dim3A_1 : vector<16xf32> to vector<16xf32>
    tpu.vector_store %arg5[%swap3A], %swap3A_6 {strides = array<i32>} : memref<80xf32, #tpu.memory_space<vmem>>, vector<16xf32>,
    %swap3A_7 = arith.constant 16 : index
    %swap3A_8 = tpu.vector_load %arg5[%swap3A_7] {strides = array<i32>} : memref<80xf32, #tpu.memory_space<vmem>>, vector<16xf32>,
    %swap3A_9 = vector.shape_cast %swap3A_8 : vector<16xf32> to vector<16xf32>
    %swap3A_10 = vector.shape_cast %broadcast_in_dim3A_1 : vector<16xf32> to vector<16xf32>
    tpu.vector_store %arg5[%swap3A_7], %swap3A_10 {strides = array<i32>} : memref<80xf32, #tpu.memory_space<vmem>>, vector<16xf32>,
    %swap3A_11 = arith.constant 32 : index
    %swap3A_12 = tpu.vector_load %arg5[%swap3A_11] {strides = array<i32>} : memref<80xf32, #tpu.memory_space<vmem>>, vector<16xf32>,
    %swap3A_13 = vector.shape_cast %swap3A_12 : vector<16xf32> to vector<16xf32>
    %swap3A_14 = vector.shape_cast %broadcast_in_dim3A_1 : vector<16xf32> to vector<16xf32>
    tpu.vector_store %arg5[%swap3A_11], %swap3A_14 {strides = array<i32>} : memref<80xf32, #tpu.memory_space<vmem>>, vector<16xf32>,
    %swap3A_15 = arith.constant 48 : index
    %swap3A_16 = tpu.vector_load %arg5[%swap3A_15] {strides = array<i32>} : memref<80xf32, #tpu.memory_space<vmem>>, vector<16xf32>,
    %swap3A_17 = vector.shape_cast %swap3A_16 : vector<16xf32> to vector<16xf32>
    %swap3A_18 = vector.shape_cast %broadcast_in_dim3A_1 : vector<16xf32> to vector<16xf32>
    tpu.vector_store %arg5[%swap3A_15], %swap3A_18 {strides = array<i32>} : memref<80xf32, #tpu.memory_space<vmem>>, vector<16xf32>,
    %swap3A_19 = arith.constant 64 : index
    %swap3A_20 = tpu.vector_load %arg5[%swap3A_19] {strides = array<i32>} : memref<80xf32, #tpu.memory_space<vmem>>, vector<16xf32>,
    %swap3A_21 = vector.shape_cast %swap3A_20 : vector<16xf32> to vector<16xf32>
    %swap3A_22 = vector.shape_cast %broadcast_in_dim3A_1 : vector<16xf32> to vector<16xf32>
    tpu.vector_store %arg5[%swap3A_19], %swap3A_22 {strides = array<i32>} : memref<80xf32, #tpu.memory_space<vmem>>, vector<16xf32>,
    %scan3A = arith.constant 0 : i32
    %scan3A_23 = arith.constant 40 : i32
    %scan3A_24 = arith.addi %scan3A, %scan3A_23 : i32
    %scan3A_25 = arith.constant 1 : i32
    scf.for %scan3A_39 = %scan3A to %scan3A_24 step %scan3A_25  : i32 {
      %mul3A_40 = arith.constant 1 : i32
      %mul3A_41 = arith.muli %scan3A_39, %mul3A_40 : i32
      %add3A_42 = arith.constant 0 : i32
      %add3A_43 = arith.addi %add3A_42, %mul3A_41 : i32
      %mul3A_44 = arith.constant 16 : i32
      %mul3A_45 = arith.muli %add3A_43, %mul3A_44 : i32
      %swap3A_46 = arith.index_cast %mul3A_45 : i32 to index
      %swap3A_47 = tpu.vector_load %arg6[%swap3A_46] {strides = array<i32>} : memref<640xf32, #tpu.memory_space<vmem>>, vector<16xf32>,
      %swap3A_48 = vector.shape_cast %swap3A_47 : vector<16xf32> to vector<16xf32>
      %swap3A_49 = vector.shape_cast %broadcast_in_dim3A_3 : vector<16xf32> to vector<16xf32>
      tpu.vector_store %arg6[%swap3A_46], %swap3A_49 {strides = array<i32>} : memref<640xf32, #tpu.memory_space<vmem>>, vector<16xf32>,
    }
    %scan3A_26 = arith.constant 40 : i32
    %mul3A_27 = arith.constant 640 : i32
    %mul3A_28 = arith.muli %arg1, %mul3A_27 : i32
    "tpu.region"() ({
      %run_scoped3A = tpu.sem_alloc : memref<!tpu.dma_semaphore, #tpu.memory_space<semaphore_mem>>
      %dma_start3A = tpu.memref_slice %arg7[%mul3A_28] : memref<10240xf32, #tpu.memory_space<vmem_shared>> -> memref<640xf32, #tpu.memory_space<vmem_shared>>
      %dma_start3A_39 = tpu.memref_slice %arg7[%mul3A_28] : memref<10240xf32, #tpu.memory_space<vmem_shared>> -> memref<640xf32, #tpu.memory_space<vmem_shared>>
      tpu.enqueue_dma source(%arg6 : memref<640xf32, #tpu.memory_space<vmem>>) target(%dma_start3A_39 : memref<640xf32, #tpu.memory_space<vmem_shared>>) target_semaphore(%run_scoped3A : memref<!tpu.dma_semaphore, #tpu.memory_space<semaphore_mem>>)
      %dma_wait3A = tpu.memref_slice %arg7[%mul3A_28] : memref<10240xf32, #tpu.memory_space<vmem_shared>> -> memref<640xf32, #tpu.memory_space<vmem_shared>>
      %dma_wait3A_40 = tpu.memref_slice %arg7[%mul3A_28] : memref<10240xf32, #tpu.memory_space<vmem_shared>> -> memref<640xf32, #tpu.memory_space<vmem_shared>>
      tpu.wait_dma2 semaphore(%run_scoped3A : memref<!tpu.dma_semaphore, #tpu.memory_space<semaphore_mem>>) src(%arg6 : memref<640xf32, #tpu.memory_space<vmem>>) dst(%dma_wait3A_40 : memref<640xf32, #tpu.memory_space<vmem_shared>>)
      tpu.yield
    }) : () -> ()
    %barrier3A = arith.constant 0 : index
    tpu.barrier barrier_id(%barrier3A)
    %scan3A_29 = arith.constant 0 : i32
    %scan3A_30 = arith.constant 125 : i32
    %scan3A_31 = arith.addi %scan3A_29, %scan3A_30 : i32
    %scan3A_32 = arith.constant 1 : i32
    scf.for %scan3A_39 = %scan3A_29 to %scan3A_31 step %scan3A_32  : i32 {
      %mul3A_40 = arith.constant 1 : i32
      %mul3A_41 = arith.muli %scan3A_39, %mul3A_40 : i32
      %add3A_42 = arith.constant 0 : i32
      %add3A_43 = arith.addi %add3A_42, %mul3A_41 : i32
      "tpu.region"() ({
        %run_scoped3A = tpu.sem_alloc : memref<!tpu.dma_semaphore, #tpu.memory_space<semaphore_mem>>
        %dma_start3A = arith.constant 0 : i32
        %dma_start3A_44 = tpu.memref_slice %arg4[%add3A_43, %dma_start3A] : memref<125x80xi32, #tpu.memory_space<vmem>> -> memref<1x80xi32, #tpu.memory_space<vmem>>
        %dma_start3A_45 = tpu.memref_squeeze %dma_start3A_44 : memref<1x80xi32, #tpu.memory_space<vmem>> -> memref<80xi32, #tpu.memory_space<vmem>>
        %dma_start3A_46 = arith.constant 0 : i32
        %dma_start3A_47 = tpu.memref_slice %arg7[%dma_start3A_46] : memref<10240xf32, #tpu.memory_space<vmem_shared>> -> memref<10240xf32, #tpu.memory_space<vmem_shared>>
        tpu.enqueue_indirect_dma source(%arg5 : memref<80xf32, #tpu.memory_space<vmem>>) target(%dma_start3A_47 : memref<10240xf32, #tpu.memory_space<vmem_shared>>) offsets(%dma_start3A_45 : memref<80xi32, #tpu.memory_space<vmem>>) semaphore(%run_scoped3A : memref<!tpu.dma_semaphore, #tpu.memory_space<semaphore_mem>>) {add = true}
        %dma_wait3A = arith.constant 0 : i32
        %dma_wait3A_48 = tpu.memref_slice %arg4[%add3A_43, %dma_wait3A] : memref<125x80xi32, #tpu.memory_space<vmem>> -> memref<1x80xi32, #tpu.memory_space<vmem>>
        %dma_wait3A_49 = tpu.memref_squeeze %dma_wait3A_48 : memref<1x80xi32, #tpu.memory_space<vmem>> -> memref<80xi32, #tpu.memory_space<vmem>>
        %dma_wait3A_50 = arith.constant 0 : i32
        %dma_wait3A_51 = tpu.memref_slice %arg7[%dma_wait3A_50] : memref<10240xf32, #tpu.memory_space<vmem_shared>> -> memref<10240xf32, #tpu.memory_space<vmem_shared>>
        tpu.wait_indirect_dma semaphore(%run_scoped3A : memref<!tpu.dma_semaphore, #tpu.memory_space<semaphore_mem>>) src(%arg5 : memref<80xf32, #tpu.memory_space<vmem>>) dst(%dma_wait3A_51 : memref<10240xf32, #tpu.memory_space<vmem_shared>>)
        tpu.yield
      }) : () -> ()
    }
    %scan3A_33 = arith.constant 125 : i32
    %barrier3A_34 = arith.constant 0 : index
    tpu.barrier barrier_id(%barrier3A_34)
    %mul3A_35 = arith.constant 640 : i32
    %mul3A_36 = arith.muli %arg1, %mul3A_35 : i32
    %mul3A_37 = arith.constant 640 : i32
    %mul3A_38 = arith.muli %arg1, %mul3A_37 : i32
    "tpu.region"() ({
      %run_scoped3A = tpu.sem_alloc : memref<!tpu.dma_semaphore, #tpu.memory_space<semaphore_mem>>
      %dma_start3A = tpu.memref_slice %arg3[%arg0, %mul3A_38] : memref<2x10240xf32, #tpu.memory_space<hbm>> -> memref<1x640xf32, #tpu.memory_space<hbm>>
      %dma_start3A_39 = tpu.memref_squeeze %dma_start3A : memref<1x640xf32, #tpu.memory_space<hbm>> -> memref<640xf32, #tpu.memory_space<hbm>>
      %dma_start3A_40 = tpu.memref_slice %arg7[%mul3A_36] : memref<10240xf32, #tpu.memory_space<vmem_shared>> -> memref<640xf32, #tpu.memory_space<vmem_shared>>
      tpu.enqueue_dma source(%dma_start3A_40 : memref<640xf32, #tpu.memory_space<vmem_shared>>) target(%dma_start3A_39 : memref<640xf32, #tpu.memory_space<hbm>>) target_semaphore(%run_scoped3A : memref<!tpu.dma_semaphore, #tpu.memory_space<semaphore_mem>>)
      %dma_wait3A = tpu.memref_slice %arg3[%arg0, %mul3A_38] : memref<2x10240xf32, #tpu.memory_space<hbm>> -> memref<1x640xf32, #tpu.memory_space<hbm>>
      %dma_wait3A_41 = tpu.memref_squeeze %dma_wait3A : memref<1x640xf32, #tpu.memory_space<hbm>> -> memref<640xf32, #tpu.memory_space<hbm>>
      %dma_wait3A_42 = tpu.memref_slice %arg7[%mul3A_36] : memref<10240xf32, #tpu.memory_space<vmem_shared>> -> memref<640xf32, #tpu.memory_space<vmem_shared>>
      tpu.wait_dma2 semaphore(%run_scoped3A : memref<!tpu.dma_semaphore, #tpu.memory_space<semaphore_mem>>) src(%dma_wait3A_42 : memref<640xf32, #tpu.memory_space<vmem_shared>>) dst(%dma_wait3A_41 : memref<640xf32, #tpu.memory_space<hbm>>)
      tpu.yield
    }) : () -> ()
    return
  }
}

#map = affine_map<(d0, d1) -> (0, 0)>
#map1 = affine_map<(d0, d1) -> (0, 0, 0)>
module attributes {stable_mosaic.version = 14 : i64} {
  func.func @_scat_kernel(%arg0: i32, %arg1: i32, %arg2: memref<10000x128xf32, #tpu.memory_space<hbm>>, %arg3: memref<32x125x80xi32, #tpu.memory_space<hbm>>, %arg4: memref<32x125x80xi32, #tpu.memory_space<hbm>>, %arg5: memref<2x10240x128xf32, #tpu.memory_space<hbm>>, %arg6: memref<125x80xi32, #tpu.memory_space<vmem>>, %arg7: memref<125x80xi32, #tpu.memory_space<vmem>>, %arg8: memref<80x128xf32, #tpu.memory_space<vmem>>, %arg9: memref<10240x128xf32, #tpu.memory_space<vmem_shared>>) attributes {dimension_semantics = [#tpu.dimension_semantics<core_parallel>, #tpu.dimension_semantics<subcore_parallel>], iteration_bounds = array<i64: 2, 16>, scalar_prefetch = 0 : i64, scratch_operands = 4 : i64, tpu.core_type = #tpu.core_type<sc_vector_subcore>, window_params = [{transform_indices = #map}, {transform_indices = #map1}, {transform_indices = #map1}, {transform_indices = #map1}]} {
    %mul3A = arith.constant 16 : i32
    %mul3A_0 = arith.muli %arg0, %mul3A : i32
    %add3A = arith.addi %mul3A_0, %arg1 : i32
    "tpu.region"() ({
      %run_scoped3A = tpu.sem_alloc : memref<!tpu.dma_semaphore, #tpu.memory_space<semaphore_mem>>
      %dma_start3A = arith.constant 0 : i32
      %dma_start3A_48 = arith.constant 0 : i32
      %dma_start3A_49 = tpu.memref_slice %arg3[%add3A, %dma_start3A, %dma_start3A_48] : memref<32x125x80xi32, #tpu.memory_space<hbm>> -> memref<1x125x80xi32, #tpu.memory_space<hbm>>
      %dma_start3A_50 = tpu.memref_squeeze %dma_start3A_49 : memref<1x125x80xi32, #tpu.memory_space<hbm>> -> memref<125x80xi32, #tpu.memory_space<hbm>>
      %dma_start3A_51 = arith.constant 0 : i32
      %dma_start3A_52 = arith.constant 0 : i32
      %dma_start3A_53 = tpu.memref_slice %arg3[%add3A, %dma_start3A_51, %dma_start3A_52] : memref<32x125x80xi32, #tpu.memory_space<hbm>> -> memref<1x125x80xi32, #tpu.memory_space<hbm>>
      %dma_start3A_54 = tpu.memref_squeeze %dma_start3A_53 : memref<1x125x80xi32, #tpu.memory_space<hbm>> -> memref<125x80xi32, #tpu.memory_space<hbm>>
      tpu.enqueue_dma source(%dma_start3A_54 : memref<125x80xi32, #tpu.memory_space<hbm>>) target(%arg6 : memref<125x80xi32, #tpu.memory_space<vmem>>) target_semaphore(%run_scoped3A : memref<!tpu.dma_semaphore, #tpu.memory_space<semaphore_mem>>)
      %dma_wait3A = arith.constant 0 : i32
      %dma_wait3A_55 = arith.constant 0 : i32
      %dma_wait3A_56 = tpu.memref_slice %arg3[%add3A, %dma_wait3A, %dma_wait3A_55] : memref<32x125x80xi32, #tpu.memory_space<hbm>> -> memref<1x125x80xi32, #tpu.memory_space<hbm>>
      %dma_wait3A_57 = tpu.memref_squeeze %dma_wait3A_56 : memref<1x125x80xi32, #tpu.memory_space<hbm>> -> memref<125x80xi32, #tpu.memory_space<hbm>>
      %dma_wait3A_58 = arith.constant 0 : i32
      %dma_wait3A_59 = arith.constant 0 : i32
      %dma_wait3A_60 = tpu.memref_slice %arg3[%add3A, %dma_wait3A_58, %dma_wait3A_59] : memref<32x125x80xi32, #tpu.memory_space<hbm>> -> memref<1x125x80xi32, #tpu.memory_space<hbm>>
      %dma_wait3A_61 = tpu.memref_squeeze %dma_wait3A_60 : memref<1x125x80xi32, #tpu.memory_space<hbm>> -> memref<125x80xi32, #tpu.memory_space<hbm>>
      tpu.wait_dma2 semaphore(%run_scoped3A : memref<!tpu.dma_semaphore, #tpu.memory_space<semaphore_mem>>) src(%dma_wait3A_61 : memref<125x80xi32, #tpu.memory_space<hbm>>) dst(%arg6 : memref<125x80xi32, #tpu.memory_space<vmem>>)
      tpu.yield
    }) : () -> ()
    "tpu.region"() ({
      %run_scoped3A = tpu.sem_alloc : memref<!tpu.dma_semaphore, #tpu.memory_space<semaphore_mem>>
      %dma_start3A = arith.constant 0 : i32
      %dma_start3A_48 = arith.constant 0 : i32
      %dma_start3A_49 = tpu.memref_slice %arg4[%add3A, %dma_start3A, %dma_start3A_48] : memref<32x125x80xi32, #tpu.memory_space<hbm>> -> memref<1x125x80xi32, #tpu.memory_space<hbm>>
      %dma_start3A_50 = tpu.memref_squeeze %dma_start3A_49 : memref<1x125x80xi32, #tpu.memory_space<hbm>> -> memref<125x80xi32, #tpu.memory_space<hbm>>
      %dma_start3A_51 = arith.constant 0 : i32
      %dma_start3A_52 = arith.constant 0 : i32
      %dma_start3A_53 = tpu.memref_slice %arg4[%add3A, %dma_start3A_51, %dma_start3A_52] : memref<32x125x80xi32, #tpu.memory_space<hbm>> -> memref<1x125x80xi32, #tpu.memory_space<hbm>>
      %dma_start3A_54 = tpu.memref_squeeze %dma_start3A_53 : memref<1x125x80xi32, #tpu.memory_space<hbm>> -> memref<125x80xi32, #tpu.memory_space<hbm>>
      tpu.enqueue_dma source(%dma_start3A_54 : memref<125x80xi32, #tpu.memory_space<hbm>>) target(%arg7 : memref<125x80xi32, #tpu.memory_space<vmem>>) target_semaphore(%run_scoped3A : memref<!tpu.dma_semaphore, #tpu.memory_space<semaphore_mem>>)
      %dma_wait3A = arith.constant 0 : i32
      %dma_wait3A_55 = arith.constant 0 : i32
      %dma_wait3A_56 = tpu.memref_slice %arg4[%add3A, %dma_wait3A, %dma_wait3A_55] : memref<32x125x80xi32, #tpu.memory_space<hbm>> -> memref<1x125x80xi32, #tpu.memory_space<hbm>>
      %dma_wait3A_57 = tpu.memref_squeeze %dma_wait3A_56 : memref<1x125x80xi32, #tpu.memory_space<hbm>> -> memref<125x80xi32, #tpu.memory_space<hbm>>
      %dma_wait3A_58 = arith.constant 0 : i32
      %dma_wait3A_59 = arith.constant 0 : i32
      %dma_wait3A_60 = tpu.memref_slice %arg4[%add3A, %dma_wait3A_58, %dma_wait3A_59] : memref<32x125x80xi32, #tpu.memory_space<hbm>> -> memref<1x125x80xi32, #tpu.memory_space<hbm>>
      %dma_wait3A_61 = tpu.memref_squeeze %dma_wait3A_60 : memref<1x125x80xi32, #tpu.memory_space<hbm>> -> memref<125x80xi32, #tpu.memory_space<hbm>>
      tpu.wait_dma2 semaphore(%run_scoped3A : memref<!tpu.dma_semaphore, #tpu.memory_space<semaphore_mem>>) src(%dma_wait3A_61 : memref<125x80xi32, #tpu.memory_space<hbm>>) dst(%arg7 : memref<125x80xi32, #tpu.memory_space<vmem>>)
      tpu.yield
    }) : () -> ()
    %broadcast_in_dim3A = arith.constant 0.000000e+00 : f32
    %broadcast_in_dim3A_1 = vector.broadcast %broadcast_in_dim3A : f32 to vector<16xf32>
    %scan3A = arith.constant 0 : i32
    %scan3A_2 = arith.constant 80 : i32
    %scan3A_3 = arith.addi %scan3A, %scan3A_2 : i32
    %scan3A_4 = arith.constant 1 : i32
    scf.for %scan3A_48 = %scan3A to %scan3A_3 step %scan3A_4  : i32 {
      %mul3A_49 = arith.constant 1 : i32
      %mul3A_50 = arith.muli %scan3A_48, %mul3A_49 : i32
      %add3A_51 = arith.constant 0 : i32
      %add3A_52 = arith.addi %add3A_51, %mul3A_50 : i32
      %swap3A = arith.index_cast %add3A_52 : i32 to index
      %swap3A_53 = arith.constant 0 : index
      %swap3A_54 = tpu.vector_load %arg8[%swap3A, %swap3A_53] {strides = array<i32>} : memref<80x128xf32, #tpu.memory_space<vmem>>, vector<1x16xf32>,
      %swap3A_55 = vector.shape_cast %swap3A_54 : vector<1x16xf32> to vector<16xf32>
      %swap3A_56 = vector.shape_cast %broadcast_in_dim3A_1 : vector<16xf32> to vector<1x16xf32>
      tpu.vector_store %arg8[%swap3A, %swap3A_53], %swap3A_56 {strides = array<i32>} : memref<80x128xf32, #tpu.memory_space<vmem>>, vector<1x16xf32>,
      %swap3A_57 = arith.index_cast %add3A_52 : i32 to index
      %swap3A_58 = arith.constant 16 : index
      %swap3A_59 = tpu.vector_load %arg8[%swap3A_57, %swap3A_58] {strides = array<i32>} : memref<80x128xf32, #tpu.memory_space<vmem>>, vector<1x16xf32>,
      %swap3A_60 = vector.shape_cast %swap3A_59 : vector<1x16xf32> to vector<16xf32>
      %swap3A_61 = vector.shape_cast %broadcast_in_dim3A_1 : vector<16xf32> to vector<1x16xf32>
      tpu.vector_store %arg8[%swap3A_57, %swap3A_58], %swap3A_61 {strides = array<i32>} : memref<80x128xf32, #tpu.memory_space<vmem>>, vector<1x16xf32>,
      %swap3A_62 = arith.index_cast %add3A_52 : i32 to index
      %swap3A_63 = arith.constant 32 : index
      %swap3A_64 = tpu.vector_load %arg8[%swap3A_62, %swap3A_63] {strides = array<i32>} : memref<80x128xf32, #tpu.memory_space<vmem>>, vector<1x16xf32>,
      %swap3A_65 = vector.shape_cast %swap3A_64 : vector<1x16xf32> to vector<16xf32>
      %swap3A_66 = vector.shape_cast %broadcast_in_dim3A_1 : vector<16xf32> to vector<1x16xf32>
      tpu.vector_store %arg8[%swap3A_62, %swap3A_63], %swap3A_66 {strides = array<i32>} : memref<80x128xf32, #tpu.memory_space<vmem>>, vector<1x16xf32>,
      %swap3A_67 = arith.index_cast %add3A_52 : i32 to index
      %swap3A_68 = arith.constant 48 : index
      %swap3A_69 = tpu.vector_load %arg8[%swap3A_67, %swap3A_68] {strides = array<i32>} : memref<80x128xf32, #tpu.memory_space<vmem>>, vector<1x16xf32>,
      %swap3A_70 = vector.shape_cast %swap3A_69 : vector<1x16xf32> to vector<16xf32>
      %swap3A_71 = vector.shape_cast %broadcast_in_dim3A_1 : vector<16xf32> to vector<1x16xf32>
      tpu.vector_store %arg8[%swap3A_67, %swap3A_68], %swap3A_71 {strides = array<i32>} : memref<80x128xf32, #tpu.memory_space<vmem>>, vector<1x16xf32>,
      %swap3A_72 = arith.index_cast %add3A_52 : i32 to index
      %swap3A_73 = arith.constant 64 : index
      %swap3A_74 = tpu.vector_load %arg8[%swap3A_72, %swap3A_73] {strides = array<i32>} : memref<80x128xf32, #tpu.memory_space<vmem>>, vector<1x16xf32>,
      %swap3A_75 = vector.shape_cast %swap3A_74 : vector<1x16xf32> to vector<16xf32>
      %swap3A_76 = vector.shape_cast %broadcast_in_dim3A_1 : vector<16xf32> to vector<1x16xf32>
      tpu.vector_store %arg8[%swap3A_72, %swap3A_73], %swap3A_76 {strides = array<i32>} : memref<80x128xf32, #tpu.memory_space<vmem>>, vector<1x16xf32>,
      %swap3A_77 = arith.index_cast %add3A_52 : i32 to index
      %swap3A_78 = arith.constant 80 : index
      %swap3A_79 = tpu.vector_load %arg8[%swap3A_77, %swap3A_78] {strides = array<i32>} : memref<80x128xf32, #tpu.memory_space<vmem>>, vector<1x16xf32>,
      %swap3A_80 = vector.shape_cast %swap3A_79 : vector<1x16xf32> to vector<16xf32>
      %swap3A_81 = vector.shape_cast %broadcast_in_dim3A_1 : vector<16xf32> to vector<1x16xf32>
      tpu.vector_store %arg8[%swap3A_77, %swap3A_78], %swap3A_81 {strides = array<i32>} : memref<80x128xf32, #tpu.memory_space<vmem>>, vector<1x16xf32>,
      %swap3A_82 = arith.index_cast %add3A_52 : i32 to index
      %swap3A_83 = arith.constant 96 : index
      %swap3A_84 = tpu.vector_load %arg8[%swap3A_82, %swap3A_83] {strides = array<i32>} : memref<80x128xf32, #tpu.memory_space<vmem>>, vector<1x16xf32>,
      %swap3A_85 = vector.shape_cast %swap3A_84 : vector<1x16xf32> to vector<16xf32>
      %swap3A_86 = vector.shape_cast %broadcast_in_dim3A_1 : vector<16xf32> to vector<1x16xf32>
      tpu.vector_store %arg8[%swap3A_82, %swap3A_83], %swap3A_86 {strides = array<i32>} : memref<80x128xf32, #tpu.memory_space<vmem>>, vector<1x16xf32>,
      %swap3A_87 = arith.index_cast %add3A_52 : i32 to index
      %swap3A_88 = arith.constant 112 : index
      %swap3A_89 = tpu.vector_load %arg8[%swap3A_87, %swap3A_88] {strides = array<i32>} : memref<80x128xf32, #tpu.memory_space<vmem>>, vector<1x16xf32>,
      %swap3A_90 = vector.shape_cast %swap3A_89 : vector<1x16xf32> to vector<16xf32>
      %swap3A_91 = vector.shape_cast %broadcast_in_dim3A_1 : vector<16xf32> to vector<1x16xf32>
      tpu.vector_store %arg8[%swap3A_87, %swap3A_88], %swap3A_91 {strides = array<i32>} : memref<80x128xf32, #tpu.memory_space<vmem>>, vector<1x16xf32>,
    }
    %scan3A_5 = arith.constant 80 : i32
    %mul3A_6 = arith.constant 640 : i32
    %mul3A_7 = arith.muli %arg1, %mul3A_6 : i32
    %add3A_8 = arith.constant 0 : i32
    %add3A_9 = arith.addi %mul3A_7, %add3A_8 : i32
    "tpu.region"() ({
      %run_scoped3A = tpu.sem_alloc : memref<!tpu.dma_semaphore, #tpu.memory_space<semaphore_mem>>
      %dma_start3A = arith.constant 0 : i32
      %dma_start3A_48 = tpu.memref_slice %arg9[%add3A_9, %dma_start3A] : memref<10240x128xf32, #tpu.memory_space<vmem_shared>> -> memref<80x128xf32, #tpu.memory_space<vmem_shared>>
      %dma_start3A_49 = arith.constant 0 : i32
      %dma_start3A_50 = tpu.memref_slice %arg9[%add3A_9, %dma_start3A_49] : memref<10240x128xf32, #tpu.memory_space<vmem_shared>> -> memref<80x128xf32, #tpu.memory_space<vmem_shared>>
      tpu.enqueue_dma source(%arg8 : memref<80x128xf32, #tpu.memory_space<vmem>>) target(%dma_start3A_50 : memref<80x128xf32, #tpu.memory_space<vmem_shared>>) target_semaphore(%run_scoped3A : memref<!tpu.dma_semaphore, #tpu.memory_space<semaphore_mem>>)
      %dma_wait3A = arith.constant 0 : i32
      %dma_wait3A_51 = tpu.memref_slice %arg9[%add3A_9, %dma_wait3A] : memref<10240x128xf32, #tpu.memory_space<vmem_shared>> -> memref<80x128xf32, #tpu.memory_space<vmem_shared>>
      %dma_wait3A_52 = arith.constant 0 : i32
      %dma_wait3A_53 = tpu.memref_slice %arg9[%add3A_9, %dma_wait3A_52] : memref<10240x128xf32, #tpu.memory_space<vmem_shared>> -> memref<80x128xf32, #tpu.memory_space<vmem_shared>>
      tpu.wait_dma2 semaphore(%run_scoped3A : memref<!tpu.dma_semaphore, #tpu.memory_space<semaphore_mem>>) src(%arg8 : memref<80x128xf32, #tpu.memory_space<vmem>>) dst(%dma_wait3A_53 : memref<80x128xf32, #tpu.memory_space<vmem_shared>>)
      tpu.yield
    }) : () -> ()
    %mul3A_10 = arith.constant 640 : i32
    %mul3A_11 = arith.muli %arg1, %mul3A_10 : i32
    %add3A_12 = arith.constant 80 : i32
    %add3A_13 = arith.addi %mul3A_11, %add3A_12 : i32
    "tpu.region"() ({
      %run_scoped3A = tpu.sem_alloc : memref<!tpu.dma_semaphore, #tpu.memory_space<semaphore_mem>>
      %dma_start3A = arith.constant 0 : i32
      %dma_start3A_48 = tpu.memref_slice %arg9[%add3A_13, %dma_start3A] : memref<10240x128xf32, #tpu.memory_space<vmem_shared>> -> memref<80x128xf32, #tpu.memory_space<vmem_shared>>
      %dma_start3A_49 = arith.constant 0 : i32
      %dma_start3A_50 = tpu.memref_slice %arg9[%add3A_13, %dma_start3A_49] : memref<10240x128xf32, #tpu.memory_space<vmem_shared>> -> memref<80x128xf32, #tpu.memory_space<vmem_shared>>
      tpu.enqueue_dma source(%arg8 : memref<80x128xf32, #tpu.memory_space<vmem>>) target(%dma_start3A_50 : memref<80x128xf32, #tpu.memory_space<vmem_shared>>) target_semaphore(%run_scoped3A : memref<!tpu.dma_semaphore, #tpu.memory_space<semaphore_mem>>)
      %dma_wait3A = arith.constant 0 : i32
      %dma_wait3A_51 = tpu.memref_slice %arg9[%add3A_13, %dma_wait3A] : memref<10240x128xf32, #tpu.memory_space<vmem_shared>> -> memref<80x128xf32, #tpu.memory_space<vmem_shared>>
      %dma_wait3A_52 = arith.constant 0 : i32
      %dma_wait3A_53 = tpu.memref_slice %arg9[%add3A_13, %dma_wait3A_52] : memref<10240x128xf32, #tpu.memory_space<vmem_shared>> -> memref<80x128xf32, #tpu.memory_space<vmem_shared>>
      tpu.wait_dma2 semaphore(%run_scoped3A : memref<!tpu.dma_semaphore, #tpu.memory_space<semaphore_mem>>) src(%arg8 : memref<80x128xf32, #tpu.memory_space<vmem>>) dst(%dma_wait3A_53 : memref<80x128xf32, #tpu.memory_space<vmem_shared>>)
      tpu.yield
    }) : () -> ()
    %mul3A_14 = arith.constant 640 : i32
    %mul3A_15 = arith.muli %arg1, %mul3A_14 : i32
    %add3A_16 = arith.constant 160 : i32
    %add3A_17 = arith.addi %mul3A_15, %add3A_16 : i32
    "tpu.region"() ({
      %run_scoped3A = tpu.sem_alloc : memref<!tpu.dma_semaphore, #tpu.memory_space<semaphore_mem>>
      %dma_start3A = arith.constant 0 : i32
      %dma_start3A_48 = tpu.memref_slice %arg9[%add3A_17, %dma_start3A] : memref<10240x128xf32, #tpu.memory_space<vmem_shared>> -> memref<80x128xf32, #tpu.memory_space<vmem_shared>>
      %dma_start3A_49 = arith.constant 0 : i32
      %dma_start3A_50 = tpu.memref_slice %arg9[%add3A_17, %dma_start3A_49] : memref<10240x128xf32, #tpu.memory_space<vmem_shared>> -> memref<80x128xf32, #tpu.memory_space<vmem_shared>>
      tpu.enqueue_dma source(%arg8 : memref<80x128xf32, #tpu.memory_space<vmem>>) target(%dma_start3A_50 : memref<80x128xf32, #tpu.memory_space<vmem_shared>>) target_semaphore(%run_scoped3A : memref<!tpu.dma_semaphore, #tpu.memory_space<semaphore_mem>>)
      %dma_wait3A = arith.constant 0 : i32
      %dma_wait3A_51 = tpu.memref_slice %arg9[%add3A_17, %dma_wait3A] : memref<10240x128xf32, #tpu.memory_space<vmem_shared>> -> memref<80x128xf32, #tpu.memory_space<vmem_shared>>
      %dma_wait3A_52 = arith.constant 0 : i32
      %dma_wait3A_53 = tpu.memref_slice %arg9[%add3A_17, %dma_wait3A_52] : memref<10240x128xf32, #tpu.memory_space<vmem_shared>> -> memref<80x128xf32, #tpu.memory_space<vmem_shared>>
      tpu.wait_dma2 semaphore(%run_scoped3A : memref<!tpu.dma_semaphore, #tpu.memory_space<semaphore_mem>>) src(%arg8 : memref<80x128xf32, #tpu.memory_space<vmem>>) dst(%dma_wait3A_53 : memref<80x128xf32, #tpu.memory_space<vmem_shared>>)
      tpu.yield
    }) : () -> ()
    %mul3A_18 = arith.constant 640 : i32
    %mul3A_19 = arith.muli %arg1, %mul3A_18 : i32
    %add3A_20 = arith.constant 240 : i32
    %add3A_21 = arith.addi %mul3A_19, %add3A_20 : i32
    "tpu.region"() ({
      %run_scoped3A = tpu.sem_alloc : memref<!tpu.dma_semaphore, #tpu.memory_space<semaphore_mem>>
      %dma_start3A = arith.constant 0 : i32
      %dma_start3A_48 = tpu.memref_slice %arg9[%add3A_21, %dma_start3A] : memref<10240x128xf32, #tpu.memory_space<vmem_shared>> -> memref<80x128xf32, #tpu.memory_space<vmem_shared>>
      %dma_start3A_49 = arith.constant 0 : i32
      %dma_start3A_50 = tpu.memref_slice %arg9[%add3A_21, %dma_start3A_49] : memref<10240x128xf32, #tpu.memory_space<vmem_shared>> -> memref<80x128xf32, #tpu.memory_space<vmem_shared>>
      tpu.enqueue_dma source(%arg8 : memref<80x128xf32, #tpu.memory_space<vmem>>) target(%dma_start3A_50 : memref<80x128xf32, #tpu.memory_space<vmem_shared>>) target_semaphore(%run_scoped3A : memref<!tpu.dma_semaphore, #tpu.memory_space<semaphore_mem>>)
      %dma_wait3A = arith.constant 0 : i32
      %dma_wait3A_51 = tpu.memref_slice %arg9[%add3A_21, %dma_wait3A] : memref<10240x128xf32, #tpu.memory_space<vmem_shared>> -> memref<80x128xf32, #tpu.memory_space<vmem_shared>>
      %dma_wait3A_52 = arith.constant 0 : i32
      %dma_wait3A_53 = tpu.memref_slice %arg9[%add3A_21, %dma_wait3A_52] : memref<10240x128xf32, #tpu.memory_space<vmem_shared>> -> memref<80x128xf32, #tpu.memory_space<vmem_shared>>
      tpu.wait_dma2 semaphore(%run_scoped3A : memref<!tpu.dma_semaphore, #tpu.memory_space<semaphore_mem>>) src(%arg8 : memref<80x128xf32, #tpu.memory_space<vmem>>) dst(%dma_wait3A_53 : memref<80x128xf32, #tpu.memory_space<vmem_shared>>)
      tpu.yield
    }) : () -> ()
    %mul3A_22 = arith.constant 640 : i32
    %mul3A_23 = arith.muli %arg1, %mul3A_22 : i32
    %add3A_24 = arith.constant 320 : i32
    %add3A_25 = arith.addi %mul3A_23, %add3A_24 : i32
    "tpu.region"() ({
      %run_scoped3A = tpu.sem_alloc : memref<!tpu.dma_semaphore, #tpu.memory_space<semaphore_mem>>
      %dma_start3A = arith.constant 0 : i32
      %dma_start3A_48 = tpu.memref_slice %arg9[%add3A_25, %dma_start3A] : memref<10240x128xf32, #tpu.memory_space<vmem_shared>> -> memref<80x128xf32, #tpu.memory_space<vmem_shared>>
      %dma_start3A_49 = arith.constant 0 : i32
      %dma_start3A_50 = tpu.memref_slice %arg9[%add3A_25, %dma_start3A_49] : memref<10240x128xf32, #tpu.memory_space<vmem_shared>> -> memref<80x128xf32, #tpu.memory_space<vmem_shared>>
      tpu.enqueue_dma source(%arg8 : memref<80x128xf32, #tpu.memory_space<vmem>>) target(%dma_start3A_50 : memref<80x128xf32, #tpu.memory_space<vmem_shared>>) target_semaphore(%run_scoped3A : memref<!tpu.dma_semaphore, #tpu.memory_space<semaphore_mem>>)
      %dma_wait3A = arith.constant 0 : i32
      %dma_wait3A_51 = tpu.memref_slice %arg9[%add3A_25, %dma_wait3A] : memref<10240x128xf32, #tpu.memory_space<vmem_shared>> -> memref<80x128xf32, #tpu.memory_space<vmem_shared>>
      %dma_wait3A_52 = arith.constant 0 : i32
      %dma_wait3A_53 = tpu.memref_slice %arg9[%add3A_25, %dma_wait3A_52] : memref<10240x128xf32, #tpu.memory_space<vmem_shared>> -> memref<80x128xf32, #tpu.memory_space<vmem_shared>>
      tpu.wait_dma2 semaphore(%run_scoped3A : memref<!tpu.dma_semaphore, #tpu.memory_space<semaphore_mem>>) src(%arg8 : memref<80x128xf32, #tpu.memory_space<vmem>>) dst(%dma_wait3A_53 : memref<80x128xf32, #tpu.memory_space<vmem_shared>>)
      tpu.yield
    }) : () -> ()
    %mul3A_26 = arith.constant 640 : i32
    %mul3A_27 = arith.muli %arg1, %mul3A_26 : i32
    %add3A_28 = arith.constant 400 : i32
    %add3A_29 = arith.addi %mul3A_27, %add3A_28 : i32
    "tpu.region"() ({
      %run_scoped3A = tpu.sem_alloc : memref<!tpu.dma_semaphore, #tpu.memory_space<semaphore_mem>>
      %dma_start3A = arith.constant 0 : i32
      %dma_start3A_48 = tpu.memref_slice %arg9[%add3A_29, %dma_start3A] : memref<10240x128xf32, #tpu.memory_space<vmem_shared>> -> memref<80x128xf32, #tpu.memory_space<vmem_shared>>
      %dma_start3A_49 = arith.constant 0 : i32
      %dma_start3A_50 = tpu.memref_slice %arg9[%add3A_29, %dma_start3A_49] : memref<10240x128xf32, #tpu.memory_space<vmem_shared>> -> memref<80x128xf32, #tpu.memory_space<vmem_shared>>
      tpu.enqueue_dma source(%arg8 : memref<80x128xf32, #tpu.memory_space<vmem>>) target(%dma_start3A_50 : memref<80x128xf32, #tpu.memory_space<vmem_shared>>) target_semaphore(%run_scoped3A : memref<!tpu.dma_semaphore, #tpu.memory_space<semaphore_mem>>)
      %dma_wait3A = arith.constant 0 : i32
      %dma_wait3A_51 = tpu.memref_slice %arg9[%add3A_29, %dma_wait3A] : memref<10240x128xf32, #tpu.memory_space<vmem_shared>> -> memref<80x128xf32, #tpu.memory_space<vmem_shared>>
      %dma_wait3A_52 = arith.constant 0 : i32
      %dma_wait3A_53 = tpu.memref_slice %arg9[%add3A_29, %dma_wait3A_52] : memref<10240x128xf32, #tpu.memory_space<vmem_shared>> -> memref<80x128xf32, #tpu.memory_space<vmem_shared>>
      tpu.wait_dma2 semaphore(%run_scoped3A : memref<!tpu.dma_semaphore, #tpu.memory_space<semaphore_mem>>) src(%arg8 : memref<80x128xf32, #tpu.memory_space<vmem>>) dst(%dma_wait3A_53 : memref<80x128xf32, #tpu.memory_space<vmem_shared>>)
      tpu.yield
    }) : () -> ()
    %mul3A_30 = arith.constant 640 : i32
    %mul3A_31 = arith.muli %arg1, %mul3A_30 : i32
    %add3A_32 = arith.constant 480 : i32
    %add3A_33 = arith.addi %mul3A_31, %add3A_32 : i32
    "tpu.region"() ({
      %run_scoped3A = tpu.sem_alloc : memref<!tpu.dma_semaphore, #tpu.memory_space<semaphore_mem>>
      %dma_start3A = arith.constant 0 : i32
      %dma_start3A_48 = tpu.memref_slice %arg9[%add3A_33, %dma_start3A] : memref<10240x128xf32, #tpu.memory_space<vmem_shared>> -> memref<80x128xf32, #tpu.memory_space<vmem_shared>>
      %dma_start3A_49 = arith.constant 0 : i32
      %dma_start3A_50 = tpu.memref_slice %arg9[%add3A_33, %dma_start3A_49] : memref<10240x128xf32, #tpu.memory_space<vmem_shared>> -> memref<80x128xf32, #tpu.memory_space<vmem_shared>>
      tpu.enqueue_dma source(%arg8 : memref<80x128xf32, #tpu.memory_space<vmem>>) target(%dma_start3A_50 : memref<80x128xf32, #tpu.memory_space<vmem_shared>>) target_semaphore(%run_scoped3A : memref<!tpu.dma_semaphore, #tpu.memory_space<semaphore_mem>>)
      %dma_wait3A = arith.constant 0 : i32
      %dma_wait3A_51 = tpu.memref_slice %arg9[%add3A_33, %dma_wait3A] : memref<10240x128xf32, #tpu.memory_space<vmem_shared>> -> memref<80x128xf32, #tpu.memory_space<vmem_shared>>
      %dma_wait3A_52 = arith.constant 0 : i32
      %dma_wait3A_53 = tpu.memref_slice %arg9[%add3A_33, %dma_wait3A_52] : memref<10240x128xf32, #tpu.memory_space<vmem_shared>> -> memref<80x128xf32, #tpu.memory_space<vmem_shared>>
      tpu.wait_dma2 semaphore(%run_scoped3A : memref<!tpu.dma_semaphore, #tpu.memory_space<semaphore_mem>>) src(%arg8 : memref<80x128xf32, #tpu.memory_space<vmem>>) dst(%dma_wait3A_53 : memref<80x128xf32, #tpu.memory_space<vmem_shared>>)
      tpu.yield
    }) : () -> ()
    %mul3A_34 = arith.constant 640 : i32
    %mul3A_35 = arith.muli %arg1, %mul3A_34 : i32
    %add3A_36 = arith.constant 560 : i32
    %add3A_37 = arith.addi %mul3A_35, %add3A_36 : i32
    "tpu.region"() ({
      %run_scoped3A = tpu.sem_alloc : memref<!tpu.dma_semaphore, #tpu.memory_space<semaphore_mem>>
      %dma_start3A = arith.constant 0 : i32
      %dma_start3A_48 = tpu.memref_slice %arg9[%add3A_37, %dma_start3A] : memref<10240x128xf32, #tpu.memory_space<vmem_shared>> -> memref<80x128xf32, #tpu.memory_space<vmem_shared>>
      %dma_start3A_49 = arith.constant 0 : i32
      %dma_start3A_50 = tpu.memref_slice %arg9[%add3A_37, %dma_start3A_49] : memref<10240x128xf32, #tpu.memory_space<vmem_shared>> -> memref<80x128xf32, #tpu.memory_space<vmem_shared>>
      tpu.enqueue_dma source(%arg8 : memref<80x128xf32, #tpu.memory_space<vmem>>) target(%dma_start3A_50 : memref<80x128xf32, #tpu.memory_space<vmem_shared>>) target_semaphore(%run_scoped3A : memref<!tpu.dma_semaphore, #tpu.memory_space<semaphore_mem>>)
      %dma_wait3A = arith.constant 0 : i32
      %dma_wait3A_51 = tpu.memref_slice %arg9[%add3A_37, %dma_wait3A] : memref<10240x128xf32, #tpu.memory_space<vmem_shared>> -> memref<80x128xf32, #tpu.memory_space<vmem_shared>>
      %dma_wait3A_52 = arith.constant 0 : i32
      %dma_wait3A_53 = tpu.memref_slice %arg9[%add3A_37, %dma_wait3A_52] : memref<10240x128xf32, #tpu.memory_space<vmem_shared>> -> memref<80x128xf32, #tpu.memory_space<vmem_shared>>
      tpu.wait_dma2 semaphore(%run_scoped3A : memref<!tpu.dma_semaphore, #tpu.memory_space<semaphore_mem>>) src(%arg8 : memref<80x128xf32, #tpu.memory_space<vmem>>) dst(%dma_wait3A_53 : memref<80x128xf32, #tpu.memory_space<vmem_shared>>)
      tpu.yield
    }) : () -> ()
    %barrier3A = arith.constant 0 : index
    tpu.barrier barrier_id(%barrier3A)
    %scan3A_38 = arith.constant 0 : i32
    %scan3A_39 = arith.constant 125 : i32
    %scan3A_40 = arith.addi %scan3A_38, %scan3A_39 : i32
    %scan3A_41 = arith.constant 1 : i32
    scf.for %scan3A_48 = %scan3A_38 to %scan3A_40 step %scan3A_41  : i32 {
      %mul3A_49 = arith.constant 1 : i32
      %mul3A_50 = arith.muli %scan3A_48, %mul3A_49 : i32
      %add3A_51 = arith.constant 0 : i32
      %add3A_52 = arith.addi %add3A_51, %mul3A_50 : i32
      "tpu.region"() ({
        %run_scoped3A = tpu.sem_alloc : memref<!tpu.dma_semaphore, #tpu.memory_space<semaphore_mem>>
        %dma_start3A = arith.constant 0 : i32
        %dma_start3A_53 = tpu.memref_slice %arg6[%add3A_52, %dma_start3A] : memref<125x80xi32, #tpu.memory_space<vmem>> -> memref<1x80xi32, #tpu.memory_space<vmem>>
        %dma_start3A_54 = tpu.memref_squeeze %dma_start3A_53 : memref<1x80xi32, #tpu.memory_space<vmem>> -> memref<80xi32, #tpu.memory_space<vmem>>
        %dma_start3A_55 = arith.constant 0 : i32
        %dma_start3A_56 = arith.constant 0 : i32
        %dma_start3A_57 = tpu.memref_slice %arg2[%dma_start3A_55, %dma_start3A_56] : memref<10000x128xf32, #tpu.memory_space<hbm>> -> memref<10000x128xf32, #tpu.memory_space<hbm>>
        tpu.enqueue_indirect_dma source(%dma_start3A_57 : memref<10000x128xf32, #tpu.memory_space<hbm>>) target(%arg8 : memref<80x128xf32, #tpu.memory_space<vmem>>) offsets(%dma_start3A_54 : memref<80xi32, #tpu.memory_space<vmem>>) semaphore(%run_scoped3A : memref<!tpu.dma_semaphore, #tpu.memory_space<semaphore_mem>>)
        %dma_wait3A = arith.constant 0 : i32
        %dma_wait3A_58 = tpu.memref_slice %arg6[%add3A_52, %dma_wait3A] : memref<125x80xi32, #tpu.memory_space<vmem>> -> memref<1x80xi32, #tpu.memory_space<vmem>>
        %dma_wait3A_59 = tpu.memref_squeeze %dma_wait3A_58 : memref<1x80xi32, #tpu.memory_space<vmem>> -> memref<80xi32, #tpu.memory_space<vmem>>
        %dma_wait3A_60 = arith.constant 0 : i32
        %dma_wait3A_61 = arith.constant 0 : i32
        %dma_wait3A_62 = tpu.memref_slice %arg2[%dma_wait3A_60, %dma_wait3A_61] : memref<10000x128xf32, #tpu.memory_space<hbm>> -> memref<10000x128xf32, #tpu.memory_space<hbm>>
        tpu.wait_indirect_dma semaphore(%run_scoped3A : memref<!tpu.dma_semaphore, #tpu.memory_space<semaphore_mem>>) src(%dma_wait3A_62 : memref<10000x128xf32, #tpu.memory_space<hbm>>) dst(%arg8 : memref<80x128xf32, #tpu.memory_space<vmem>>)
        tpu.yield
      }) : () -> ()
      "tpu.region"() ({
        %run_scoped3A = tpu.sem_alloc : memref<!tpu.dma_semaphore, #tpu.memory_space<semaphore_mem>>
        %dma_start3A = arith.constant 0 : i32
        %dma_start3A_53 = tpu.memref_slice %arg7[%add3A_52, %dma_start3A] : memref<125x80xi32, #tpu.memory_space<vmem>> -> memref<1x80xi32, #tpu.memory_space<vmem>>
        %dma_start3A_54 = tpu.memref_squeeze %dma_start3A_53 : memref<1x80xi32, #tpu.memory_space<vmem>> -> memref<80xi32, #tpu.memory_space<vmem>>
        %dma_start3A_55 = arith.constant 0 : i32
        %dma_start3A_56 = arith.constant 0 : i32
        %dma_start3A_57 = tpu.memref_slice %arg9[%dma_start3A_55, %dma_start3A_56] : memref<10240x128xf32, #tpu.memory_space<vmem_shared>> -> memref<10240x128xf32, #tpu.memory_space<vmem_shared>>
        tpu.enqueue_indirect_dma source(%arg8 : memref<80x128xf32, #tpu.memory_space<vmem>>) target(%dma_start3A_57 : memref<10240x128xf32, #tpu.memory_space<vmem_shared>>) offsets(%dma_start3A_54 : memref<80xi32, #tpu.memory_space<vmem>>) semaphore(%run_scoped3A : memref<!tpu.dma_semaphore, #tpu.memory_space<semaphore_mem>>) {add = true}
        %dma_wait3A = arith.constant 0 : i32
        %dma_wait3A_58 = tpu.memref_slice %arg7[%add3A_52, %dma_wait3A] : memref<125x80xi32, #tpu.memory_space<vmem>> -> memref<1x80xi32, #tpu.memory_space<vmem>>
        %dma_wait3A_59 = tpu.memref_squeeze %dma_wait3A_58 : memref<1x80xi32, #tpu.memory_space<vmem>> -> memref<80xi32, #tpu.memory_space<vmem>>
        %dma_wait3A_60 = arith.constant 0 : i32
        %dma_wait3A_61 = arith.constant 0 : i32
        %dma_wait3A_62 = tpu.memref_slice %arg9[%dma_wait3A_60, %dma_wait3A_61] : memref<10240x128xf32, #tpu.memory_space<vmem_shared>> -> memref<10240x128xf32, #tpu.memory_space<vmem_shared>>
        tpu.wait_indirect_dma semaphore(%run_scoped3A : memref<!tpu.dma_semaphore, #tpu.memory_space<semaphore_mem>>) src(%arg8 : memref<80x128xf32, #tpu.memory_space<vmem>>) dst(%dma_wait3A_62 : memref<10240x128xf32, #tpu.memory_space<vmem_shared>>)
        tpu.yield
      }) : () -> ()
    }
    %scan3A_42 = arith.constant 125 : i32
    %barrier3A_43 = arith.constant 0 : index
    tpu.barrier barrier_id(%barrier3A_43)
    %mul3A_44 = arith.constant 640 : i32
    %mul3A_45 = arith.muli %arg1, %mul3A_44 : i32
    %mul3A_46 = arith.constant 640 : i32
    %mul3A_47 = arith.muli %arg1, %mul3A_46 : i32
    "tpu.region"() ({
      %run_scoped3A = tpu.sem_alloc : memref<!tpu.dma_semaphore, #tpu.memory_space<semaphore_mem>>
      %dma_start3A = arith.constant 0 : i32
      %dma_start3A_48 = arith.constant 0 : i32
      %dma_start3A_49 = tpu.memref_slice %arg5[%arg0, %dma_start3A, %dma_start3A_48] : memref<2x10240x128xf32, #tpu.memory_space<hbm>> -> memref<1x10240x128xf32, #tpu.memory_space<hbm>>
      %dma_start3A_50 = tpu.memref_squeeze %dma_start3A_49 : memref<1x10240x128xf32, #tpu.memory_space<hbm>> -> memref<10240x128xf32, #tpu.memory_space<hbm>>
      %dma_start3A_51 = arith.constant 0 : i32
      %dma_start3A_52 = tpu.memref_slice %dma_start3A_50[%mul3A_47, %dma_start3A_51] : memref<10240x128xf32, #tpu.memory_space<hbm>> -> memref<640x128xf32, #tpu.memory_space<hbm>>
      %dma_start3A_53 = arith.constant 0 : i32
      %dma_start3A_54 = tpu.memref_slice %arg9[%mul3A_45, %dma_start3A_53] : memref<10240x128xf32, #tpu.memory_space<vmem_shared>> -> memref<640x128xf32, #tpu.memory_space<vmem_shared>>
      tpu.enqueue_dma source(%dma_start3A_54 : memref<640x128xf32, #tpu.memory_space<vmem_shared>>) target(%dma_start3A_52 : memref<640x128xf32, #tpu.memory_space<hbm>>) target_semaphore(%run_scoped3A : memref<!tpu.dma_semaphore, #tpu.memory_space<semaphore_mem>>)
      %dma_wait3A = arith.constant 0 : i32
      %dma_wait3A_55 = arith.constant 0 : i32
      %dma_wait3A_56 = tpu.memref_slice %arg5[%arg0, %dma_wait3A, %dma_wait3A_55] : memref<2x10240x128xf32, #tpu.memory_space<hbm>> -> memref<1x10240x128xf32, #tpu.memory_space<hbm>>
      %dma_wait3A_57 = tpu.memref_squeeze %dma_wait3A_56 : memref<1x10240x128xf32, #tpu.memory_space<hbm>> -> memref<10240x128xf32, #tpu.memory_space<hbm>>
      %dma_wait3A_58 = arith.constant 0 : i32
      %dma_wait3A_59 = tpu.memref_slice %dma_wait3A_57[%mul3A_47, %dma_wait3A_58] : memref<10240x128xf32, #tpu.memory_space<hbm>> -> memref<640x128xf32, #tpu.memory_space<hbm>>
      %dma_wait3A_60 = arith.constant 0 : i32
      %dma_wait3A_61 = tpu.memref_slice %arg9[%mul3A_45, %dma_wait3A_60] : memref<10240x128xf32, #tpu.memory_space<vmem_shared>> -> memref<640x128xf32, #tpu.memory_space<vmem_shared>>
      tpu.wait_dma2 semaphore(%run_scoped3A : memref<!tpu.dma_semaphore, #tpu.memory_space<semaphore_mem>>) src(%dma_wait3A_61 : memref<640x128xf32, #tpu.memory_space<vmem_shared>>) dst(%dma_wait3A_59 : memref<640x128xf32, #tpu.memory_space<hbm>>)
      tpu.yield
    }) : () -> ()
    return
  }
}

module attributes {stable_mosaic.version = 14 : i64} {
  func.func @_tc_prep_body(%arg0: i32, %arg1: memref<1000x1xf32, #tpu.memory_space<vmem>>, %arg2: memref<1000x1xf32, #tpu.memory_space<vmem>>, %arg3: memref<1000x128xf32, #tpu.memory_space<vmem>>, %arg4: memref<128x128xf32, #tpu.memory_space<vmem>>, %arg5: memref<1000x1xf32, #tpu.memory_space<vmem>>, %arg6: memref<1000x128xf32, #tpu.memory_space<vmem>>) attributes {dimension_semantics = [#tpu.dimension_semantics<arbitrary>], iteration_bounds = array<i64: 10>, scalar_prefetch = 0 : i64, scratch_operands = 0 : i64, tpu.core_type = #tpu.core_type<tc>, window_params = [{transform_indices = @transform_0, window_bounds = array<i64: 1000, 1>}, {transform_indices = @transform_1, window_bounds = array<i64: 1000, 1>}, {transform_indices = @transform_2, window_bounds = array<i64: 1000, 128>}, {pipeline_mode = #tpu.pipeline_mode<synchronous>, transform_indices = @transform_3, window_bounds = array<i64: 128, 128>}, {transform_indices = @transform_4, window_bounds = array<i64: 1000, 1>}, {transform_indices = @transform_5, window_bounds = array<i64: 1000, 128>}]} {
    %get3A = arith.constant 0 : index
    %get3A_0 = arith.constant 0 : index
    %get3A_1 = vector.load %arg1[%get3A, %get3A_0] : memref<1000x1xf32, #tpu.memory_space<vmem>>, vector<1000x1xf32>
    %get3A_2 = arith.constant 0 : index
    %get3A_3 = arith.constant 0 : index
    %get3A_4 = vector.load %arg2[%get3A_2, %get3A_3] : memref<1000x1xf32, #tpu.memory_space<vmem>>, vector<1000x1xf32>
    %add3A = arith.addf %get3A_1, %get3A_4 : vector<1000x1xf32>
    %add3A_5 = arith.constant 1.000000e+00 : f32
    %add3A_6 = vector.broadcast %add3A_5 : f32 to vector<1000x1xf32>
    %add3A_7 = arith.addf %add3A, %add3A_6 : vector<1000x1xf32>
    %rsqrt3A = math.rsqrt %add3A_7 : vector<1000x1xf32>
    %swap3A = arith.constant 0 : index
    %swap3A_8 = arith.constant 0 : index
    %swap3A_9 = vector.load %arg5[%swap3A, %swap3A_8] : memref<1000x1xf32, #tpu.memory_space<vmem>>, vector<1000x1xf32>
    tpu.vector_store %arg5[%swap3A, %swap3A_8], %rsqrt3A {strides = array<i32>} : memref<1000x1xf32, #tpu.memory_space<vmem>>, vector<1000x1xf32>,
    %get3A_10 = arith.constant 0 : index
    %get3A_11 = arith.constant 0 : index
    %get3A_12 = vector.load %arg3[%get3A_10, %get3A_11] : memref<1000x128xf32, #tpu.memory_space<vmem>>, vector<1000x128xf32>
    %get3A_13 = arith.constant 0 : index
    %get3A_14 = arith.constant 0 : index
    %get3A_15 = vector.load %arg4[%get3A_13, %get3A_14] : memref<128x128xf32, #tpu.memory_space<vmem>>, vector<128x128xf32>
    %dot_general3A = arith.constant dense<0.000000e+00> : vector<1000x128xf32>
    %dot_general3A_16 = tpu.matmul %get3A_12, %get3A_15, %dot_general3A {dimension_numbers = #tpu.dot_dimension_numbers<[1], [0], [0], [1], [0, 0, 1, 1], [], []>, transpose_lhs_hint = false} : vector<1000x128xf32>, vector<128x128xf32>, vector<1000x128xf32> -> vector<1000x128xf32>
    %mul3A = vector.broadcast %rsqrt3A : vector<1000x1xf32> to vector<1000x128xf32>
    %mul3A_17 = arith.mulf %dot_general3A_16, %mul3A : vector<1000x128xf32>
    %swap3A_18 = arith.constant 0 : index
    %swap3A_19 = arith.constant 0 : index
    %swap3A_20 = vector.load %arg6[%swap3A_18, %swap3A_19] : memref<1000x128xf32, #tpu.memory_space<vmem>>, vector<1000x128xf32>
    tpu.vector_store %arg6[%swap3A_18, %swap3A_19], %mul3A_17 {strides = array<i32>} : memref<1000x128xf32, #tpu.memory_space<vmem>>, vector<1000x128xf32>,
    return
  }
  func.func @transform_0(%arg0: i32) -> (i32, i32) {
    %c0_i32 = arith.constant 0 : i32
    %c0_i32_0 = arith.constant 0 : i32
    return %arg0, %c0_i32 : i32, i32
  }
  func.func @transform_1(%arg0: i32) -> (i32, i32) {
    %c0_i32 = arith.constant 0 : i32
    %c0_i32_0 = arith.constant 0 : i32
    return %arg0, %c0_i32 : i32, i32
  }
  func.func @transform_2(%arg0: i32) -> (i32, i32) {
    %c0_i32 = arith.constant 0 : i32
    %c0_i32_0 = arith.constant 0 : i32
    return %arg0, %c0_i32 : i32, i32
  }
  func.func @transform_3(%arg0: i32) -> (i32, i32) {
    %c0_i32 = arith.constant 0 : i32
    %c0_i32_0 = arith.constant 0 : i32
    %c0_i32_1 = arith.constant 0 : i32
    return %c0_i32, %c0_i32_0 : i32, i32
  }
  func.func @transform_4(%arg0: i32) -> (i32, i32) {
    %c0_i32 = arith.constant 0 : i32
    %c0_i32_0 = arith.constant 0 : i32
    return %arg0, %c0_i32 : i32, i32
  }
  func.func @transform_5(%arg0: i32) -> (i32, i32) {
    %c0_i32 = arith.constant 0 : i32
    %c0_i32_0 = arith.constant 0 : i32
    return %arg0, %c0_i32 : i32, i32
  }
}

module attributes {stable_mosaic.version = 14 : i64} {
  func.func @_tc_combine_body(%arg0: i32, %arg1: memref<1000x128xf32, #tpu.memory_space<vmem>>, %arg2: memref<1000x128xf32, #tpu.memory_space<vmem>>, %arg3: memref<1000x128xf32, #tpu.memory_space<vmem>>, %arg4: memref<1000x1xf32, #tpu.memory_space<vmem>>, %arg5: memref<1x128xf32, #tpu.memory_space<vmem>>, %arg6: memref<128x128xf32, #tpu.memory_space<vmem>>, %arg7: memref<1000x128xf32, #tpu.memory_space<vmem>>) attributes {dimension_semantics = [#tpu.dimension_semantics<arbitrary>], iteration_bounds = array<i64: 10>, scalar_prefetch = 0 : i64, scratch_operands = 0 : i64, tpu.core_type = #tpu.core_type<tc>, window_params = [{transform_indices = @transform_0, window_bounds = array<i64: 1000, 128>}, {transform_indices = @transform_1, window_bounds = array<i64: 1000, 128>}, {transform_indices = @transform_2, window_bounds = array<i64: 1000, 128>}, {transform_indices = @transform_3, window_bounds = array<i64: 1000, 1>}, {pipeline_mode = #tpu.pipeline_mode<synchronous>, transform_indices = @transform_4, window_bounds = array<i64: 1, 128>}, {pipeline_mode = #tpu.pipeline_mode<synchronous>, transform_indices = @transform_5, window_bounds = array<i64: 128, 128>}, {transform_indices = @transform_6, window_bounds = array<i64: 1000, 128>}]} {
    %get3A = arith.constant 0 : index
    %get3A_0 = arith.constant 0 : index
    %get3A_1 = vector.load %arg4[%get3A, %get3A_0] : memref<1000x1xf32, #tpu.memory_space<vmem>>, vector<1000x1xf32>
    %get3A_2 = arith.constant 0 : index
    %get3A_3 = arith.constant 0 : index
    %get3A_4 = vector.load %arg1[%get3A_2, %get3A_3] : memref<1000x128xf32, #tpu.memory_space<vmem>>, vector<1000x128xf32>
    %get3A_5 = arith.constant 0 : index
    %get3A_6 = arith.constant 0 : index
    %get3A_7 = vector.load %arg2[%get3A_5, %get3A_6] : memref<1000x128xf32, #tpu.memory_space<vmem>>, vector<1000x128xf32>
    %add3A = arith.addf %get3A_4, %get3A_7 : vector<1000x128xf32>
    %get3A_8 = arith.constant 0 : index
    %get3A_9 = arith.constant 0 : index
    %get3A_10 = vector.load %arg3[%get3A_8, %get3A_9] : memref<1000x128xf32, #tpu.memory_space<vmem>>, vector<1000x128xf32>
    %add3A_11 = arith.addf %add3A, %get3A_10 : vector<1000x128xf32>
    %mul3A = vector.broadcast %get3A_1 : vector<1000x1xf32> to vector<1000x128xf32>
    %mul3A_12 = arith.mulf %mul3A, %add3A_11 : vector<1000x128xf32>
    %get3A_13 = arith.constant 0 : index
    %get3A_14 = arith.constant 0 : index
    %get3A_15 = vector.load %arg5[%get3A_13, %get3A_14] : memref<1x128xf32, #tpu.memory_space<vmem>>, vector<1x128xf32>
    %add3A_16 = vector.broadcast %get3A_15 : vector<1x128xf32> to vector<1000x128xf32>
    %add3A_17 = arith.addf %mul3A_12, %add3A_16 : vector<1000x128xf32>
    %max3A = arith.constant 0.000000e+00 : f32
    %max3A_18 = vector.broadcast %max3A : f32 to vector<1000x128xf32>
    %max3A_19 = arith.maximumf %add3A_17, %max3A_18 : vector<1000x128xf32>
    %get3A_20 = arith.constant 0 : index
    %get3A_21 = arith.constant 0 : index
    %get3A_22 = vector.load %arg6[%get3A_20, %get3A_21] : memref<128x128xf32, #tpu.memory_space<vmem>>, vector<128x128xf32>
    %dot_general3A = arith.constant dense<0.000000e+00> : vector<1000x128xf32>
    %dot_general3A_23 = tpu.matmul %max3A_19, %get3A_22, %dot_general3A {dimension_numbers = #tpu.dot_dimension_numbers<[1], [0], [0], [1], [0, 0, 1, 1], [], []>, transpose_lhs_hint = false} : vector<1000x128xf32>, vector<128x128xf32>, vector<1000x128xf32> -> vector<1000x128xf32>
    %get3A_24 = arith.constant 0 : index
    %get3A_25 = arith.constant 0 : index
    %get3A_26 = vector.load %arg4[%get3A_24, %get3A_25] : memref<1000x1xf32, #tpu.memory_space<vmem>>, vector<1000x1xf32>
    %mul3A_27 = vector.broadcast %get3A_26 : vector<1000x1xf32> to vector<1000x128xf32>
    %mul3A_28 = arith.mulf %dot_general3A_23, %mul3A_27 : vector<1000x128xf32>
    %swap3A = arith.constant 0 : index
    %swap3A_29 = arith.constant 0 : index
    %swap3A_30 = vector.load %arg7[%swap3A, %swap3A_29] : memref<1000x128xf32, #tpu.memory_space<vmem>>, vector<1000x128xf32>
    tpu.vector_store %arg7[%swap3A, %swap3A_29], %mul3A_28 {strides = array<i32>} : memref<1000x128xf32, #tpu.memory_space<vmem>>, vector<1000x128xf32>,
    return
  }
  func.func @transform_0(%arg0: i32) -> (i32, i32) {
    %c0_i32 = arith.constant 0 : i32
    %c0_i32_0 = arith.constant 0 : i32
    return %arg0, %c0_i32 : i32, i32
  }
  func.func @transform_1(%arg0: i32) -> (i32, i32) {
    %c0_i32 = arith.constant 0 : i32
    %c0_i32_0 = arith.constant 0 : i32
    return %arg0, %c0_i32 : i32, i32
  }
  func.func @transform_2(%arg0: i32) -> (i32, i32) {
    %c0_i32 = arith.constant 0 : i32
    %c0_i32_0 = arith.constant 0 : i32
    return %arg0, %c0_i32 : i32, i32
  }
  func.func @transform_3(%arg0: i32) -> (i32, i32) {
    %c0_i32 = arith.constant 0 : i32
    %c0_i32_0 = arith.constant 0 : i32
    return %arg0, %c0_i32 : i32, i32
  }
  func.func @transform_4(%arg0: i32) -> (i32, i32) {
    %c0_i32 = arith.constant 0 : i32
    %c0_i32_0 = arith.constant 0 : i32
    %c0_i32_1 = arith.constant 0 : i32
    return %c0_i32, %c0_i32_0 : i32, i32
  }
  func.func @transform_5(%arg0: i32) -> (i32, i32) {
    %c0_i32 = arith.constant 0 : i32
    %c0_i32_0 = arith.constant 0 : i32
    %c0_i32_1 = arith.constant 0 : i32
    return %c0_i32, %c0_i32_0 : i32, i32
  }
  func.func @transform_6(%arg0: i32) -> (i32, i32) {
    %c0_i32 = arith.constant 0 : i32
    %c0_i32_0 = arith.constant 0 : i32
    return %arg0, %c0_i32 : i32, i32
  }
}

module attributes {stable_mosaic.version = 14 : i64} {
  func.func @_tc_final_body(%arg0: i32, %arg1: memref<1000x128xf32, #tpu.memory_space<vmem>>, %arg2: memref<1000x128xf32, #tpu.memory_space<vmem>>, %arg3: memref<1000x128xf32, #tpu.memory_space<vmem>>, %arg4: memref<1000x1xf32, #tpu.memory_space<vmem>>, %arg5: memref<1x128xf32, #tpu.memory_space<vmem>>, %arg6: memref<1000x1xi32, #tpu.memory_space<vmem>>, %arg7: memref<128x256xf32, #tpu.memory_space<vmem>>, %arg8: memref<1x256xf32, #tpu.memory_space<vmem>>, %arg9: memref<64x256xf32, #tpu.memory_space<vmem>>, %arg10: memref<64x128xf32, #tpu.memory_space<vmem>>, %arg11: memref<64x128xf32, #tpu.memory_space<vmem>>) attributes {dimension_semantics = [#tpu.dimension_semantics<arbitrary>], iteration_bounds = array<i64: 10>, scalar_prefetch = 0 : i64, scratch_operands = 2 : i64, tpu.core_type = #tpu.core_type<tc>, window_params = [{transform_indices = @transform_0, window_bounds = array<i64: 1000, 128>}, {transform_indices = @transform_1, window_bounds = array<i64: 1000, 128>}, {transform_indices = @transform_2, window_bounds = array<i64: 1000, 128>}, {transform_indices = @transform_3, window_bounds = array<i64: 1000, 1>}, {pipeline_mode = #tpu.pipeline_mode<synchronous>, transform_indices = @transform_4, window_bounds = array<i64: 1, 128>}, {transform_indices = @transform_5, window_bounds = array<i64: 1000, 1>}, {pipeline_mode = #tpu.pipeline_mode<synchronous>, transform_indices = @transform_6, window_bounds = array<i64: 128, 256>}, {pipeline_mode = #tpu.pipeline_mode<synchronous>, transform_indices = @transform_7, window_bounds = array<i64: 1, 256>}, {pipeline_mode = #tpu.pipeline_mode<synchronous>, transform_indices = @transform_8, window_bounds = array<i64: 64, 256>}]} {
    %get3A = arith.constant 0 : index
    %get3A_0 = arith.constant 0 : index
    %get3A_1 = vector.load %arg4[%get3A, %get3A_0] : memref<1000x1xf32, #tpu.memory_space<vmem>>, vector<1000x1xf32>
    %get3A_2 = arith.constant 0 : index
    %get3A_3 = arith.constant 0 : index
    %get3A_4 = vector.load %arg1[%get3A_2, %get3A_3] : memref<1000x128xf32, #tpu.memory_space<vmem>>, vector<1000x128xf32>
    %get3A_5 = arith.constant 0 : index
    %get3A_6 = arith.constant 0 : index
    %get3A_7 = vector.load %arg2[%get3A_5, %get3A_6] : memref<1000x128xf32, #tpu.memory_space<vmem>>, vector<1000x128xf32>
    %add3A = arith.addf %get3A_4, %get3A_7 : vector<1000x128xf32>
    %get3A_8 = arith.constant 0 : index
    %get3A_9 = arith.constant 0 : index
    %get3A_10 = vector.load %arg3[%get3A_8, %get3A_9] : memref<1000x128xf32, #tpu.memory_space<vmem>>, vector<1000x128xf32>
    %add3A_11 = arith.addf %add3A, %get3A_10 : vector<1000x128xf32>
    %mul3A = vector.broadcast %get3A_1 : vector<1000x1xf32> to vector<1000x128xf32>
    %mul3A_12 = arith.mulf %mul3A, %add3A_11 : vector<1000x128xf32>
    %get3A_13 = arith.constant 0 : index
    %get3A_14 = arith.constant 0 : index
    %get3A_15 = vector.load %arg5[%get3A_13, %get3A_14] : memref<1x128xf32, #tpu.memory_space<vmem>>, vector<1x128xf32>
    %add3A_16 = vector.broadcast %get3A_15 : vector<1x128xf32> to vector<1000x128xf32>
    %add3A_17 = arith.addf %mul3A_12, %add3A_16 : vector<1000x128xf32>
    %max3A = arith.constant 0.000000e+00 : f32
    %max3A_18 = vector.broadcast %max3A : f32 to vector<1000x128xf32>
    %max3A_19 = arith.maximumf %add3A_17, %max3A_18 : vector<1000x128xf32>
    %iota3A = tpu.iota {dimensions = array<i32: 1>} : vector<1x64xi32>
    %get3A_20 = arith.constant 0 : index
    %get3A_21 = arith.constant 0 : index
    %get3A_22 = vector.load %arg6[%get3A_20, %get3A_21] : memref<1000x1xi32, #tpu.memory_space<vmem>>, vector<1000x1xi32>
    %eq3A = vector.broadcast %get3A_22 : vector<1000x1xi32> to vector<1000x64xi32>
    %eq3A_23 = vector.broadcast %iota3A : vector<1x64xi32> to vector<1000x64xi32>
    %eq3A_24 = arith.cmpi eq, %eq3A, %eq3A_23 : vector<1000x64xi32>
    %jit3A = arith.constant 1.000000e+00 : f32
    %jit3A_25 = arith.constant 0.000000e+00 : f32
    %broadcast_in_dim3A = vector.broadcast %jit3A : f32 to vector<1000x64xf32>
    %broadcast_in_dim3A_26 = vector.broadcast %jit3A_25 : f32 to vector<1000x64xf32>
    %select_n3A = arith.select %eq3A_24, %broadcast_in_dim3A, %broadcast_in_dim3A_26 : vector<1000x64xi1>, vector<1000x64xf32>
    %dot_general3A = arith.constant dense<0.000000e+00> : vector<64x128xf32>
    %dot_general3A_27 = tpu.matmul %select_n3A, %max3A_19, %dot_general3A {dimension_numbers = #tpu.dot_dimension_numbers<[0], [0], [1], [1], [0, 1, 1, 1], [], []>, transpose_lhs_hint = false} : vector<1000x64xf32>, vector<1000x128xf32>, vector<64x128xf32> -> vector<64x128xf32>
    %broadcast_in_dim3A_28 = arith.constant 1.000000e+00 : f32
    %broadcast_in_dim3A_29 = vector.broadcast %broadcast_in_dim3A_28 : f32 to vector<1000x128xf32>
    %dot_general3A_30 = arith.constant dense<0.000000e+00> : vector<64x128xf32>
    %dot_general3A_31 = tpu.matmul %select_n3A, %broadcast_in_dim3A_29, %dot_general3A_30 {dimension_numbers = #tpu.dot_dimension_numbers<[0], [0], [1], [1], [0, 1, 1, 1], [], []>, transpose_lhs_hint = false} : vector<1000x64xf32>, vector<1000x128xf32>, vector<64x128xf32> -> vector<64x128xf32>
    %eq3A_32 = arith.constant 0 : i32
    %eq3A_33 = arith.cmpi eq, %arg0, %eq3A_32 : i32
    %convert_element_type3A = arith.extui %eq3A_33 : i1 to i32
    %cond3A = arith.constant 0 : i32
    %cond3A_34 = arith.cmpi ne, %convert_element_type3A, %cond3A : i32
    scf.if %cond3A_34 {
      %swap3A = arith.constant 0 : index
      %swap3A_44 = arith.constant 0 : index
      %swap3A_45 = vector.load %arg10[%swap3A, %swap3A_44] : memref<64x128xf32, #tpu.memory_space<vmem>>, vector<64x128xf32>
      tpu.vector_store %arg10[%swap3A, %swap3A_44], %dot_general3A_27 {strides = array<i32>} : memref<64x128xf32, #tpu.memory_space<vmem>>, vector<64x128xf32>,
      %swap3A_46 = arith.constant 0 : index
      %swap3A_47 = arith.constant 0 : index
      %swap3A_48 = vector.load %arg11[%swap3A_46, %swap3A_47] : memref<64x128xf32, #tpu.memory_space<vmem>>, vector<64x128xf32>
      tpu.vector_store %arg11[%swap3A_46, %swap3A_47], %dot_general3A_31 {strides = array<i32>} : memref<64x128xf32, #tpu.memory_space<vmem>>, vector<64x128xf32>,
    } else {
    }
    %gt3A = arith.constant 0 : i32
    %gt3A_35 = arith.cmpi sgt, %arg0, %gt3A : i32
    %convert_element_type3A_36 = arith.extui %gt3A_35 : i1 to i32
    %cond3A_37 = arith.constant 0 : i32
    %cond3A_38 = arith.cmpi ne, %convert_element_type3A_36, %cond3A_37 : i32
    scf.if %cond3A_38 {
      %get3A_44 = arith.constant 0 : index
      %get3A_45 = arith.constant 0 : index
      %get3A_46 = vector.load %arg10[%get3A_44, %get3A_45] : memref<64x128xf32, #tpu.memory_space<vmem>>, vector<64x128xf32>
      %add3A_47 = arith.addf %get3A_46, %dot_general3A_27 : vector<64x128xf32>
      %swap3A = arith.constant 0 : index
      %swap3A_48 = arith.constant 0 : index
      %swap3A_49 = vector.load %arg10[%swap3A, %swap3A_48] : memref<64x128xf32, #tpu.memory_space<vmem>>, vector<64x128xf32>
      tpu.vector_store %arg10[%swap3A, %swap3A_48], %add3A_47 {strides = array<i32>} : memref<64x128xf32, #tpu.memory_space<vmem>>, vector<64x128xf32>,
      %get3A_50 = arith.constant 0 : index
      %get3A_51 = arith.constant 0 : index
      %get3A_52 = vector.load %arg11[%get3A_50, %get3A_51] : memref<64x128xf32, #tpu.memory_space<vmem>>, vector<64x128xf32>
      %add3A_53 = arith.addf %get3A_52, %dot_general3A_31 : vector<64x128xf32>
      %swap3A_54 = arith.constant 0 : index
      %swap3A_55 = arith.constant 0 : index
      %swap3A_56 = vector.load %arg11[%swap3A_54, %swap3A_55] : memref<64x128xf32, #tpu.memory_space<vmem>>, vector<64x128xf32>
      tpu.vector_store %arg11[%swap3A_54, %swap3A_55], %add3A_53 {strides = array<i32>} : memref<64x128xf32, #tpu.memory_space<vmem>>, vector<64x128xf32>,
    } else {
    }
    %eq3A_39 = arith.constant 9 : i32
    %eq3A_40 = arith.cmpi eq, %arg0, %eq3A_39 : i32
    %convert_element_type3A_41 = arith.extui %eq3A_40 : i1 to i32
    %cond3A_42 = arith.constant 0 : i32
    %cond3A_43 = arith.cmpi ne, %convert_element_type3A_41, %cond3A_42 : i32
    scf.if %cond3A_43 {
      %get3A_44 = arith.constant 0 : index
      %get3A_45 = arith.constant 0 : index
      %get3A_46 = vector.load %arg10[%get3A_44, %get3A_45] : memref<64x128xf32, #tpu.memory_space<vmem>>, vector<64x128xf32>
      %get3A_47 = arith.constant 0 : index
      %get3A_48 = arith.constant 0 : index
      %get3A_49 = vector.load %arg11[%get3A_47, %get3A_48] : memref<64x128xf32, #tpu.memory_space<vmem>>, vector<64x128xf32>
      %max3A_50 = arith.constant 1.000000e+00 : f32
      %max3A_51 = vector.broadcast %max3A_50 : f32 to vector<64x128xf32>
      %max3A_52 = arith.maximumf %get3A_49, %max3A_51 : vector<64x128xf32>
      %div3A = arith.divf %get3A_46, %max3A_52 : vector<64x128xf32>
      %get3A_53 = arith.constant 0 : index
      %get3A_54 = arith.constant 0 : index
      %get3A_55 = vector.load %arg7[%get3A_53, %get3A_54] : memref<128x256xf32, #tpu.memory_space<vmem>>, vector<128x256xf32>
      %dot_general3A_56 = arith.constant dense<0.000000e+00> : vector<64x256xf32>
      %dot_general3A_57 = tpu.matmul %div3A, %get3A_55, %dot_general3A_56 {dimension_numbers = #tpu.dot_dimension_numbers<[1], [0], [0], [1], [0, 0, 1, 1], [], []>, transpose_lhs_hint = false} : vector<64x128xf32>, vector<128x256xf32>, vector<64x256xf32> -> vector<64x256xf32>
      %get3A_58 = arith.constant 0 : index
      %get3A_59 = arith.constant 0 : index
      %get3A_60 = vector.load %arg8[%get3A_58, %get3A_59] : memref<1x256xf32, #tpu.memory_space<vmem>>, vector<1x256xf32>
      %add3A_61 = vector.broadcast %get3A_60 : vector<1x256xf32> to vector<64x256xf32>
      %add3A_62 = arith.addf %dot_general3A_57, %add3A_61 : vector<64x256xf32>
      %swap3A = arith.constant 0 : index
      %swap3A_63 = arith.constant 0 : index
      %swap3A_64 = vector.load %arg9[%swap3A, %swap3A_63] : memref<64x256xf32, #tpu.memory_space<vmem>>, vector<64x256xf32>
      tpu.vector_store %arg9[%swap3A, %swap3A_63], %add3A_62 {strides = array<i32>} : memref<64x256xf32, #tpu.memory_space<vmem>>, vector<64x256xf32>,
    } else {
    }
    return
  }
  func.func @transform_0(%arg0: i32) -> (i32, i32) {
    %c0_i32 = arith.constant 0 : i32
    %c0_i32_0 = arith.constant 0 : i32
    return %arg0, %c0_i32 : i32, i32
  }
  func.func @transform_1(%arg0: i32) -> (i32, i32) {
    %c0_i32 = arith.constant 0 : i32
    %c0_i32_0 = arith.constant 0 : i32
    return %arg0, %c0_i32 : i32, i32
  }
  func.func @transform_2(%arg0: i32) -> (i32, i32) {
    %c0_i32 = arith.constant 0 : i32
    %c0_i32_0 = arith.constant 0 : i32
    return %arg0, %c0_i32 : i32, i32
  }
  func.func @transform_3(%arg0: i32) -> (i32, i32) {
    %c0_i32 = arith.constant 0 : i32
    %c0_i32_0 = arith.constant 0 : i32
    return %arg0, %c0_i32 : i32, i32
  }
  func.func @transform_4(%arg0: i32) -> (i32, i32) {
    %c0_i32 = arith.constant 0 : i32
    %c0_i32_0 = arith.constant 0 : i32
    %c0_i32_1 = arith.constant 0 : i32
    return %c0_i32, %c0_i32_0 : i32, i32
  }
  func.func @transform_5(%arg0: i32) -> (i32, i32) {
    %c0_i32 = arith.constant 0 : i32
    %c0_i32_0 = arith.constant 0 : i32
    return %arg0, %c0_i32 : i32, i32
  }
  func.func @transform_6(%arg0: i32) -> (i32, i32) {
    %c0_i32 = arith.constant 0 : i32
    %c0_i32_0 = arith.constant 0 : i32
    %c0_i32_1 = arith.constant 0 : i32
    return %c0_i32, %c0_i32_0 : i32, i32
  }
  func.func @transform_7(%arg0: i32) -> (i32, i32) {
    %c0_i32 = arith.constant 0 : i32
    %c0_i32_0 = arith.constant 0 : i32
    %c0_i32_1 = arith.constant 0 : i32
    return %c0_i32, %c0_i32_0 : i32, i32
  }
  func.func @transform_8(%arg0: i32) -> (i32, i32) {
    %c0_i32 = arith.constant 0 : i32
    %c0_i32_0 = arith.constant 0 : i32
    %c0_i32_1 = arith.constant 0 : i32
    return %c0_i32, %c0_i32_0 : i32, i32
  }
}

</mosaic_0001>

<sc_bundles>
// kernel: kernel.10.cloned.1.call-start
scs
__scs_entry_jumppad:
0x0: {  	(pc) =	sbr.rel $0x88, $3  }
0x1: {  	(tag) =	ssettag $0x0;
	lr =	simm.s32 $0x1  }
0x2: {  	[smem:$0x3F96] =	sst lr;
	_ =	strace $0xD0000000  }
0x3: {  	_ = 	snop  }
0x4: {  	_ = 	snop  }
0x5: {  	_ = 	snop  }
0x6: {  	_ = 	snop  }
0x7: {  	_ = 	snop  }
__scs_overlays_trampoline_lowered:
0x8: {  	[smem:$0x3FA5] =	sst s0  }
0x9: {  	[smem:$0x3FA6] =	sst s1  }
0xa: {  	[smem:$0x3FA7] =	sst s2  }
0xb: {  	[smem:$0x3FA8] =	sst s3  }
0xc: {  	[smem:$0x3FA9] =	sst s4  }
0xd: {  	[smem:$0x3FAA] =	sst s5  }
0xe: {  	[smem:$0x3FAB] =	sst s6  }
0xf: {  	[smem:$0x3FAC] =	sst s7  }
0x10: {  	[smem:$0x3FAD] =	sst s8  }
0x11: {  	[smem:$0x3FAE] =	sst s9;
	s0 =	simm.s32 @!p0 $0x0  }
0x12: {  	s1 =	sld [smem:$0x3F94];
	s0 =	simm.s32 @p0 $0x1  }
0x13: {  	[smem:$0x3FAF] =	sst s0;
	s0 =	simm.s32 @!p1 $0x0  }
0x14: {  	s2 =	sld [smem:$0x3F93];
	s0 =	simm.s32 @p1 $0x1  }
0x15: {  	[smem:$0x3FB0] =	sst s0;
	s0 =	simm.s32 @!p2 $0x0  }
0x16: {  	s3 =	sld [smem:$0x3FDB];
	s0 =	simm.s32 @p2 $0x1  }
0x17: {  	s4 =	simm.s32 $0x1BF5;
	[smem:$0x3FB2] =	sst s0  }
0x18: {  	s0 =	sld [smem:$0x3F95];
	_ =	swait.ge [sflag:s4], $0x0  }
0x19: {  	s7 =	sld [smem:$0x3F96]  }
0x1a: {  	s8 =	sadd.s32 $0xFFFFE003, lr  }
0x1b: {  	s9 =	sadd.s32 $0xFFFFFEF7, lr;
	s5 =	simm.s32 $0xFFFFFFFF;
	p2 =	slt.u32 s8, $0xFFFFF086  }
0x1c: {  	p1 =	slt.u32 s9, $0xF7A;
	s5 =	simm.s32 @!p2 $0x0  }
0x1d: {  	s5 =	simm.s32 @p1 $0x1;
	p0 =	seq.s32 s7, s2  }
0x1e: {  	s7 =	smul.u32 @!p0 $0xF7A, s2;
	p2 =	seq.s32 @!p0 s5, $0x0  }
0x1f: {  	s9 =	smul.u32 $0xF7A, s1;
	s8 =	simm.s32 @!p0 $0x1BF5;
	p2 =	por !p2, p0  }
0x20: {  	[sflag:s8] =	ssyncset.s32 @!p0 $0xFFFFF086;
	s6 =	sadd.s32 @!p0 s3, s7;
	s7 =	simm.s32 @!p0 $0x108  }
0x21: {  	s3 =	sadd.s32 s3, s9;
	s6 =	sadd.s32 @!p0 $0x88, s6;
	s7 =	simm.s32 @p2 $0x1082  }
0x22: {  	[simem:s7], [sflag:s8] =	dma.local @!p0 [hbm:s6], $0xF7A  }
0x23: {  	s9 =	sor.u32 $0xD0000000, s2;
	s6 =	simm.s32 $0x108;
	_ =	swait.ge @!p0 [sflag:s8], $0x0  }
0x24: {  	s3 =	sadd.s32 $0x88, s3;
	s6 =	simm.s32 @!p1 $0x1082;
	[sflag:s4] =	ssyncset.s32 $0xFFFFF086  }
0x25: {  	[simem:s6], [sflag:s4] =	dma.local [hbm:s3], $0xF7A  }
0x26: {  	[smem:$0x3F96] =	sst s1;
	(tag) =	ssettag s2;
	_ =	strace s9  }
0x27: {  	s1 =	sld [smem:$0x3FA6]  }
0x28: {  	s2 =	sld [smem:$0x3FA7]  }
0x29: {  	s4 =	sld [smem:$0x3FA9]  }
0x2a: {  	p0 =	seq.s32 s5, $0x0;
	s5 =	sld [smem:$0x3FAA]  }
0x2b: {  	s6 =	sld [smem:$0x3FAB]  }
0x2c: {  	s7 =	sld [smem:$0x3FAC]  }
0x2d: {  	s3 =	simm.s32 $0x108;
	s8 =	sld [smem:$0x3FAD]  }
0x2e: {  	s3 =	simm.s32 @!p0 $0x1082;
	s9 =	sld [smem:$0x3FAE]  }
0x2f: {  	lr =	sadd.s32 s0, s3;
	s0 =	sld [smem:$0x3FA5]  }
0x30: {  	s3 =	sld [smem:$0x3FA8]  }
0x31: {  	[smem:$0x3FB1] =	sst s10  }
0x32: {  	s10 =	sld [smem:$0x3FAF];
	_ =	sdelay $0x3  }
0x33: {  	p0 =	seq.s32 s10, $0x1;
	s10 =	sld [smem:$0x3FB1];
	_ =	sdelay $0x3  }
0x34: {  	[smem:$0x3FB1] =	sst s10  }
0x35: {  	s10 =	sld [smem:$0x3FB0];
	_ =	sdelay $0x3  }
0x36: {  	p1 =	seq.s32 s10, $0x1;
	s10 =	sld [smem:$0x3FB1];
	_ =	sdelay $0x3  }
0x37: {  	[smem:$0x3FB1] =	sst s10  }
0x38: {  	s10 =	sld [smem:$0x3FB2]  }
0x39: {  	_ = 	snop;
	(pc) =	sbr.ind lr, $3  }
0x3a: {  	_ = 	snop  }
0x3b: {  	_ = 	snop  }
0x3c: {  	p2 =	seq.s32 s10, $0x1;
	s10 =	sld [smem:$0x3FB1]  }
0x3d: {  	_ =	shalt  }
0x3e: {  	_ =	shalt  }
0x3f: {  	_ =	shalt  }
0x40: {  	_ =	shalt  }
0x41: {  	_ =	shalt  }
0x42: {  	_ =	shalt  }
0x43: {  	_ =	shalt  }
0x44: {  	_ =	shalt  }
0x45: {  	_ =	shalt  }
0x46: {  	_ =	shalt  }
0x47: {  	_ =	shalt  }
0x48: {  	_ =	shalt  }
0x49: {  	_ =	shalt  }
0x4a: {  	_ =	shalt  }
0x4b: {  	_ =	shalt  }
0x4c: {  	_ =	shalt  }
0x4d: {  	_ =	shalt  }
0x4e: {  	_ =	shalt  }
0x4f: {  	_ =	shalt  }
0x50: {  	_ =	shalt  }
0x51: {  	_ =	shalt  }
0x52: {  	_ =	shalt  }
0x53: {  	_ =	shalt  }
0x54: {  	_ =	shalt  }
0x55: {  	_ =	shalt  }
0x56: {  	_ =	shalt  }
0x57: {  	_ =	shalt  }
0x58: {  	_ =	shalt  }
0x59: {  	_ =	shalt  }
0x5a: {  	_ =	shalt  }
0x5b: {  	_ =	shalt  }
0x5c: {  	_ =	shalt  }
0x5d: {  	_ =	shalt  }
0x5e: {  	_ =	shalt  }
0x5f: {  	_ =	shalt  }
0x60: {  	_ =	shalt  }
0x61: {  	_ =	shalt  }
0x62: {  	_ =	shalt  }
0x63: {  	_ =	shalt  }
0x64: {  	_ =	shalt  }
0x65: {  	_ =	shalt  }
0x66: {  	_ =	shalt  }
0x67: {  	_ =	shalt  }
0x68: {  	_ =	shalt  }
0x69: {  	_ =	shalt  }
0x6a: {  	_ =	shalt  }
0x6b: {  	_ =	shalt  }
0x6c: {  	_ =	shalt  }
0x6d: {  	_ =	shalt  }
0x6e: {  	_ =	shalt  }
0x6f: {  	_ =	shalt  }
0x70: {  	_ =	shalt  }
0x71: {  	_ =	shalt  }
0x72: {  	_ =	shalt  }
0x73: {  	_ =	shalt  }
0x74: {  	_ =	shalt  }
0x75: {  	_ =	shalt  }
0x76: {  	_ =	shalt  }
0x77: {  	_ =	shalt  }
0x78: {  	_ =	shalt  }
0x79: {  	_ =	shalt  }
0x7a: {  	_ =	shalt  }
0x7b: {  	_ =	shalt  }
0x7c: {  	_ =	shalt  }
0x7d: {  	_ =	shalt  }
0x7e: {  	_ =	shalt  }
0x7f: {  	_ =	shalt  }
0x80: {  	_ =	shalt  }
0x81: {  	_ =	shalt  }
0x82: {  	_ =	shalt  }
0x83: {  	_ =	shalt  }
0x84: {  	_ =	shalt  }
0x85: {  	_ =	shalt  }
0x86: {  	_ =	shalt  }
0x87: {  	_ =	shalt  }
.Lfunc_end0:
.L_simem_size_0:
called_computation_lowered:
.L_overlay_start_0:
0x88: {  	s2 =	sld [smem:$0x3FD9]  }
0x89: {  	s3 =	sld [smem:$0x3FFE];
	_ =	sdelay $0x1  }
0x8a: {  	s1 =	srdreg.scid  }
0x8b: {  	s0 =	sand.u32 $0x1, s1  }
0x8c: {  	s16 =	sshll.u32 s0, $0xA;
	s2 =	sadd.s32 s3, s2  }
0x8d: {  	s2 =	sadd.s32 s2, s16  }
0x8e: {  	[smem:$0x3FBD] =	sst s2  }
0x8f: {  	_ = 	snop  }
0x90: {  	(tm) =	ssettm $0x1  }
0x91: {  	s17 =	sld [smem:$0x3FFB];
	_ =	sdelay $0x3  }
0x92: {  	_ =	strace s17  }
0x93: {  	s2 =	sld [smem:$0x3FFC];
	_ =	sdelay $0x3  }
0x94: {  	_ =	strace s2  }
0x95: {  	s2 =	sld [smem:$0x3FFD];
	_ =	sdelay $0x3  }
0x96: {  	_ =	strace s2  }
0x97: {  	_ =	strace $0x8FFFFFFF  }
0x98: {  	s18 =	sld [smem:$0x3FDB];
	_ =	sdelay $0x1  }
0x99: {  	s19 =	simm.s32 $_scs_section_size  }
0x9a: {  	s4 =	simm.s32 $_size__tile_overlayer_lowered;
	s5 =	simm.s32 $_tile_overlayer_lowered  }
0x9b: {  	s22 =	simm.s32 $0x1BFF;
	s21 =	sshll.u32 s5, $0x1;
	s2 =	sadd.s32 s19, s18  }
0x9c: {  	s6 =	simm.s32 $0x0;
	s20 =	sshll.u32 s4, $0x1;
	s4 =	sadd.s32 s21, s2  }
0x9d: {  	[timem:s6], [sflag:s22] =	dma.local [hbm:s4], s20  }
0x9e: {  	_ =	swait.ge [sflag:s22], s20  }
0x9f: {  	s3 =	ssub.s32 $0x0, s20;
	[sflag:s22] =	ssyncset.done $0x0  }
0xa0: {  	[sflag:s22] =	ssyncadd.s32 s3;
	_ =	sdelay $0x1  }
0xa1: {  	s23 =	simm.s32 $0x1B8B  }
0xa2: {  	_ =	swait.ge [sflag:s23], $0x1  }
0xa3: {  	[sflag:s23] =	ssyncset.done $0x0  }
0xa4: {  	s25 =	simm.s32 $0x1B8E;
	s24 =	sld [smem:$0x3FFE];
	[sflag:s23] =	ssyncadd.s32 $0xFFFFFFFF  }
0xa5: {  	s26 =	simm.s32 $execute0_lowered;
	[smem:$0x3FD2] =	sst s25  }
0xa6: {  	s4 =	sshll.u32 s26, $0x1;
	_ =	strace $0x80000046;
	[dreg:$0x1] =	wrdreg $0xFFFFFFFF  }
0xa7: {  	s28 =	simm.s32 $_size_execute0_lowered;
	s2 =	sadd.s32 s2, s4;
	[dreg:$0x0] =	wrdreg $0x0  }
0xa8: {  	s4 =	sshll.u32 s28, $0x1;
	[dreg:$0x2] =	wrdreg s2  }
0xa9: {  	[dreg:$0x3] =	wrdreg s4  }
0xaa: {  	[dreg:$0x4] =	wrdreg $0xC0  }
0xab: {  	_ =	task [dreg:s6], $0x5FFFF  }
0xac: {  	[dreg:$0x1] =	wrdreg $0xFFFFFFFF  }
0xad: {  	[dreg:$0x0] =	wrdreg $0x60  }
0xae: {  	[dreg:$0x2] =	wrdreg s24  }
0xaf: {  	[dreg:$0x3] =	wrdreg $0x43000  }
0xb0: {  	[dreg:$0x4] =	wrdreg $0x9  }
0xb1: {  	_ =	task.clear_ibuf [dreg:s6], $0x5FFFF;
	_ =	strace $0x90000046  }
0xb2: {  	s29 =	simm.s32 $0x9;
	_ =	strace $0x80000048  }
0xb3: {  	_ =	swait.ge [sflag:s29], $0x1  }
0xb4: {  	[sflag:s29] =	ssyncadd.s32 $0xFFFFFFFF  }
0xb5: {  	_ =	strace $0x90000048  }
0xb6: {  	_ =	sfence  }
0xb7: {  	s30 =	sld [smem:$0x0];
	_ =	sdelay $0x2  }
0xb8: {  	s31 =	sshll.u32 s1, $0xD;
	s1 =	sshrl.u32 s1, $0x2  }
0xb9: {  	s3 =	sand.u32 $0x4000, s31;
	s1 =	sadd.s32 s1, s30  }
0xba: {  	s0 =	sor.u32 s3, s0;
	s1 =	sshll.u32 s1, $0x11  }
0xbb: {  	s0 =	sor.u32 s1, s0  }
0xbc: {  	s0 =	sadd.s32 $0x8F2B, s0  }
0xbd: {  	[sflag:s0] =	ssyncadd.remote.s32 $0x1  }
0xbe: {  	_ =	sfence.sel $0xFFFF  }
0xbf: {  	[dreg:$0x0] =	wrdreg $0xFFFFFFFF;
	(pc) =	sbr.abs _section_cstart, $3  }
0xc0: {  	[dreg:$0x1] =	wrdreg $0xFFFFFFFF  }
0xc1: {  	_ =	task.clear_ibuf [dreg:s6], $0x2FFFF;
	_ =	strace $0x9FFFFFFF  }
0xc2: {  	(tm) =	ssettm $0x7FFFFFFF  }
0xc3: {  	_ =	shalt  }
tec
execute0_lowered:
.L_overlay_start_1:
0x0: {  	(tag) =	ssettag $0x1  }
0x1: {  	s4 =	rddreg [dreg:$0x0]  }
0x2: {  	s2 =	rddreg [dreg:$0x1]  }
0x3: {  	s0 =	rddreg [dreg:$0x2];
	s1 =	stileid.u32  }
0x4: {  	s5 =	srdreg.scid;
	s3 =	simm.s32 $0x0;
	s10 =	simm.s32 $0x50  }
0x5: {  	s11 =	simm.s32 $0x4000;
	s14 =	simm.s32 $0x20;
	s15 =	simm.s32 $0x10  }
0x6: {  	s16 =	simm.s32 $0x0;
	s5 =	sand.u32 $0x1, s5;
	s6 =	smul.u32 $0x500, s1  }
0x7: {  	[smem:$0x7FF] =	sst s3;
	s8 =	sshll.u32 s1, $0xB;
	s28 =	smul.u32 $0xA00, s1  }
0x8: {  	s12 =	sshll.u32 s1, $0x6;
	s7 =	sshll.u32 s5, $0x7;
	_ =	strace $0x80000047  }
0x9: {  	s26 =	sadd.s32 s8, s4;
	s29 =	ssub.s32 $0x2, s5;
	s5 =	sshll.u32 s5, $0xF  }
0xa: {  	s8 =	simm.s32 $0x1;
	s12 =	sor.u32 $0x1C01, s12;
	s6 =	sor.u32 s7, s6  }
0xb: {  	s9 =	sshrl.u32 s29, $0x1;
	s5 =	sadd.s32 s5, s26;
	s30 =	sshrl.u32 s28, $0x2  }
0xc: {  	s6 =	sshrl.u32 s6, $0x3;
	s31 =	ssub.s32 s29, s9;
	s9 =	simm.s32 $0x4080  }
0xd: {  	s6 =	sadd.s32 s6, s4;
	s4 =	sadd.s32 $0x4C00, s5;
	s5 =	sadd.s32 s30, s2  }
0xe: {  	v0 =	vimm.f32 $1.000000000e+00;
	v1 =	vimm.f32 $0.0e+00;
	s7 =	smax.u32 s31, $0x1;
	s6 =	sadd.s32 $0x14C00, s6;
	s13 =	sshrl.u32 s5, $0x3  }
.LBB2_1:
0xf: {  	[tilespmem:s3], [sflag:$0x1] =	stream.linear.gather [hbm4b:s4+s3], $0x3E80, $0x38;
	[tilespmem:$0x4580] =	vst v63  }
0x10: {  	_ =	swait.ge [sflag:s8], $0x3E80  }
0x11: {  	[sflag:s8] =	ssyncset.done $0x0  }
0x12: {  	[sflag:s8] =	ssyncadd.s32 $0xFFFFC180  }
0x13: {  	[tilespmem:$0x4000] =	vst v0  }
0x14: {  	[tilespmem:$0x4010] =	vst v0  }
0x15: {  	[tilespmem:$0x4020] =	vst v0  }
0x16: {  	[tilespmem:$0x4030] =	vst v0  }
0x17: {  	[tilespmem:$0x4040] =	vst v0  }
0x18: {  	[tilespmem:$0x4080] =	vst v1  }
0x19: {  	[tilespmem:$0x4090] =	vst v1  }
0x1a: {  	[tilespmem:$0x40A0] =	vst v1  }
0x1b: {  	[tilespmem:$0x40B0] =	vst v1  }
0x1c: {  	[tilespmem:$0x40C0] =	vst v1  }
0x1d: {  	[tilespmem:$0x40D0] =	vst v1  }
0x1e: {  	[tilespmem:$0x40E0] =	vst v1  }
0x1f: {  	[tilespmem:$0x40F0] =	vst v1  }
0x20: {  	[tilespmem:$0x4100] =	vst v1  }
0x21: {  	[tilespmem:$0x4110] =	vst v1  }
0x22: {  	[tilespmem:$0x4120] =	vst v1  }
0x23: {  	[tilespmem:$0x4130] =	vst v1  }
0x24: {  	[tilespmem:$0x4140] =	vst v1  }
0x25: {  	[tilespmem:$0x4150] =	vst v1  }
0x26: {  	[tilespmem:$0x4160] =	vst v1  }
0x27: {  	[tilespmem:$0x4170] =	vst v1  }
0x28: {  	[tilespmem:$0x4180] =	vst v1  }
0x29: {  	[tilespmem:$0x4190] =	vst v1  }
0x2a: {  	[tilespmem:$0x41A0] =	vst v1  }
0x2b: {  	[tilespmem:$0x41B0] =	vst v1  }
0x2c: {  	[tilespmem:$0x41C0] =	vst v1  }
0x2d: {  	[tilespmem:$0x41D0] =	vst v1  }
0x2e: {  	[tilespmem:$0x41E0] =	vst v1  }
0x2f: {  	[tilespmem:$0x41F0] =	vst v1  }
0x30: {  	[tilespmem:$0x4200] =	vst v1  }
0x31: {  	[tilespmem:$0x4210] =	vst v1  }
0x32: {  	[tilespmem:$0x4220] =	vst v1  }
0x33: {  	[tilespmem:$0x4230] =	vst v1  }
0x34: {  	[tilespmem:$0x4240] =	vst v1  }
0x35: {  	[tilespmem:$0x4250] =	vst v1  }
0x36: {  	[tilespmem:$0x4260] =	vst v1  }
0x37: {  	[tilespmem:$0x4270] =	vst v1  }
0x38: {  	[tilespmem:$0x4280] =	vst v1  }
0x39: {  	[tilespmem:$0x4290] =	vst v1  }
0x3a: {  	[tilespmem:$0x42A0] =	vst v1  }
0x3b: {  	[tilespmem:$0x42B0] =	vst v1  }
0x3c: {  	[tilespmem:$0x42C0] =	vst v1  }
0x3d: {  	[tilespmem:$0x42D0] =	vst v1  }
0x3e: {  	[tilespmem:$0x42E0] =	vst v1  }
0x3f: {  	[tilespmem:$0x42F0] =	vst v1  }
0x40: {  	[spmem:s5] =	stream.linear.scatter [tilespmem:s9], [sflag:$0x1], $0x280, $0x38;
	[tilespmem:$0x4580] =	vst v63  }
0x41: {  	_ =	swait.ge [sflag:s8], $0x280  }
0x42: {  	[sflag:s8] =	ssyncset.done $0x0  }
0x43: {  	[sflag:s8] =	ssyncadd.s32 $0xFFFFFD80  }
0x44: {  	s17 =	simm.s32 $0x0;
	[bflag:$0x0] =	sbarrier.arrive $0xFFFF  }
0x45: {  	[spmem:s2] =	stream.indirect.scatter.add.f32 [tilespmem:s11], [sflag:$0x1], $0x1, s17, s10, $0xb8;
	[tilespmem:$0x4580] =	vst v63  }
0x46: {  	_ =	swait.ge [sflag:s8], $0x50  }
0x47: {  	s17 =	simm.s32 $0x200;
	[sflag:s8] =	ssyncset.done $0x0  }
.LBB2_2:
0x48: {  	s18 =	sshra.s32 s17, $0x2;
	[sflag:s8] =	ssyncadd.s32 $0xFFFFFFB0;
	p0 =	sne.s32 s17, $0xF800  }
0x49: {  	[spmem:s2] =	stream.indirect.scatter.add.f32 [tilespmem:s11], [sflag:$0x1], $0x1, s18, s10, $0xb8;
	[tilespmem:$0x4580] =	vst v63  }
.Ltmp0:
0x4a: {  	_ = 	snop;
	(pc) =	sbr.rel @p0 .LBB2_2-.Ltmp0, $4  }
0x4b: {  	_ = 	snop  }
0x4c: {  	s17 =	sadd.s32 $0x200, s17  }
0x4d: {  	_ =	swait.ge [sflag:s8], $0x50  }
0x4e: {  	[sflag:s8] =	ssyncset.done $0x0  }
0x4f: {  	s16 =	sadd.s32 $0x1, s16  }
0x50: {  	[sflag:s8] =	ssyncadd.s32 $0xFFFFFFB0;
	p0 =	sne.s32 s16, s7  }
.Ltmp1:
0x51: {  	[bflag:$0x0] =	sbarrier.arrive $0xFFFF;
	(pc) =	sbr.rel @p0 .LBB2_1-.Ltmp1, $4  }
0x52: {  	[hbm:s6@s14], [sflag:s12] =	dma.strided [spmem:s13@s15], $0x50, s8, $0x10   }
0x53: {  	_ =	swait.ge [sflag:s8], $0x50  }
0x54: {  	[sflag:s8] =	ssyncset.done $0x0  }
0x55: {  	[sflag:s8] =	ssyncadd.s32 $0xFFFFFFB0  }
0x56: {  	_ =	sfence.sel $0x180000  }
0x57: {  	[bflag:$0x0] =	sbarrier.arrive $0xFFFF  }
0x58: {  	p0 =	sne.s32 s1, $0x0;
	_ =	strace $0x90000047  }
0x59: {  	s0 =	sadd.s32 @!p0 $0x100000, s0;
	[bflag:$0x2] =	sbarrier.arrive $0xFFFF  }
0x5a: {  	[sflag:s0] =	ssyncadd.tile.s32 @!p0 $0x1;
	_ =	shalt  }
.Lfunc_end2:
_tile_overlayer_lowered:
.L_overlay_start_2:
0x5b: {  	(tag) =	ssettag $0x2  }
0x5c: {  	s0 =	rddreg [dreg:$0x0];
	s2 =	stileid.u32  }
0x5d: {  	s1 =	rddreg [dreg:$0x1];
	p0 =	sne.s32 s2, $0x0  }
0x5e: {  	s3 =	rddreg [dreg:$0x2];
	[bflag:$0x3] =	sbarrier.arrive $0xFFFF;
	s2 =	simm.s32 @!p0 $0x1C01  }
0x5f: {  	[timem:s3], [sflag:s2] =	dma.local @!p0 [hbm:s0], s1  }
0x60: {  	s0 =	simm.s32 @!p0 $0x1  }
0x61: {  	_ =	swait.ge @!p0 [sflag:s0], s1  }
0x62: {  	s1 =	ssub.s32 @!p0 $0x0, s1;
	[sflag:s0] =	ssyncset.done @!p0 $0x0  }
0x63: {  	[sflag:s0] =	ssyncadd.s32 @!p0 s1  }
0x64: {  	[bflag:$0x3] =	sbarrier.arrive $0xFFFF  }
0x65: {  	_ =	shalt  }

// kernel: kernel.13.cloned.1.call-start
scs
__scs_entry_jumppad:
0x0: {  	(pc) =	sbr.rel $0x88, $3  }
0x1: {  	(tag) =	ssettag $0x0;
	lr =	simm.s32 $0x1  }
0x2: {  	[smem:$0x3F96] =	sst lr;
	_ =	strace $0xD0000000  }
0x3: {  	_ = 	snop  }
0x4: {  	_ = 	snop  }
0x5: {  	_ = 	snop  }
0x6: {  	_ = 	snop  }
0x7: {  	_ = 	snop  }
__scs_overlays_trampoline_lowered:
0x8: {  	[smem:$0x3FA5] =	sst s0  }
0x9: {  	[smem:$0x3FA6] =	sst s1  }
0xa: {  	[smem:$0x3FA7] =	sst s2  }
0xb: {  	[smem:$0x3FA8] =	sst s3  }
0xc: {  	[smem:$0x3FA9] =	sst s4  }
0xd: {  	[smem:$0x3FAA] =	sst s5  }
0xe: {  	[smem:$0x3FAB] =	sst s6  }
0xf: {  	[smem:$0x3FAC] =	sst s7  }
0x10: {  	[smem:$0x3FAD] =	sst s8  }
0x11: {  	[smem:$0x3FAE] =	sst s9;
	s0 =	simm.s32 @!p0 $0x0  }
0x12: {  	s1 =	sld [smem:$0x3F94];
	s0 =	simm.s32 @p0 $0x1  }
0x13: {  	[smem:$0x3FAF] =	sst s0;
	s0 =	simm.s32 @!p1 $0x0  }
0x14: {  	s2 =	sld [smem:$0x3F93];
	s0 =	simm.s32 @p1 $0x1  }
0x15: {  	[smem:$0x3FB0] =	sst s0;
	s0 =	simm.s32 @!p2 $0x0  }
0x16: {  	s3 =	sld [smem:$0x3FDB];
	s0 =	simm.s32 @p2 $0x1  }
0x17: {  	s4 =	simm.s32 $0x1BF5;
	[smem:$0x3FB2] =	sst s0  }
0x18: {  	s0 =	sld [smem:$0x3F95];
	_ =	swait.ge [sflag:s4], $0x0  }
0x19: {  	s7 =	sld [smem:$0x3F96]  }
0x1a: {  	s8 =	sadd.s32 $0xFFFFE003, lr  }
0x1b: {  	s9 =	sadd.s32 $0xFFFFFEF7, lr;
	s5 =	simm.s32 $0xFFFFFFFF;
	p2 =	slt.u32 s8, $0xFFFFF086  }
0x1c: {  	p1 =	slt.u32 s9, $0xF7A;
	s5 =	simm.s32 @!p2 $0x0  }
0x1d: {  	s5 =	simm.s32 @p1 $0x1;
	p0 =	seq.s32 s7, s2  }
0x1e: {  	s7 =	smul.u32 @!p0 $0xF7A, s2;
	p2 =	seq.s32 @!p0 s5, $0x0  }
0x1f: {  	s9 =	smul.u32 $0xF7A, s1;
	s8 =	simm.s32 @!p0 $0x1BF5;
	p2 =	por !p2, p0  }
0x20: {  	[sflag:s8] =	ssyncset.s32 @!p0 $0xFFFFF086;
	s6 =	sadd.s32 @!p0 s3, s7;
	s7 =	simm.s32 @!p0 $0x108  }
0x21: {  	s3 =	sadd.s32 s3, s9;
	s6 =	sadd.s32 @!p0 $0x88, s6;
	s7 =	simm.s32 @p2 $0x1082  }
0x22: {  	[simem:s7], [sflag:s8] =	dma.local @!p0 [hbm:s6], $0xF7A  }
0x23: {  	s9 =	sor.u32 $0xD0000000, s2;
	s6 =	simm.s32 $0x108;
	_ =	swait.ge @!p0 [sflag:s8], $0x0  }
0x24: {  	s3 =	sadd.s32 $0x88, s3;
	s6 =	simm.s32 @!p1 $0x1082;
	[sflag:s4] =	ssyncset.s32 $0xFFFFF086  }
0x25: {  	[simem:s6], [sflag:s4] =	dma.local [hbm:s3], $0xF7A  }
0x26: {  	[smem:$0x3F96] =	sst s1;
	(tag) =	ssettag s2;
	_ =	strace s9  }
0x27: {  	s1 =	sld [smem:$0x3FA6]  }
0x28: {  	s2 =	sld [smem:$0x3FA7]  }
0x29: {  	s4 =	sld [smem:$0x3FA9]  }
0x2a: {  	p0 =	seq.s32 s5, $0x0;
	s5 =	sld [smem:$0x3FAA]  }
0x2b: {  	s6 =	sld [smem:$0x3FAB]  }
0x2c: {  	s7 =	sld [smem:$0x3FAC]  }
0x2d: {  	s3 =	simm.s32 $0x108;
	s8 =	sld [smem:$0x3FAD]  }
0x2e: {  	s3 =	simm.s32 @!p0 $0x1082;
	s9 =	sld [smem:$0x3FAE]  }
0x2f: {  	lr =	sadd.s32 s0, s3;
	s0 =	sld [smem:$0x3FA5]  }
0x30: {  	s3 =	sld [smem:$0x3FA8]  }
0x31: {  	[smem:$0x3FB1] =	sst s10  }
0x32: {  	s10 =	sld [smem:$0x3FAF];
	_ =	sdelay $0x3  }
0x33: {  	p0 =	seq.s32 s10, $0x1;
	s10 =	sld [smem:$0x3FB1];
	_ =	sdelay $0x3  }
0x34: {  	[smem:$0x3FB1] =	sst s10  }
0x35: {  	s10 =	sld [smem:$0x3FB0];
	_ =	sdelay $0x3  }
0x36: {  	p1 =	seq.s32 s10, $0x1;
	s10 =	sld [smem:$0x3FB1];
	_ =	sdelay $0x3  }
0x37: {  	[smem:$0x3FB1] =	sst s10  }
0x38: {  	s10 =	sld [smem:$0x3FB2]  }
0x39: {  	_ = 	snop;
	(pc) =	sbr.ind lr, $3  }
0x3a: {  	_ = 	snop  }
0x3b: {  	_ = 	snop  }
0x3c: {  	p2 =	seq.s32 s10, $0x1;
	s10 =	sld [smem:$0x3FB1]  }
0x3d: {  	_ =	shalt  }
0x3e: {  	_ =	shalt  }
0x3f: {  	_ =	shalt  }
0x40: {  	_ =	shalt  }
0x41: {  	_ =	shalt  }
0x42: {  	_ =	shalt  }
0x43: {  	_ =	shalt  }
0x44: {  	_ =	shalt  }
0x45: {  	_ =	shalt  }
0x46: {  	_ =	shalt  }
0x47: {  	_ =	shalt  }
0x48: {  	_ =	shalt  }
0x49: {  	_ =	shalt  }
0x4a: {  	_ =	shalt  }
0x4b: {  	_ =	shalt  }
0x4c: {  	_ =	shalt  }
0x4d: {  	_ =	shalt  }
0x4e: {  	_ =	shalt  }
0x4f: {  	_ =	shalt  }
0x50: {  	_ =	shalt  }
0x51: {  	_ =	shalt  }
0x52: {  	_ =	shalt  }
0x53: {  	_ =	shalt  }
0x54: {  	_ =	shalt  }
0x55: {  	_ =	shalt  }
0x56: {  	_ =	shalt  }
0x57: {  	_ =	shalt  }
0x58: {  	_ =	shalt  }
0x59: {  	_ =	shalt  }
0x5a: {  	_ =	shalt  }
0x5b: {  	_ =	shalt  }
0x5c: {  	_ =	shalt  }
0x5d: {  	_ =	shalt  }
0x5e: {  	_ =	shalt  }
0x5f: {  	_ =	shalt  }
0x60: {  	_ =	shalt  }
0x61: {  	_ =	shalt  }
0x62: {  	_ =	shalt  }
0x63: {  	_ =	shalt  }
0x64: {  	_ =	shalt  }
0x65: {  	_ =	shalt  }
0x66: {  	_ =	shalt  }
0x67: {  	_ =	shalt  }
0x68: {  	_ =	shalt  }
0x69: {  	_ =	shalt  }
0x6a: {  	_ =	shalt  }
0x6b: {  	_ =	shalt  }
0x6c: {  	_ =	shalt  }
0x6d: {  	_ =	shalt  }
0x6e: {  	_ =	shalt  }
0x6f: {  	_ =	shalt  }
0x70: {  	_ =	shalt  }
0x71: {  	_ =	shalt  }
0x72: {  	_ =	shalt  }
0x73: {  	_ =	shalt  }
0x74: {  	_ =	shalt  }
0x75: {  	_ =	shalt  }
0x76: {  	_ =	shalt  }
0x77: {  	_ =	shalt  }
0x78: {  	_ =	shalt  }
0x79: {  	_ =	shalt  }
0x7a: {  	_ =	shalt  }
0x7b: {  	_ =	shalt  }
0x7c: {  	_ =	shalt  }
0x7d: {  	_ =	shalt  }
0x7e: {  	_ =	shalt  }
0x7f: {  	_ =	shalt  }
0x80: {  	_ =	shalt  }
0x81: {  	_ =	shalt  }
0x82: {  	_ =	shalt  }
0x83: {  	_ =	shalt  }
0x84: {  	_ =	shalt  }
0x85: {  	_ =	shalt  }
0x86: {  	_ =	shalt  }
0x87: {  	_ =	shalt  }
.Lfunc_end0:
.L_simem_size_0:
called_computation.1_lowered:
.L_overlay_start_0:
0x88: {  	s2 =	sld [smem:$0x3FD9]  }
0x89: {  	s3 =	sld [smem:$0x3FFE];
	_ =	sdelay $0x1  }
0x8a: {  	s1 =	srdreg.scid  }
0x8b: {  	s0 =	sand.u32 $0x1, s1  }
0x8c: {  	s16 =	sshll.u32 s0, $0xA;
	s2 =	sadd.s32 s3, s2  }
0x8d: {  	s2 =	sadd.s32 s2, s16  }
0x8e: {  	[smem:$0x3FBD] =	sst s2  }
0x8f: {  	_ = 	snop  }
0x90: {  	(tm) =	ssettm $0x1  }
0x91: {  	s17 =	sld [smem:$0x3FFB];
	_ =	sdelay $0x3  }
0x92: {  	_ =	strace s17  }
0x93: {  	s2 =	sld [smem:$0x3FFC];
	_ =	sdelay $0x3  }
0x94: {  	_ =	strace s2  }
0x95: {  	s2 =	sld [smem:$0x3FFD];
	_ =	sdelay $0x3  }
0x96: {  	_ =	strace s2  }
0x97: {  	_ =	strace $0x8FFFFFFF  }
0x98: {  	s18 =	sld [smem:$0x3FDB];
	_ =	sdelay $0x1  }
0x99: {  	s19 =	simm.s32 $_scs_section_size  }
0x9a: {  	s4 =	simm.s32 $_size__tile_overlayer_lowered;
	s5 =	simm.s32 $_tile_overlayer_lowered  }
0x9b: {  	s22 =	simm.s32 $0x1BFF;
	s21 =	sshll.u32 s5, $0x1;
	s2 =	sadd.s32 s19, s18  }
0x9c: {  	s6 =	simm.s32 $0x0;
	s20 =	sshll.u32 s4, $0x1;
	s4 =	sadd.s32 s21, s2  }
0x9d: {  	[timem:s6], [sflag:s22] =	dma.local [hbm:s4], s20  }
0x9e: {  	_ =	swait.ge [sflag:s22], s20  }
0x9f: {  	s3 =	ssub.s32 $0x0, s20;
	[sflag:s22] =	ssyncset.done $0x0  }
0xa0: {  	[sflag:s22] =	ssyncadd.s32 s3;
	_ =	sdelay $0x1  }
0xa1: {  	s23 =	simm.s32 $0x1B8B  }
0xa2: {  	_ =	swait.ge [sflag:s23], $0x1  }
0xa3: {  	[sflag:s23] =	ssyncset.done $0x0  }
0xa4: {  	s25 =	simm.s32 $0x1B8E;
	s24 =	sld [smem:$0x3FFE];
	[sflag:s23] =	ssyncadd.s32 $0xFFFFFFFF  }
0xa5: {  	s26 =	simm.s32 $execute0_lowered;
	[smem:$0x3FD2] =	sst s25  }
0xa6: {  	s4 =	sshll.u32 s26, $0x1;
	_ =	strace $0x80000049;
	[dreg:$0x1] =	wrdreg $0xFFFFFFFF  }
0xa7: {  	s28 =	simm.s32 $_size_execute0_lowered;
	s2 =	sadd.s32 s2, s4;
	[dreg:$0x0] =	wrdreg $0x0  }
0xa8: {  	s4 =	sshll.u32 s28, $0x1;
	[dreg:$0x2] =	wrdreg s2  }
0xa9: {  	[dreg:$0x3] =	wrdreg s4  }
0xaa: {  	[dreg:$0x4] =	wrdreg $0xC0  }
0xab: {  	_ =	task [dreg:s6], $0x5FFFF  }
0xac: {  	[dreg:$0x1] =	wrdreg $0xFFFFFFFF  }
0xad: {  	[dreg:$0x0] =	wrdreg $0x60  }
0xae: {  	[dreg:$0x2] =	wrdreg s24  }
0xaf: {  	[dreg:$0x3] =	wrdreg $0xA8000  }
0xb0: {  	[dreg:$0x4] =	wrdreg $0x9  }
0xb1: {  	_ =	task.clear_ibuf [dreg:s6], $0x5FFFF;
	_ =	strace $0x90000049  }
0xb2: {  	s29 =	simm.s32 $0x9;
	_ =	strace $0x8000004B  }
0xb3: {  	_ =	swait.ge [sflag:s29], $0x1  }
0xb4: {  	[sflag:s29] =	ssyncadd.s32 $0xFFFFFFFF  }
0xb5: {  	_ =	strace $0x9000004B  }
0xb6: {  	_ =	sfence  }
0xb7: {  	s30 =	sld [smem:$0x0];
	_ =	sdelay $0x2  }
0xb8: {  	s31 =	sshll.u32 s1, $0xD;
	s1 =	sshrl.u32 s1, $0x2  }
0xb9: {  	s3 =	sand.u32 $0x4000, s31;
	s1 =	sadd.s32 s1, s30  }
0xba: {  	s0 =	sor.u32 s3, s0;
	s1 =	sshll.u32 s1, $0x11  }
0xbb: {  	s0 =	sor.u32 s1, s0  }
0xbc: {  	s0 =	sadd.s32 $0x8F2B, s0  }
0xbd: {  	[sflag:s0] =	ssyncadd.remote.s32 $0x1  }
0xbe: {  	_ =	sfence.sel $0xFFFF  }
0xbf: {  	[dreg:$0x0] =	wrdreg $0xFFFFFFFF;
	(pc) =	sbr.abs _section_cstart, $3  }
0xc0: {  	[dreg:$0x1] =	wrdreg $0xFFFFFFFF  }
0xc1: {  	_ =	task.clear_ibuf [dreg:s6], $0x2FFFF;
	_ =	strace $0x9FFFFFFF  }
0xc2: {  	(tm) =	ssettm $0x7FFFFFFF  }
0xc3: {  	_ =	shalt  }
tec
execute0_lowered:
.L_overlay_start_1:
0x0: {  	(tag) =	ssettag $0x1  }
0x1: {  	s5 =	rddreg [dreg:$0x0]  }
0x2: {  	s1 =	rddreg [dreg:$0x1]  }
0x3: {  	s0 =	rddreg [dreg:$0x2];
	s2 =	simm.s32 $0x0  }
0x4: {  	s6 =	srdreg.scid;
	s3 =	stileid.u32;
	s17 =	simm.s32 $0x4000  }
0x5: {  	s18 =	simm.s32 $0x8000;
	s19 =	simm.s32 $0x50;
	s23 =	simm.s32 $0x0  }
0x6: {  	[smem:$0x7FF] =	sst s2;
	s4 =	sadd.s32 $0x25600, s5;
	s9 =	smul.u32 $0x50000, s3  }
0x7: {  	s6 =	sand.u32 $0x1, s6;
	s8 =	sshll.u32 s3, $0xB;
	s21 =	smul.u32 $0x2800, s3  }
0x8: {  	s31 =	sshll.u32 s3, $0x6;
	_ =	strace $0x8000004A;
	s7 =	sshll.u32 s6, $0xF  }
0x9: {  	s30 =	smul.u32 $0x28000, s6;
	s6 =	ssub.s32 $0x2, s6;
	s7 =	sor.u32 s8, s7  }
0xa: {  	s10 =	sshrl.u32 s6, $0x1;
	s9 =	sshrl.u32 s9, $0x2;
	s7 =	sadd.s32 s7, s5  }
0xb: {  	s15 =	sadd.s32 s30, s5;
	s16 =	ssub.s32 s6, s10;
	s5 =	sadd.s32 s9, s1  }
0xc: {  	s6 =	sadd.s32 $0x15600, s7;
	s7 =	sadd.s32 $0x4C00, s7;
	s8 =	sadd.s32 $0x2800, s5  }
0xd: {  	s9 =	sadd.s32 $0x5000, s5;
	s10 =	sadd.s32 $0x7800, s5;
	s11 =	sadd.s32 $0xA000, s5  }
0xe: {  	s12 =	sadd.s32 $0xC800, s5;
	s13 =	sadd.s32 $0xF000, s5;
	s14 =	sadd.s32 $0x11800, s5  }
0xf: {  	s20 =	sadd.s32 $0x73A00, s15;
	s15 =	smax.u32 s16, $0x1;
	s16 =	simm.s32 $0x1  }
0x10: {  	v0 =	vimm.f32 $0.0e+00;
	s22 =	sshrl.u32 s5, $0x3;
	s20 =	sadd.s32 s21, s20;
	s21 =	sor.u32 $0x1C01, s31  }
.LBB2_1:
0x11: {  	[tilespmem:s2], [sflag:$0x1] =	stream.linear.gather [hbm4b:s6+s2], $0x3E80, $0x38;
	[tilespmem:$0x1E800] =	vst v63  }
0x12: {  	_ =	swait.ge [sflag:s16], $0x3E80  }
0x13: {  	[sflag:s16] =	ssyncset.done $0x0  }
0x14: {  	[sflag:s16] =	ssyncadd.s32 $0xFFFFC180  }
0x15: {  	[tilespmem:s17], [sflag:$0x1] =	stream.linear.gather [hbm4b:s7+s2], $0x3E80, $0x38;
	[tilespmem:$0x1E800] =	vst v63  }
0x16: {  	_ =	swait.ge [sflag:s16], $0x3E80  }
0x17: {  	[sflag:s16] =	ssyncset.done $0x0  }
0x18: {  	s24 =	simm.s32 $0x0;
	s25 =	simm.s32 $0x200;
	[sflag:s16] =	ssyncadd.s32 $0xFFFFC180  }
.LBB2_2:
0x19: {  	p0 =	sne.s32 s25, $0x9E00;
	[tilespmem:s24+$0x8070] =	vst v0  }
0x1a: {  	[tilespmem:s24+$0x8000] =	vst v0  }
0x1b: {  	[tilespmem:s24+$0x8010] =	vst v0  }
.Ltmp0:
0x1c: {  	[tilespmem:s24+$0x8020] =	vst v0;
	(pc) =	sbr.rel @p0 .LBB2_2-.Ltmp0, $4  }
0x1d: {  	[tilespmem:s24+$0x8030] =	vst v0  }
0x1e: {  	[tilespmem:s24+$0x8040] =	vst v0  }
0x1f: {  	[tilespmem:s24+$0x8050] =	vst v0  }
0x20: {  	[tilespmem:s24+$0x8060] =	vst v0;
	s24 =	sshra.s32 s25, $0x2;
	s25 =	sadd.s32 $0x200, s25  }
0x21: {  	[tilespmem:s24+$0x8070] =	vst v0  }
0x22: {  	[tilespmem:s24+$0x8000] =	vst v0  }
0x23: {  	[tilespmem:s24+$0x8010] =	vst v0  }
0x24: {  	[tilespmem:s24+$0x8020] =	vst v0  }
0x25: {  	[tilespmem:s24+$0x8030] =	vst v0  }
0x26: {  	[tilespmem:s24+$0x8040] =	vst v0  }
0x27: {  	[tilespmem:s24+$0x8050] =	vst v0  }
0x28: {  	[tilespmem:s24+$0x8060] =	vst v0  }
0x29: {  	[spmem:s5] =	stream.linear.scatter [tilespmem:s18], [sflag:$0x1], $0x2800, $0x38;
	[tilespmem:$0x1E800] =	vst v63  }
0x2a: {  	_ =	swait.ge [sflag:s16], $0x2800  }
0x2b: {  	[sflag:s16] =	ssyncset.done $0x0  }
0x2c: {  	[sflag:s16] =	ssyncadd.s32 $0xFFFFD800  }
0x2d: {  	[spmem:s8] =	stream.linear.scatter [tilespmem:s18], [sflag:$0x1], $0x2800, $0x38;
	[tilespmem:$0x1E800] =	vst v63  }
0x2e: {  	_ =	swait.ge [sflag:s16], $0x2800  }
0x2f: {  	[sflag:s16] =	ssyncset.done $0x0  }
0x30: {  	[sflag:s16] =	ssyncadd.s32 $0xFFFFD800  }
0x31: {  	[spmem:s9] =	stream.linear.scatter [tilespmem:s18], [sflag:$0x1], $0x2800, $0x38;
	[tilespmem:$0x1E800] =	vst v63  }
0x32: {  	_ =	swait.ge [sflag:s16], $0x2800  }
0x33: {  	[sflag:s16] =	ssyncset.done $0x0  }
0x34: {  	[sflag:s16] =	ssyncadd.s32 $0xFFFFD800  }
0x35: {  	[spmem:s10] =	stream.linear.scatter [tilespmem:s18], [sflag:$0x1], $0x2800, $0x38;
	[tilespmem:$0x1E800] =	vst v63  }
0x36: {  	_ =	swait.ge [sflag:s16], $0x2800  }
0x37: {  	[sflag:s16] =	ssyncset.done $0x0  }
0x38: {  	[sflag:s16] =	ssyncadd.s32 $0xFFFFD800  }
0x39: {  	[spmem:s11] =	stream.linear.scatter [tilespmem:s18], [sflag:$0x1], $0x2800, $0x38;
	[tilespmem:$0x1E800] =	vst v63  }
0x3a: {  	_ =	swait.ge [sflag:s16], $0x2800  }
0x3b: {  	[sflag:s16] =	ssyncset.done $0x0  }
0x3c: {  	[sflag:s16] =	ssyncadd.s32 $0xFFFFD800  }
0x3d: {  	[spmem:s12] =	stream.linear.scatter [tilespmem:s18], [sflag:$0x1], $0x2800, $0x38;
	[tilespmem:$0x1E800] =	vst v63  }
0x3e: {  	_ =	swait.ge [sflag:s16], $0x2800  }
0x3f: {  	[sflag:s16] =	ssyncset.done $0x0  }
0x40: {  	[sflag:s16] =	ssyncadd.s32 $0xFFFFD800  }
0x41: {  	[spmem:s13] =	stream.linear.scatter [tilespmem:s18], [sflag:$0x1], $0x2800, $0x38;
	[tilespmem:$0x1E800] =	vst v63  }
0x42: {  	_ =	swait.ge [sflag:s16], $0x2800  }
0x43: {  	[sflag:s16] =	ssyncset.done $0x0  }
0x44: {  	[sflag:s16] =	ssyncadd.s32 $0xFFFFD800  }
0x45: {  	[spmem:s14] =	stream.linear.scatter [tilespmem:s18], [sflag:$0x1], $0x2800, $0x38;
	[tilespmem:$0x1E800] =	vst v63  }
0x46: {  	_ =	swait.ge [sflag:s16], $0x2800  }
0x47: {  	[sflag:s16] =	ssyncset.done $0x0  }
0x48: {  	[sflag:s16] =	ssyncadd.s32 $0xFFFFD800  }
0x49: {  	s30 =	simm.s32 $0x0;
	[bflag:$0x0] =	sbarrier.arrive $0xFFFF  }
0x4a: {  	[tilespmem:s18], [sflag:$0x1] =	stream.indirect.gather [hbm4b:s4+s19], $0x80, s30, s19, $0xb8;
	[tilespmem:$0x1E800] =	vst v63  }
0x4b: {  	_ =	swait.ge [sflag:s16], $0x2800  }
0x4c: {  	[sflag:s16] =	ssyncset.done $0x0  }
0x4d: {  	s31 =	simm.s32 $0x4000;
	[sflag:s16] =	ssyncadd.s32 $0xFFFFD800  }
0x4e: {  	[spmem:s1] =	stream.indirect.scatter.add.f32 [tilespmem:s18], [sflag:$0x1], $0x80, s31, s19, $0xb8;
	[tilespmem:$0x1E800] =	vst v63  }
0x4f: {  	_ =	swait.ge [sflag:s16], $0x2800  }
0x50: {  	s24 =	simm.s32 $0x200;
	s25 =	simm.s32 $0x400;
	[sflag:s16] =	ssyncset.done $0x0  }
.LBB2_4:
0x51: {  	s26 =	sshra.s32 s24, $0x2  }
0x52: {  	[sflag:s16] =	ssyncadd.s32 $0xFFFFD800;
	s24 =	smov.u32 s25;
	s28 =	sadd.s32 $0x200, s25  }
0x53: {  	[tilespmem:s18], [sflag:$0x1] =	stream.indirect.gather [hbm4b:s4+s19], $0x80, s26, s19, $0xb8;
	[tilespmem:$0x1E800] =	vst v63  }
0x54: {  	p0 =	sne.s32 s25, $0xF800;
	_ =	swait.ge [sflag:s16], $0x2800  }
.Ltmp1:
0x55: {  	[sflag:s16] =	ssyncset.done $0x0;
	(pc) =	sbr.rel @p0 .LBB2_4-.Ltmp1, $4  }
0x56: {  	s25 =	sadd.s32 $0x4000, s26;
	[sflag:s16] =	ssyncadd.s32 $0xFFFFD800  }
0x57: {  	[spmem:s1] =	stream.indirect.scatter.add.f32 [tilespmem:s18], [sflag:$0x1], $0x80, s25, s19, $0xb8;
	[tilespmem:$0x1E800] =	vst v63  }
0x58: {  	_ =	swait.ge [sflag:s16], $0x2800  }
0x59: {  	s25 =	smov.u32 s28;
	[sflag:s16] =	ssyncset.done $0x0  }
0x5a: {  	s24 =	sshra.s32 s24, $0x2;
	[sflag:s16] =	ssyncadd.s32 $0xFFFFD800  }
0x5b: {  	[tilespmem:s18], [sflag:$0x1] =	stream.indirect.gather [hbm4b:s4+s19], $0x80, s24, s19, $0xb8;
	[tilespmem:$0x1E800] =	vst v63  }
0x5c: {  	_ =	swait.ge [sflag:s16], $0x2800  }
0x5d: {  	[sflag:s16] =	ssyncset.done $0x0  }
0x5e: {  	s24 =	sadd.s32 $0x4000, s24;
	[sflag:s16] =	ssyncadd.s32 $0xFFFFD800  }
0x5f: {  	[spmem:s1] =	stream.indirect.scatter.add.f32 [tilespmem:s18], [sflag:$0x1], $0x80, s24, s19, $0xb8;
	[tilespmem:$0x1E800] =	vst v63  }
0x60: {  	_ =	swait.ge [sflag:s16], $0x2800  }
0x61: {  	s23 =	sadd.s32 $0x1, s23;
	[sflag:s16] =	ssyncset.done $0x0  }
0x62: {  	p0 =	sne.s32 s23, s15;
	[sflag:s16] =	ssyncadd.s32 $0xFFFFD800  }
.Ltmp2:
0x63: {  	[bflag:$0x0] =	sbarrier.arrive $0xFFFF;
	(pc) =	sbr.rel @p0 .LBB2_1-.Ltmp2, $4  }
0x64: {  	[hbm:s20], [sflag:s21] =	dma.local [spmem:s22], $0x2800  }
0x65: {  	_ =	swait.ge [sflag:s16], $0x2800  }
0x66: {  	[sflag:s16] =	ssyncset.done $0x0  }
0x67: {  	[sflag:s16] =	ssyncadd.s32 $0xFFFFD800  }
0x68: {  	_ =	sfence.sel $0x180000  }
0x69: {  	[bflag:$0x0] =	sbarrier.arrive $0xFFFF  }
0x6a: {  	p0 =	sne.s32 s3, $0x0;
	_ =	strace $0x9000004A  }
0x6b: {  	s0 =	sadd.s32 @!p0 $0x100000, s0;
	[bflag:$0x2] =	sbarrier.arrive $0xFFFF  }
0x6c: {  	[sflag:s0] =	ssyncadd.tile.s32 @!p0 $0x1;
	_ =	shalt  }
.Lfunc_end2:
_tile_overlayer_lowered:
.L_overlay_start_2:
0x6d: {  	(tag) =	ssettag $0x2  }
0x6e: {  	s0 =	rddreg [dreg:$0x0];
	s2 =	stileid.u32  }
0x6f: {  	s1 =	rddreg [dreg:$0x1];
	p0 =	sne.s32 s2, $0x0  }
0x70: {  	s3 =	rddreg [dreg:$0x2];
	[bflag:$0x3] =	sbarrier.arrive $0xFFFF;
	s2 =	simm.s32 @!p0 $0x1C01  }
0x71: {  	[timem:s3], [sflag:s2] =	dma.local @!p0 [hbm:s0], s1  }
0x72: {  	s0 =	simm.s32 @!p0 $0x1  }
0x73: {  	_ =	swait.ge @!p0 [sflag:s0], s1  }
0x74: {  	s1 =	ssub.s32 @!p0 $0x0, s1;
	[sflag:s0] =	ssyncset.done @!p0 $0x0  }
0x75: {  	[sflag:s0] =	ssyncadd.s32 @!p0 s1  }
0x76: {  	[bflag:$0x3] =	sbarrier.arrive $0xFFFF  }
0x77: {  	_ =	shalt  }

// kernel: kernel.16.cloned.1.call-start
scs
__scs_entry_jumppad:
0x0: {  	(pc) =	sbr.rel $0x88, $3  }
0x1: {  	(tag) =	ssettag $0x0;
	lr =	simm.s32 $0x1  }
0x2: {  	[smem:$0x3F96] =	sst lr;
	_ =	strace $0xD0000000  }
0x3: {  	_ = 	snop  }
0x4: {  	_ = 	snop  }
0x5: {  	_ = 	snop  }
0x6: {  	_ = 	snop  }
0x7: {  	_ = 	snop  }
__scs_overlays_trampoline_lowered:
0x8: {  	[smem:$0x3FA5] =	sst s0  }
0x9: {  	[smem:$0x3FA6] =	sst s1  }
0xa: {  	[smem:$0x3FA7] =	sst s2  }
0xb: {  	[smem:$0x3FA8] =	sst s3  }
0xc: {  	[smem:$0x3FA9] =	sst s4  }
0xd: {  	[smem:$0x3FAA] =	sst s5  }
0xe: {  	[smem:$0x3FAB] =	sst s6  }
0xf: {  	[smem:$0x3FAC] =	sst s7  }
0x10: {  	[smem:$0x3FAD] =	sst s8  }
0x11: {  	[smem:$0x3FAE] =	sst s9;
	s0 =	simm.s32 @!p0 $0x0  }
0x12: {  	s1 =	sld [smem:$0x3F94];
	s0 =	simm.s32 @p0 $0x1  }
0x13: {  	[smem:$0x3FAF] =	sst s0;
	s0 =	simm.s32 @!p1 $0x0  }
0x14: {  	s2 =	sld [smem:$0x3F93];
	s0 =	simm.s32 @p1 $0x1  }
0x15: {  	[smem:$0x3FB0] =	sst s0;
	s0 =	simm.s32 @!p2 $0x0  }
0x16: {  	s3 =	sld [smem:$0x3FDB];
	s0 =	simm.s32 @p2 $0x1  }
0x17: {  	s4 =	simm.s32 $0x1BF5;
	[smem:$0x3FB2] =	sst s0  }
0x18: {  	s0 =	sld [smem:$0x3F95];
	_ =	swait.ge [sflag:s4], $0x0  }
0x19: {  	s7 =	sld [smem:$0x3F96]  }
0x1a: {  	s8 =	sadd.s32 $0xFFFFE003, lr  }
0x1b: {  	s9 =	sadd.s32 $0xFFFFFEF7, lr;
	s5 =	simm.s32 $0xFFFFFFFF;
	p2 =	slt.u32 s8, $0xFFFFF086  }
0x1c: {  	p1 =	slt.u32 s9, $0xF7A;
	s5 =	simm.s32 @!p2 $0x0  }
0x1d: {  	s5 =	simm.s32 @p1 $0x1;
	p0 =	seq.s32 s7, s2  }
0x1e: {  	s7 =	smul.u32 @!p0 $0xF7A, s2;
	p2 =	seq.s32 @!p0 s5, $0x0  }
0x1f: {  	s9 =	smul.u32 $0xF7A, s1;
	s8 =	simm.s32 @!p0 $0x1BF5;
	p2 =	por !p2, p0  }
0x20: {  	[sflag:s8] =	ssyncset.s32 @!p0 $0xFFFFF086;
	s6 =	sadd.s32 @!p0 s3, s7;
	s7 =	simm.s32 @!p0 $0x108  }
0x21: {  	s3 =	sadd.s32 s3, s9;
	s6 =	sadd.s32 @!p0 $0x88, s6;
	s7 =	simm.s32 @p2 $0x1082  }
0x22: {  	[simem:s7], [sflag:s8] =	dma.local @!p0 [hbm:s6], $0xF7A  }
0x23: {  	s9 =	sor.u32 $0xD0000000, s2;
	s6 =	simm.s32 $0x108;
	_ =	swait.ge @!p0 [sflag:s8], $0x0  }
0x24: {  	s3 =	sadd.s32 $0x88, s3;
	s6 =	simm.s32 @!p1 $0x1082;
	[sflag:s4] =	ssyncset.s32 $0xFFFFF086  }
0x25: {  	[simem:s6], [sflag:s4] =	dma.local [hbm:s3], $0xF7A  }
0x26: {  	[smem:$0x3F96] =	sst s1;
	(tag) =	ssettag s2;
	_ =	strace s9  }
0x27: {  	s1 =	sld [smem:$0x3FA6]  }
0x28: {  	s2 =	sld [smem:$0x3FA7]  }
0x29: {  	s4 =	sld [smem:$0x3FA9]  }
0x2a: {  	p0 =	seq.s32 s5, $0x0;
	s5 =	sld [smem:$0x3FAA]  }
0x2b: {  	s6 =	sld [smem:$0x3FAB]  }
0x2c: {  	s7 =	sld [smem:$0x3FAC]  }
0x2d: {  	s3 =	simm.s32 $0x108;
	s8 =	sld [smem:$0x3FAD]  }
0x2e: {  	s3 =	simm.s32 @!p0 $0x1082;
	s9 =	sld [smem:$0x3FAE]  }
0x2f: {  	lr =	sadd.s32 s0, s3;
	s0 =	sld [smem:$0x3FA5]  }
0x30: {  	s3 =	sld [smem:$0x3FA8]  }
0x31: {  	[smem:$0x3FB1] =	sst s10  }
0x32: {  	s10 =	sld [smem:$0x3FAF];
	_ =	sdelay $0x3  }
0x33: {  	p0 =	seq.s32 s10, $0x1;
	s10 =	sld [smem:$0x3FB1];
	_ =	sdelay $0x3  }
0x34: {  	[smem:$0x3FB1] =	sst s10  }
0x35: {  	s10 =	sld [smem:$0x3FB0];
	_ =	sdelay $0x3  }
0x36: {  	p1 =	seq.s32 s10, $0x1;
	s10 =	sld [smem:$0x3FB1];
	_ =	sdelay $0x3  }
0x37: {  	[smem:$0x3FB1] =	sst s10  }
0x38: {  	s10 =	sld [smem:$0x3FB2]  }
0x39: {  	_ = 	snop;
	(pc) =	sbr.ind lr, $3  }
0x3a: {  	_ = 	snop  }
0x3b: {  	_ = 	snop  }
0x3c: {  	p2 =	seq.s32 s10, $0x1;
	s10 =	sld [smem:$0x3FB1]  }
0x3d: {  	_ =	shalt  }
0x3e: {  	_ =	shalt  }
0x3f: {  	_ =	shalt  }
0x40: {  	_ =	shalt  }
0x41: {  	_ =	shalt  }
0x42: {  	_ =	shalt  }
0x43: {  	_ =	shalt  }
0x44: {  	_ =	shalt  }
0x45: {  	_ =	shalt  }
0x46: {  	_ =	shalt  }
0x47: {  	_ =	shalt  }
0x48: {  	_ =	shalt  }
0x49: {  	_ =	shalt  }
0x4a: {  	_ =	shalt  }
0x4b: {  	_ =	shalt  }
0x4c: {  	_ =	shalt  }
0x4d: {  	_ =	shalt  }
0x4e: {  	_ =	shalt  }
0x4f: {  	_ =	shalt  }
0x50: {  	_ =	shalt  }
0x51: {  	_ =	shalt  }
0x52: {  	_ =	shalt  }
0x53: {  	_ =	shalt  }
0x54: {  	_ =	shalt  }
0x55: {  	_ =	shalt  }
0x56: {  	_ =	shalt  }
0x57: {  	_ =	shalt  }
0x58: {  	_ =	shalt  }
0x59: {  	_ =	shalt  }
0x5a: {  	_ =	shalt  }
0x5b: {  	_ =	shalt  }
0x5c: {  	_ =	shalt  }
0x5d: {  	_ =	shalt  }
0x5e: {  	_ =	shalt  }
0x5f: {  	_ =	shalt  }
0x60: {  	_ =	shalt  }
0x61: {  	_ =	shalt  }
0x62: {  	_ =	shalt  }
0x63: {  	_ =	shalt  }
0x64: {  	_ =	shalt  }
0x65: {  	_ =	shalt  }
0x66: {  	_ =	shalt  }
0x67: {  	_ =	shalt  }
0x68: {  	_ =	shalt  }
0x69: {  	_ =	shalt  }
0x6a: {  	_ =	shalt  }
0x6b: {  	_ =	shalt  }
0x6c: {  	_ =	shalt  }
0x6d: {  	_ =	shalt  }
0x6e: {  	_ =	shalt  }
0x6f: {  	_ =	shalt  }
0x70: {  	_ =	shalt  }
0x71: {  	_ =	shalt  }
0x72: {  	_ =	shalt  }
0x73: {  	_ =	shalt  }
0x74: {  	_ =	shalt  }
0x75: {  	_ =	shalt  }
0x76: {  	_ =	shalt  }
0x77: {  	_ =	shalt  }
0x78: {  	_ =	shalt  }
0x79: {  	_ =	shalt  }
0x7a: {  	_ =	shalt  }
0x7b: {  	_ =	shalt  }
0x7c: {  	_ =	shalt  }
0x7d: {  	_ =	shalt  }
0x7e: {  	_ =	shalt  }
0x7f: {  	_ =	shalt  }
0x80: {  	_ =	shalt  }
0x81: {  	_ =	shalt  }
0x82: {  	_ =	shalt  }
0x83: {  	_ =	shalt  }
0x84: {  	_ =	shalt  }
0x85: {  	_ =	shalt  }
0x86: {  	_ =	shalt  }
0x87: {  	_ =	shalt  }
.Lfunc_end0:
.L_simem_size_0:
called_computation.2_lowered:
.L_overlay_start_0:
0x88: {  	s2 =	sld [smem:$0x3FD9]  }
0x89: {  	s3 =	sld [smem:$0x3FFE];
	_ =	sdelay $0x1  }
0x8a: {  	s1 =	srdreg.scid  }
0x8b: {  	s0 =	sand.u32 $0x1, s1  }
0x8c: {  	s16 =	sshll.u32 s0, $0xA;
	s2 =	sadd.s32 s3, s2  }
0x8d: {  	s2 =	sadd.s32 s2, s16  }
0x8e: {  	[smem:$0x3FBD] =	sst s2  }
0x8f: {  	_ = 	snop  }
0x90: {  	(tm) =	ssettm $0x1  }
0x91: {  	s17 =	sld [smem:$0x3FFB];
	_ =	sdelay $0x3  }
0x92: {  	_ =	strace s17  }
0x93: {  	s2 =	sld [smem:$0x3FFC];
	_ =	sdelay $0x3  }
0x94: {  	_ =	strace s2  }
0x95: {  	s2 =	sld [smem:$0x3FFD];
	_ =	sdelay $0x3  }
0x96: {  	_ =	strace s2  }
0x97: {  	_ =	strace $0x8FFFFFFF  }
0x98: {  	s18 =	sld [smem:$0x3FDB];
	_ =	sdelay $0x1  }
0x99: {  	s19 =	simm.s32 $_scs_section_size  }
0x9a: {  	s4 =	simm.s32 $_size__tile_overlayer_lowered;
	s5 =	simm.s32 $_tile_overlayer_lowered  }
0x9b: {  	s22 =	simm.s32 $0x1BFF;
	s21 =	sshll.u32 s5, $0x1;
	s2 =	sadd.s32 s19, s18  }
0x9c: {  	s6 =	simm.s32 $0x0;
	s20 =	sshll.u32 s4, $0x1;
	s4 =	sadd.s32 s21, s2  }
0x9d: {  	[timem:s6], [sflag:s22] =	dma.local [hbm:s4], s20  }
0x9e: {  	_ =	swait.ge [sflag:s22], s20  }
0x9f: {  	s3 =	ssub.s32 $0x0, s20;
	[sflag:s22] =	ssyncset.done $0x0  }
0xa0: {  	[sflag:s22] =	ssyncadd.s32 s3;
	_ =	sdelay $0x1  }
0xa1: {  	s23 =	simm.s32 $0x1B8B  }
0xa2: {  	_ =	swait.ge [sflag:s23], $0x1  }
0xa3: {  	[sflag:s23] =	ssyncset.done $0x0  }
0xa4: {  	s25 =	simm.s32 $0x1B8E;
	s24 =	sld [smem:$0x3FFE];
	[sflag:s23] =	ssyncadd.s32 $0xFFFFFFFF  }
0xa5: {  	s26 =	simm.s32 $execute0_lowered;
	[smem:$0x3FD2] =	sst s25  }
0xa6: {  	s4 =	sshll.u32 s26, $0x1;
	_ =	strace $0x8000004C;
	[dreg:$0x1] =	wrdreg $0xFFFFFFFF  }
0xa7: {  	s28 =	simm.s32 $_size_execute0_lowered;
	s2 =	sadd.s32 s2, s4;
	[dreg:$0x0] =	wrdreg $0x0  }
0xa8: {  	s4 =	sshll.u32 s28, $0x1;
	[dreg:$0x2] =	wrdreg s2  }
0xa9: {  	[dreg:$0x3] =	wrdreg s4  }
0xaa: {  	[dreg:$0x4] =	wrdreg $0xC0  }
0xab: {  	_ =	task [dreg:s6], $0x5FFFF  }
0xac: {  	[dreg:$0x1] =	wrdreg $0xFFFFFFFF  }
0xad: {  	[dreg:$0x0] =	wrdreg $0x60  }
0xae: {  	[dreg:$0x2] =	wrdreg s24  }
0xaf: {  	[dreg:$0x3] =	wrdreg $0xA8000  }
0xb0: {  	[dreg:$0x4] =	wrdreg $0x9  }
0xb1: {  	_ =	task.clear_ibuf [dreg:s6], $0x5FFFF;
	_ =	strace $0x9000004C  }
0xb2: {  	s29 =	simm.s32 $0x9;
	_ =	strace $0x8000004E  }
0xb3: {  	_ =	swait.ge [sflag:s29], $0x1  }
0xb4: {  	[sflag:s29] =	ssyncadd.s32 $0xFFFFFFFF  }
0xb5: {  	_ =	strace $0x9000004E  }
0xb6: {  	_ =	sfence  }
0xb7: {  	s30 =	sld [smem:$0x0];
	_ =	sdelay $0x2  }
0xb8: {  	s31 =	sshll.u32 s1, $0xD;
	s1 =	sshrl.u32 s1, $0x2  }
0xb9: {  	s3 =	sand.u32 $0x4000, s31;
	s1 =	sadd.s32 s1, s30  }
0xba: {  	s0 =	sor.u32 s3, s0;
	s1 =	sshll.u32 s1, $0x11  }
0xbb: {  	s0 =	sor.u32 s1, s0  }
0xbc: {  	s0 =	sadd.s32 $0x8F2B, s0  }
0xbd: {  	[sflag:s0] =	ssyncadd.remote.s32 $0x1  }
0xbe: {  	_ =	sfence.sel $0xFFFF  }
0xbf: {  	[dreg:$0x0] =	wrdreg $0xFFFFFFFF;
	(pc) =	sbr.abs _section_cstart, $3  }
0xc0: {  	[dreg:$0x1] =	wrdreg $0xFFFFFFFF  }
0xc1: {  	_ =	task.clear_ibuf [dreg:s6], $0x2FFFF;
	_ =	strace $0x9FFFFFFF  }
0xc2: {  	(tm) =	ssettm $0x7FFFFFFF  }
0xc3: {  	_ =	shalt  }
tec
execute0_lowered:
.L_overlay_start_1:
0x0: {  	(tag) =	ssettag $0x1  }
0x1: {  	s5 =	rddreg [dreg:$0x0]  }
0x2: {  	s1 =	rddreg [dreg:$0x1]  }
0x3: {  	s0 =	rddreg [dreg:$0x2];
	s2 =	simm.s32 $0x0  }
0x4: {  	s6 =	srdreg.scid;
	s3 =	stileid.u32;
	s17 =	simm.s32 $0x4000  }
0x5: {  	s18 =	simm.s32 $0x8000;
	s19 =	simm.s32 $0x50;
	s23 =	simm.s32 $0x0  }
0x6: {  	[smem:$0x7FF] =	sst s2;
	s4 =	sadd.s32 $0x25600, s5;
	s9 =	smul.u32 $0x50000, s3  }
0x7: {  	s6 =	sand.u32 $0x1, s6;
	s8 =	sshll.u32 s3, $0xB;
	s21 =	smul.u32 $0x2800, s3  }
0x8: {  	s31 =	sshll.u32 s3, $0x6;
	_ =	strace $0x8000004D;
	s7 =	sshll.u32 s6, $0xF  }
0x9: {  	s30 =	smul.u32 $0x28000, s6;
	s6 =	ssub.s32 $0x2, s6;
	s7 =	sor.u32 s8, s7  }
0xa: {  	s10 =	sshrl.u32 s6, $0x1;
	s9 =	sshrl.u32 s9, $0x2;
	s7 =	sadd.s32 s7, s5  }
0xb: {  	s15 =	sadd.s32 s30, s5;
	s16 =	ssub.s32 s6, s10;
	s5 =	sadd.s32 s9, s1  }
0xc: {  	s6 =	sadd.s32 $0x15600, s7;
	s7 =	sadd.s32 $0x4C00, s7;
	s8 =	sadd.s32 $0x2800, s5  }
0xd: {  	s9 =	sadd.s32 $0x5000, s5;
	s10 =	sadd.s32 $0x7800, s5;
	s11 =	sadd.s32 $0xA000, s5  }
0xe: {  	s12 =	sadd.s32 $0xC800, s5;
	s13 =	sadd.s32 $0xF000, s5;
	s14 =	sadd.s32 $0x11800, s5  }
0xf: {  	s20 =	sadd.s32 $0x73A00, s15;
	s15 =	smax.u32 s16, $0x1;
	s16 =	simm.s32 $0x1  }
0x10: {  	v0 =	vimm.f32 $0.0e+00;
	s22 =	sshrl.u32 s5, $0x3;
	s20 =	sadd.s32 s21, s20;
	s21 =	sor.u32 $0x1C01, s31  }
.LBB2_1:
0x11: {  	[tilespmem:s2], [sflag:$0x1] =	stream.linear.gather [hbm4b:s6+s2], $0x3E80, $0x38;
	[tilespmem:$0x1E800] =	vst v63  }
0x12: {  	_ =	swait.ge [sflag:s16], $0x3E80  }
0x13: {  	[sflag:s16] =	ssyncset.done $0x0  }
0x14: {  	[sflag:s16] =	ssyncadd.s32 $0xFFFFC180  }
0x15: {  	[tilespmem:s17], [sflag:$0x1] =	stream.linear.gather [hbm4b:s7+s2], $0x3E80, $0x38;
	[tilespmem:$0x1E800] =	vst v63  }
0x16: {  	_ =	swait.ge [sflag:s16], $0x3E80  }
0x17: {  	[sflag:s16] =	ssyncset.done $0x0  }
0x18: {  	s24 =	simm.s32 $0x0;
	s25 =	simm.s32 $0x200;
	[sflag:s16] =	ssyncadd.s32 $0xFFFFC180  }
.LBB2_2:
0x19: {  	p0 =	sne.s32 s25, $0x9E00;
	[tilespmem:s24+$0x8070] =	vst v0  }
0x1a: {  	[tilespmem:s24+$0x8000] =	vst v0  }
0x1b: {  	[tilespmem:s24+$0x8010] =	vst v0  }
.Ltmp0:
0x1c: {  	[tilespmem:s24+$0x8020] =	vst v0;
	(pc) =	sbr.rel @p0 .LBB2_2-.Ltmp0, $4  }
0x1d: {  	[tilespmem:s24+$0x8030] =	vst v0  }
0x1e: {  	[tilespmem:s24+$0x8040] =	vst v0  }
0x1f: {  	[tilespmem:s24+$0x8050] =	vst v0  }
0x20: {  	[tilespmem:s24+$0x8060] =	vst v0;
	s24 =	sshra.s32 s25, $0x2;
	s25 =	sadd.s32 $0x200, s25  }
0x21: {  	[tilespmem:s24+$0x8070] =	vst v0  }
0x22: {  	[tilespmem:s24+$0x8000] =	vst v0  }
0x23: {  	[tilespmem:s24+$0x8010] =	vst v0  }
0x24: {  	[tilespmem:s24+$0x8020] =	vst v0  }
0x25: {  	[tilespmem:s24+$0x8030] =	vst v0  }
0x26: {  	[tilespmem:s24+$0x8040] =	vst v0  }
0x27: {  	[tilespmem:s24+$0x8050] =	vst v0  }
0x28: {  	[tilespmem:s24+$0x8060] =	vst v0  }
0x29: {  	[spmem:s5] =	stream.linear.scatter [tilespmem:s18], [sflag:$0x1], $0x2800, $0x38;
	[tilespmem:$0x1E800] =	vst v63  }
0x2a: {  	_ =	swait.ge [sflag:s16], $0x2800  }
0x2b: {  	[sflag:s16] =	ssyncset.done $0x0  }
0x2c: {  	[sflag:s16] =	ssyncadd.s32 $0xFFFFD800  }
0x2d: {  	[spmem:s8] =	stream.linear.scatter [tilespmem:s18], [sflag:$0x1], $0x2800, $0x38;
	[tilespmem:$0x1E800] =	vst v63  }
0x2e: {  	_ =	swait.ge [sflag:s16], $0x2800  }
0x2f: {  	[sflag:s16] =	ssyncset.done $0x0  }
0x30: {  	[sflag:s16] =	ssyncadd.s32 $0xFFFFD800  }
0x31: {  	[spmem:s9] =	stream.linear.scatter [tilespmem:s18], [sflag:$0x1], $0x2800, $0x38;
	[tilespmem:$0x1E800] =	vst v63  }
0x32: {  	_ =	swait.ge [sflag:s16], $0x2800  }
0x33: {  	[sflag:s16] =	ssyncset.done $0x0  }
0x34: {  	[sflag:s16] =	ssyncadd.s32 $0xFFFFD800  }
0x35: {  	[spmem:s10] =	stream.linear.scatter [tilespmem:s18], [sflag:$0x1], $0x2800, $0x38;
	[tilespmem:$0x1E800] =	vst v63  }
0x36: {  	_ =	swait.ge [sflag:s16], $0x2800  }
0x37: {  	[sflag:s16] =	ssyncset.done $0x0  }
0x38: {  	[sflag:s16] =	ssyncadd.s32 $0xFFFFD800  }
0x39: {  	[spmem:s11] =	stream.linear.scatter [tilespmem:s18], [sflag:$0x1], $0x2800, $0x38;
	[tilespmem:$0x1E800] =	vst v63  }
0x3a: {  	_ =	swait.ge [sflag:s16], $0x2800  }
0x3b: {  	[sflag:s16] =	ssyncset.done $0x0  }
0x3c: {  	[sflag:s16] =	ssyncadd.s32 $0xFFFFD800  }
0x3d: {  	[spmem:s12] =	stream.linear.scatter [tilespmem:s18], [sflag:$0x1], $0x2800, $0x38;
	[tilespmem:$0x1E800] =	vst v63  }
0x3e: {  	_ =	swait.ge [sflag:s16], $0x2800  }
0x3f: {  	[sflag:s16] =	ssyncset.done $0x0  }
0x40: {  	[sflag:s16] =	ssyncadd.s32 $0xFFFFD800  }
0x41: {  	[spmem:s13] =	stream.linear.scatter [tilespmem:s18], [sflag:$0x1], $0x2800, $0x38;
	[tilespmem:$0x1E800] =	vst v63  }
0x42: {  	_ =	swait.ge [sflag:s16], $0x2800  }
0x43: {  	[sflag:s16] =	ssyncset.done $0x0  }
0x44: {  	[sflag:s16] =	ssyncadd.s32 $0xFFFFD800  }
0x45: {  	[spmem:s14] =	stream.linear.scatter [tilespmem:s18], [sflag:$0x1], $0x2800, $0x38;
	[tilespmem:$0x1E800] =	vst v63  }
0x46: {  	_ =	swait.ge [sflag:s16], $0x2800  }
0x47: {  	[sflag:s16] =	ssyncset.done $0x0  }
0x48: {  	[sflag:s16] =	ssyncadd.s32 $0xFFFFD800  }
0x49: {  	s30 =	simm.s32 $0x0;
	[bflag:$0x0] =	sbarrier.arrive $0xFFFF  }
0x4a: {  	[tilespmem:s18], [sflag:$0x1] =	stream.indirect.gather [hbm4b:s4+s19], $0x80, s30, s19, $0xb8;
	[tilespmem:$0x1E800] =	vst v63  }
0x4b: {  	_ =	swait.ge [sflag:s16], $0x2800  }
0x4c: {  	[sflag:s16] =	ssyncset.done $0x0  }
0x4d: {  	s31 =	simm.s32 $0x4000;
	[sflag:s16] =	ssyncadd.s32 $0xFFFFD800  }
0x4e: {  	[spmem:s1] =	stream.indirect.scatter.add.f32 [tilespmem:s18], [sflag:$0x1], $0x80, s31, s19, $0xb8;
	[tilespmem:$0x1E800] =	vst v63  }
0x4f: {  	_ =	swait.ge [sflag:s16], $0x2800  }
0x50: {  	s24 =	simm.s32 $0x200;
	s25 =	simm.s32 $0x400;
	[sflag:s16] =	ssyncset.done $0x0  }
.LBB2_4:
0x51: {  	s26 =	sshra.s32 s24, $0x2  }
0x52: {  	[sflag:s16] =	ssyncadd.s32 $0xFFFFD800;
	s24 =	smov.u32 s25;
	s28 =	sadd.s32 $0x200, s25  }
0x53: {  	[tilespmem:s18], [sflag:$0x1] =	stream.indirect.gather [hbm4b:s4+s19], $0x80, s26, s19, $0xb8;
	[tilespmem:$0x1E800] =	vst v63  }
0x54: {  	p0 =	sne.s32 s25, $0xF800;
	_ =	swait.ge [sflag:s16], $0x2800  }
.Ltmp1:
0x55: {  	[sflag:s16] =	ssyncset.done $0x0;
	(pc) =	sbr.rel @p0 .LBB2_4-.Ltmp1, $4  }
0x56: {  	s25 =	sadd.s32 $0x4000, s26;
	[sflag:s16] =	ssyncadd.s32 $0xFFFFD800  }
0x57: {  	[spmem:s1] =	stream.indirect.scatter.add.f32 [tilespmem:s18], [sflag:$0x1], $0x80, s25, s19, $0xb8;
	[tilespmem:$0x1E800] =	vst v63  }
0x58: {  	_ =	swait.ge [sflag:s16], $0x2800  }
0x59: {  	s25 =	smov.u32 s28;
	[sflag:s16] =	ssyncset.done $0x0  }
0x5a: {  	s24 =	sshra.s32 s24, $0x2;
	[sflag:s16] =	ssyncadd.s32 $0xFFFFD800  }
0x5b: {  	[tilespmem:s18], [sflag:$0x1] =	stream.indirect.gather [hbm4b:s4+s19], $0x80, s24, s19, $0xb8;
	[tilespmem:$0x1E800] =	vst v63  }
0x5c: {  	_ =	swait.ge [sflag:s16], $0x2800  }
0x5d: {  	[sflag:s16] =	ssyncset.done $0x0  }
0x5e: {  	s24 =	sadd.s32 $0x4000, s24;
	[sflag:s16] =	ssyncadd.s32 $0xFFFFD800  }
0x5f: {  	[spmem:s1] =	stream.indirect.scatter.add.f32 [tilespmem:s18], [sflag:$0x1], $0x80, s24, s19, $0xb8;
	[tilespmem:$0x1E800] =	vst v63  }
0x60: {  	_ =	swait.ge [sflag:s16], $0x2800  }
0x61: {  	s23 =	sadd.s32 $0x1, s23;
	[sflag:s16] =	ssyncset.done $0x0  }
0x62: {  	p0 =	sne.s32 s23, s15;
	[sflag:s16] =	ssyncadd.s32 $0xFFFFD800  }
.Ltmp2:
0x63: {  	[bflag:$0x0] =	sbarrier.arrive $0xFFFF;
	(pc) =	sbr.rel @p0 .LBB2_1-.Ltmp2, $4  }
0x64: {  	[hbm:s20], [sflag:s21] =	dma.local [spmem:s22], $0x2800  }
0x65: {  	_ =	swait.ge [sflag:s16], $0x2800  }
0x66: {  	[sflag:s16] =	ssyncset.done $0x0  }
0x67: {  	[sflag:s16] =	ssyncadd.s32 $0xFFFFD800  }
0x68: {  	_ =	sfence.sel $0x180000  }
0x69: {  	[bflag:$0x0] =	sbarrier.arrive $0xFFFF  }
0x6a: {  	p0 =	sne.s32 s3, $0x0;
	_ =	strace $0x9000004D  }
0x6b: {  	s0 =	sadd.s32 @!p0 $0x100000, s0;
	[bflag:$0x2] =	sbarrier.arrive $0xFFFF  }
0x6c: {  	[sflag:s0] =	ssyncadd.tile.s32 @!p0 $0x1;
	_ =	shalt  }
.Lfunc_end2:
_tile_overlayer_lowered:
.L_overlay_start_2:
0x6d: {  	(tag) =	ssettag $0x2  }
0x6e: {  	s0 =	rddreg [dreg:$0x0];
	s2 =	stileid.u32  }
0x6f: {  	s1 =	rddreg [dreg:$0x1];
	p0 =	sne.s32 s2, $0x0  }
0x70: {  	s3 =	rddreg [dreg:$0x2];
	[bflag:$0x3] =	sbarrier.arrive $0xFFFF;
	s2 =	simm.s32 @!p0 $0x1C01  }
0x71: {  	[timem:s3], [sflag:s2] =	dma.local @!p0 [hbm:s0], s1  }
0x72: {  	s0 =	simm.s32 @!p0 $0x1  }
0x73: {  	_ =	swait.ge @!p0 [sflag:s0], s1  }
0x74: {  	s1 =	ssub.s32 @!p0 $0x0, s1;
	[sflag:s0] =	ssyncset.done @!p0 $0x0  }
0x75: {  	[sflag:s0] =	ssyncadd.s32 @!p0 s1  }
0x76: {  	[bflag:$0x3] =	sbarrier.arrive $0xFFFF  }
0x77: {  	_ =	shalt  }

// kernel: kernel.19.cloned.1.call-start
scs
__scs_entry_jumppad:
0x0: {  	(pc) =	sbr.rel $0x88, $3  }
0x1: {  	(tag) =	ssettag $0x0;
	lr =	simm.s32 $0x1  }
0x2: {  	[smem:$0x3F96] =	sst lr;
	_ =	strace $0xD0000000  }
0x3: {  	_ = 	snop  }
0x4: {  	_ = 	snop  }
0x5: {  	_ = 	snop  }
0x6: {  	_ = 	snop  }
0x7: {  	_ = 	snop  }
__scs_overlays_trampoline_lowered:
0x8: {  	[smem:$0x3FA5] =	sst s0  }
0x9: {  	[smem:$0x3FA6] =	sst s1  }
0xa: {  	[smem:$0x3FA7] =	sst s2  }
0xb: {  	[smem:$0x3FA8] =	sst s3  }
0xc: {  	[smem:$0x3FA9] =	sst s4  }
0xd: {  	[smem:$0x3FAA] =	sst s5  }
0xe: {  	[smem:$0x3FAB] =	sst s6  }
0xf: {  	[smem:$0x3FAC] =	sst s7  }
0x10: {  	[smem:$0x3FAD] =	sst s8  }
0x11: {  	[smem:$0x3FAE] =	sst s9;
	s0 =	simm.s32 @!p0 $0x0  }
0x12: {  	s1 =	sld [smem:$0x3F94];
	s0 =	simm.s32 @p0 $0x1  }
0x13: {  	[smem:$0x3FAF] =	sst s0;
	s0 =	simm.s32 @!p1 $0x0  }
0x14: {  	s2 =	sld [smem:$0x3F93];
	s0 =	simm.s32 @p1 $0x1  }
0x15: {  	[smem:$0x3FB0] =	sst s0;
	s0 =	simm.s32 @!p2 $0x0  }
0x16: {  	s3 =	sld [smem:$0x3FDB];
	s0 =	simm.s32 @p2 $0x1  }
0x17: {  	s4 =	simm.s32 $0x1BF5;
	[smem:$0x3FB2] =	sst s0  }
0x18: {  	s0 =	sld [smem:$0x3F95];
	_ =	swait.ge [sflag:s4], $0x0  }
0x19: {  	s7 =	sld [smem:$0x3F96]  }
0x1a: {  	s8 =	sadd.s32 $0xFFFFE003, lr  }
0x1b: {  	s9 =	sadd.s32 $0xFFFFFEF7, lr;
	s5 =	simm.s32 $0xFFFFFFFF;
	p2 =	slt.u32 s8, $0xFFFFF086  }
0x1c: {  	p1 =	slt.u32 s9, $0xF7A;
	s5 =	simm.s32 @!p2 $0x0  }
0x1d: {  	s5 =	simm.s32 @p1 $0x1;
	p0 =	seq.s32 s7, s2  }
0x1e: {  	s7 =	smul.u32 @!p0 $0xF7A, s2;
	p2 =	seq.s32 @!p0 s5, $0x0  }
0x1f: {  	s9 =	smul.u32 $0xF7A, s1;
	s8 =	simm.s32 @!p0 $0x1BF5;
	p2 =	por !p2, p0  }
0x20: {  	[sflag:s8] =	ssyncset.s32 @!p0 $0xFFFFF086;
	s6 =	sadd.s32 @!p0 s3, s7;
	s7 =	simm.s32 @!p0 $0x108  }
0x21: {  	s3 =	sadd.s32 s3, s9;
	s6 =	sadd.s32 @!p0 $0x88, s6;
	s7 =	simm.s32 @p2 $0x1082  }
0x22: {  	[simem:s7], [sflag:s8] =	dma.local @!p0 [hbm:s6], $0xF7A  }
0x23: {  	s9 =	sor.u32 $0xD0000000, s2;
	s6 =	simm.s32 $0x108;
	_ =	swait.ge @!p0 [sflag:s8], $0x0  }
0x24: {  	s3 =	sadd.s32 $0x88, s3;
	s6 =	simm.s32 @!p1 $0x1082;
	[sflag:s4] =	ssyncset.s32 $0xFFFFF086  }
0x25: {  	[simem:s6], [sflag:s4] =	dma.local [hbm:s3], $0xF7A  }
0x26: {  	[smem:$0x3F96] =	sst s1;
	(tag) =	ssettag s2;
	_ =	strace s9  }
0x27: {  	s1 =	sld [smem:$0x3FA6]  }
0x28: {  	s2 =	sld [smem:$0x3FA7]  }
0x29: {  	s4 =	sld [smem:$0x3FA9]  }
0x2a: {  	p0 =	seq.s32 s5, $0x0;
	s5 =	sld [smem:$0x3FAA]  }
0x2b: {  	s6 =	sld [smem:$0x3FAB]  }
0x2c: {  	s7 =	sld [smem:$0x3FAC]  }
0x2d: {  	s3 =	simm.s32 $0x108;
	s8 =	sld [smem:$0x3FAD]  }
0x2e: {  	s3 =	simm.s32 @!p0 $0x1082;
	s9 =	sld [smem:$0x3FAE]  }
0x2f: {  	lr =	sadd.s32 s0, s3;
	s0 =	sld [smem:$0x3FA5]  }
0x30: {  	s3 =	sld [smem:$0x3FA8]  }
0x31: {  	[smem:$0x3FB1] =	sst s10  }
0x32: {  	s10 =	sld [smem:$0x3FAF];
	_ =	sdelay $0x3  }
0x33: {  	p0 =	seq.s32 s10, $0x1;
	s10 =	sld [smem:$0x3FB1];
	_ =	sdelay $0x3  }
0x34: {  	[smem:$0x3FB1] =	sst s10  }
0x35: {  	s10 =	sld [smem:$0x3FB0];
	_ =	sdelay $0x3  }
0x36: {  	p1 =	seq.s32 s10, $0x1;
	s10 =	sld [smem:$0x3FB1];
	_ =	sdelay $0x3  }
0x37: {  	[smem:$0x3FB1] =	sst s10  }
0x38: {  	s10 =	sld [smem:$0x3FB2]  }
0x39: {  	_ = 	snop;
	(pc) =	sbr.ind lr, $3  }
0x3a: {  	_ = 	snop  }
0x3b: {  	_ = 	snop  }
0x3c: {  	p2 =	seq.s32 s10, $0x1;
	s10 =	sld [smem:$0x3FB1]  }
0x3d: {  	_ =	shalt  }
0x3e: {  	_ =	shalt  }
0x3f: {  	_ =	shalt  }
0x40: {  	_ =	shalt  }
0x41: {  	_ =	shalt  }
0x42: {  	_ =	shalt  }
0x43: {  	_ =	shalt  }
0x44: {  	_ =	shalt  }
0x45: {  	_ =	shalt  }
0x46: {  	_ =	shalt  }
0x47: {  	_ =	shalt  }
0x48: {  	_ =	shalt  }
0x49: {  	_ =	shalt  }
0x4a: {  	_ =	shalt  }
0x4b: {  	_ =	shalt  }
0x4c: {  	_ =	shalt  }
0x4d: {  	_ =	shalt  }
0x4e: {  	_ =	shalt  }
0x4f: {  	_ =	shalt  }
0x50: {  	_ =	shalt  }
0x51: {  	_ =	shalt  }
0x52: {  	_ =	shalt  }
0x53: {  	_ =	shalt  }
0x54: {  	_ =	shalt  }
0x55: {  	_ =	shalt  }
0x56: {  	_ =	shalt  }
0x57: {  	_ =	shalt  }
0x58: {  	_ =	shalt  }
0x59: {  	_ =	shalt  }
0x5a: {  	_ =	shalt  }
0x5b: {  	_ =	shalt  }
0x5c: {  	_ =	shalt  }
0x5d: {  	_ =	shalt  }
0x5e: {  	_ =	shalt  }
0x5f: {  	_ =	shalt  }
0x60: {  	_ =	shalt  }
0x61: {  	_ =	shalt  }
0x62: {  	_ =	shalt  }
0x63: {  	_ =	shalt  }
0x64: {  	_ =	shalt  }
0x65: {  	_ =	shalt  }
0x66: {  	_ =	shalt  }
0x67: {  	_ =	shalt  }
0x68: {  	_ =	shalt  }
0x69: {  	_ =	shalt  }
0x6a: {  	_ =	shalt  }
0x6b: {  	_ =	shalt  }
0x6c: {  	_ =	shalt  }
0x6d: {  	_ =	shalt  }
0x6e: {  	_ =	shalt  }
0x6f: {  	_ =	shalt  }
0x70: {  	_ =	shalt  }
0x71: {  	_ =	shalt  }
0x72: {  	_ =	shalt  }
0x73: {  	_ =	shalt  }
0x74: {  	_ =	shalt  }
0x75: {  	_ =	shalt  }
0x76: {  	_ =	shalt  }
0x77: {  	_ =	shalt  }
0x78: {  	_ =	shalt  }
0x79: {  	_ =	shalt  }
0x7a: {  	_ =	shalt  }
0x7b: {  	_ =	shalt  }
0x7c: {  	_ =	shalt  }
0x7d: {  	_ =	shalt  }
0x7e: {  	_ =	shalt  }
0x7f: {  	_ =	shalt  }
0x80: {  	_ =	shalt  }
0x81: {  	_ =	shalt  }
0x82: {  	_ =	shalt  }
0x83: {  	_ =	shalt  }
0x84: {  	_ =	shalt  }
0x85: {  	_ =	shalt  }
0x86: {  	_ =	shalt  }
0x87: {  	_ =	shalt  }
.Lfunc_end0:
.L_simem_size_0:
called_computation.3_lowered:
.L_overlay_start_0:
0x88: {  	s2 =	sld [smem:$0x3FD9]  }
0x89: {  	s3 =	sld [smem:$0x3FFE];
	_ =	sdelay $0x1  }
0x8a: {  	s1 =	srdreg.scid  }
0x8b: {  	s0 =	sand.u32 $0x1, s1  }
0x8c: {  	s16 =	sshll.u32 s0, $0xA;
	s2 =	sadd.s32 s3, s2  }
0x8d: {  	s2 =	sadd.s32 s2, s16  }
0x8e: {  	[smem:$0x3FBD] =	sst s2  }
0x8f: {  	_ = 	snop  }
0x90: {  	(tm) =	ssettm $0x1  }
0x91: {  	s17 =	sld [smem:$0x3FFB];
	_ =	sdelay $0x3  }
0x92: {  	_ =	strace s17  }
0x93: {  	s2 =	sld [smem:$0x3FFC];
	_ =	sdelay $0x3  }
0x94: {  	_ =	strace s2  }
0x95: {  	s2 =	sld [smem:$0x3FFD];
	_ =	sdelay $0x3  }
0x96: {  	_ =	strace s2  }
0x97: {  	_ =	strace $0x8FFFFFFF  }
0x98: {  	s18 =	sld [smem:$0x3FDB];
	_ =	sdelay $0x1  }
0x99: {  	s19 =	simm.s32 $_scs_section_size  }
0x9a: {  	s4 =	simm.s32 $_size__tile_overlayer_lowered;
	s5 =	simm.s32 $_tile_overlayer_lowered  }
0x9b: {  	s22 =	simm.s32 $0x1BFF;
	s21 =	sshll.u32 s5, $0x1;
	s2 =	sadd.s32 s19, s18  }
0x9c: {  	s6 =	simm.s32 $0x0;
	s20 =	sshll.u32 s4, $0x1;
	s4 =	sadd.s32 s21, s2  }
0x9d: {  	[timem:s6], [sflag:s22] =	dma.local [hbm:s4], s20  }
0x9e: {  	_ =	swait.ge [sflag:s22], s20  }
0x9f: {  	s3 =	ssub.s32 $0x0, s20;
	[sflag:s22] =	ssyncset.done $0x0  }
0xa0: {  	[sflag:s22] =	ssyncadd.s32 s3;
	_ =	sdelay $0x1  }
0xa1: {  	s23 =	simm.s32 $0x1B8B  }
0xa2: {  	_ =	swait.ge [sflag:s23], $0x1  }
0xa3: {  	[sflag:s23] =	ssyncset.done $0x0  }
0xa4: {  	s25 =	simm.s32 $0x1B8E;
	s24 =	sld [smem:$0x3FFE];
	[sflag:s23] =	ssyncadd.s32 $0xFFFFFFFF  }
0xa5: {  	s26 =	simm.s32 $execute0_lowered;
	[smem:$0x3FD2] =	sst s25  }
0xa6: {  	s4 =	sshll.u32 s26, $0x1;
	_ =	strace $0x8000004F;
	[dreg:$0x1] =	wrdreg $0xFFFFFFFF  }
0xa7: {  	s28 =	simm.s32 $_size_execute0_lowered;
	s2 =	sadd.s32 s2, s4;
	[dreg:$0x0] =	wrdreg $0x0  }
0xa8: {  	s4 =	sshll.u32 s28, $0x1;
	[dreg:$0x2] =	wrdreg s2  }
0xa9: {  	[dreg:$0x3] =	wrdreg s4  }
0xaa: {  	[dreg:$0x4] =	wrdreg $0xC0  }
0xab: {  	_ =	task [dreg:s6], $0x5FFFF  }
0xac: {  	[dreg:$0x1] =	wrdreg $0xFFFFFFFF  }
0xad: {  	[dreg:$0x0] =	wrdreg $0x60  }
0xae: {  	[dreg:$0x2] =	wrdreg s24  }
0xaf: {  	[dreg:$0x3] =	wrdreg $0xA8000  }
0xb0: {  	[dreg:$0x4] =	wrdreg $0x9  }
0xb1: {  	_ =	task.clear_ibuf [dreg:s6], $0x5FFFF;
	_ =	strace $0x9000004F  }
0xb2: {  	s29 =	simm.s32 $0x9;
	_ =	strace $0x80000051  }
0xb3: {  	_ =	swait.ge [sflag:s29], $0x1  }
0xb4: {  	[sflag:s29] =	ssyncadd.s32 $0xFFFFFFFF  }
0xb5: {  	_ =	strace $0x90000051  }
0xb6: {  	_ =	sfence  }
0xb7: {  	s30 =	sld [smem:$0x0];
	_ =	sdelay $0x2  }
0xb8: {  	s31 =	sshll.u32 s1, $0xD;
	s1 =	sshrl.u32 s1, $0x2  }
0xb9: {  	s3 =	sand.u32 $0x4000, s31;
	s1 =	sadd.s32 s1, s30  }
0xba: {  	s0 =	sor.u32 s3, s0;
	s1 =	sshll.u32 s1, $0x11  }
0xbb: {  	s0 =	sor.u32 s1, s0  }
0xbc: {  	s0 =	sadd.s32 $0x8F2B, s0  }
0xbd: {  	[sflag:s0] =	ssyncadd.remote.s32 $0x1  }
0xbe: {  	_ =	sfence.sel $0xFFFF  }
0xbf: {  	[dreg:$0x0] =	wrdreg $0xFFFFFFFF;
	(pc) =	sbr.abs _section_cstart, $3  }
0xc0: {  	[dreg:$0x1] =	wrdreg $0xFFFFFFFF  }
0xc1: {  	_ =	task.clear_ibuf [dreg:s6], $0x2FFFF;
	_ =	strace $0x9FFFFFFF  }
0xc2: {  	(tm) =	ssettm $0x7FFFFFFF  }
0xc3: {  	_ =	shalt  }
tec
execute0_lowered:
.L_overlay_start_1:
0x0: {  	(tag) =	ssettag $0x1  }
0x1: {  	s5 =	rddreg [dreg:$0x0]  }
0x2: {  	s1 =	rddreg [dreg:$0x1]  }
0x3: {  	s0 =	rddreg [dreg:$0x2];
	s2 =	simm.s32 $0x0  }
0x4: {  	s6 =	srdreg.scid;
	s3 =	stileid.u32;
	s17 =	simm.s32 $0x4000  }
0x5: {  	s18 =	simm.s32 $0x8000;
	s19 =	simm.s32 $0x50;
	s23 =	simm.s32 $0x0  }
0x6: {  	[smem:$0x7FF] =	sst s2;
	s4 =	sadd.s32 $0x25600, s5;
	s9 =	smul.u32 $0x50000, s3  }
0x7: {  	s6 =	sand.u32 $0x1, s6;
	s8 =	sshll.u32 s3, $0xB;
	s21 =	smul.u32 $0x2800, s3  }
0x8: {  	s31 =	sshll.u32 s3, $0x6;
	_ =	strace $0x80000050;
	s7 =	sshll.u32 s6, $0xF  }
0x9: {  	s30 =	smul.u32 $0x28000, s6;
	s6 =	ssub.s32 $0x2, s6;
	s7 =	sor.u32 s8, s7  }
0xa: {  	s10 =	sshrl.u32 s6, $0x1;
	s9 =	sshrl.u32 s9, $0x2;
	s7 =	sadd.s32 s7, s5  }
0xb: {  	s15 =	sadd.s32 s30, s5;
	s16 =	ssub.s32 s6, s10;
	s5 =	sadd.s32 s9, s1  }
0xc: {  	s6 =	sadd.s32 $0x15600, s7;
	s7 =	sadd.s32 $0x4C00, s7;
	s8 =	sadd.s32 $0x2800, s5  }
0xd: {  	s9 =	sadd.s32 $0x5000, s5;
	s10 =	sadd.s32 $0x7800, s5;
	s11 =	sadd.s32 $0xA000, s5  }
0xe: {  	s12 =	sadd.s32 $0xC800, s5;
	s13 =	sadd.s32 $0xF000, s5;
	s14 =	sadd.s32 $0x11800, s5  }
0xf: {  	s20 =	sadd.s32 $0x73A00, s15;
	s15 =	smax.u32 s16, $0x1;
	s16 =	simm.s32 $0x1  }
0x10: {  	v0 =	vimm.f32 $0.0e+00;
	s22 =	sshrl.u32 s5, $0x3;
	s20 =	sadd.s32 s21, s20;
	s21 =	sor.u32 $0x1C01, s31  }
.LBB2_1:
0x11: {  	[tilespmem:s2], [sflag:$0x1] =	stream.linear.gather [hbm4b:s6+s2], $0x3E80, $0x38;
	[tilespmem:$0x1E800] =	vst v63  }
0x12: {  	_ =	swait.ge [sflag:s16], $0x3E80  }
0x13: {  	[sflag:s16] =	ssyncset.done $0x0  }
0x14: {  	[sflag:s16] =	ssyncadd.s32 $0xFFFFC180  }
0x15: {  	[tilespmem:s17], [sflag:$0x1] =	stream.linear.gather [hbm4b:s7+s2], $0x3E80, $0x38;
	[tilespmem:$0x1E800] =	vst v63  }
0x16: {  	_ =	swait.ge [sflag:s16], $0x3E80  }
0x17: {  	[sflag:s16] =	ssyncset.done $0x0  }
0x18: {  	s24 =	simm.s32 $0x0;
	s25 =	simm.s32 $0x200;
	[sflag:s16] =	ssyncadd.s32 $0xFFFFC180  }
.LBB2_2:
0x19: {  	p0 =	sne.s32 s25, $0x9E00;
	[tilespmem:s24+$0x8070] =	vst v0  }
0x1a: {  	[tilespmem:s24+$0x8000] =	vst v0  }
0x1b: {  	[tilespmem:s24+$0x8010] =	vst v0  }
.Ltmp0:
0x1c: {  	[tilespmem:s24+$0x8020] =	vst v0;
	(pc) =	sbr.rel @p0 .LBB2_2-.Ltmp0, $4  }
0x1d: {  	[tilespmem:s24+$0x8030] =	vst v0  }
0x1e: {  	[tilespmem:s24+$0x8040] =	vst v0  }
0x1f: {  	[tilespmem:s24+$0x8050] =	vst v0  }
0x20: {  	[tilespmem:s24+$0x8060] =	vst v0;
	s24 =	sshra.s32 s25, $0x2;
	s25 =	sadd.s32 $0x200, s25  }
0x21: {  	[tilespmem:s24+$0x8070] =	vst v0  }
0x22: {  	[tilespmem:s24+$0x8000] =	vst v0  }
0x23: {  	[tilespmem:s24+$0x8010] =	vst v0  }
0x24: {  	[tilespmem:s24+$0x8020] =	vst v0  }
0x25: {  	[tilespmem:s24+$0x8030] =	vst v0  }
0x26: {  	[tilespmem:s24+$0x8040] =	vst v0  }
0x27: {  	[tilespmem:s24+$0x8050] =	vst v0  }
0x28: {  	[tilespmem:s24+$0x8060] =	vst v0  }
0x29: {  	[spmem:s5] =	stream.linear.scatter [tilespmem:s18], [sflag:$0x1], $0x2800, $0x38;
	[tilespmem:$0x1E800] =	vst v63  }
0x2a: {  	_ =	swait.ge [sflag:s16], $0x2800  }
0x2b: {  	[sflag:s16] =	ssyncset.done $0x0  }
0x2c: {  	[sflag:s16] =	ssyncadd.s32 $0xFFFFD800  }
0x2d: {  	[spmem:s8] =	stream.linear.scatter [tilespmem:s18], [sflag:$0x1], $0x2800, $0x38;
	[tilespmem:$0x1E800] =	vst v63  }
0x2e: {  	_ =	swait.ge [sflag:s16], $0x2800  }
0x2f: {  	[sflag:s16] =	ssyncset.done $0x0  }
0x30: {  	[sflag:s16] =	ssyncadd.s32 $0xFFFFD800  }
0x31: {  	[spmem:s9] =	stream.linear.scatter [tilespmem:s18], [sflag:$0x1], $0x2800, $0x38;
	[tilespmem:$0x1E800] =	vst v63  }
0x32: {  	_ =	swait.ge [sflag:s16], $0x2800  }
0x33: {  	[sflag:s16] =	ssyncset.done $0x0  }
0x34: {  	[sflag:s16] =	ssyncadd.s32 $0xFFFFD800  }
0x35: {  	[spmem:s10] =	stream.linear.scatter [tilespmem:s18], [sflag:$0x1], $0x2800, $0x38;
	[tilespmem:$0x1E800] =	vst v63  }
0x36: {  	_ =	swait.ge [sflag:s16], $0x2800  }
0x37: {  	[sflag:s16] =	ssyncset.done $0x0  }
0x38: {  	[sflag:s16] =	ssyncadd.s32 $0xFFFFD800  }
0x39: {  	[spmem:s11] =	stream.linear.scatter [tilespmem:s18], [sflag:$0x1], $0x2800, $0x38;
	[tilespmem:$0x1E800] =	vst v63  }
0x3a: {  	_ =	swait.ge [sflag:s16], $0x2800  }
0x3b: {  	[sflag:s16] =	ssyncset.done $0x0  }
0x3c: {  	[sflag:s16] =	ssyncadd.s32 $0xFFFFD800  }
0x3d: {  	[spmem:s12] =	stream.linear.scatter [tilespmem:s18], [sflag:$0x1], $0x2800, $0x38;
	[tilespmem:$0x1E800] =	vst v63  }
0x3e: {  	_ =	swait.ge [sflag:s16], $0x2800  }
0x3f: {  	[sflag:s16] =	ssyncset.done $0x0  }
0x40: {  	[sflag:s16] =	ssyncadd.s32 $0xFFFFD800  }
0x41: {  	[spmem:s13] =	stream.linear.scatter [tilespmem:s18], [sflag:$0x1], $0x2800, $0x38;
	[tilespmem:$0x1E800] =	vst v63  }
0x42: {  	_ =	swait.ge [sflag:s16], $0x2800  }
0x43: {  	[sflag:s16] =	ssyncset.done $0x0  }
0x44: {  	[sflag:s16] =	ssyncadd.s32 $0xFFFFD800  }
0x45: {  	[spmem:s14] =	stream.linear.scatter [tilespmem:s18], [sflag:$0x1], $0x2800, $0x38;
	[tilespmem:$0x1E800] =	vst v63  }
0x46: {  	_ =	swait.ge [sflag:s16], $0x2800  }
0x47: {  	[sflag:s16] =	ssyncset.done $0x0  }
0x48: {  	[sflag:s16] =	ssyncadd.s32 $0xFFFFD800  }
0x49: {  	s30 =	simm.s32 $0x0;
	[bflag:$0x0] =	sbarrier.arrive $0xFFFF  }
0x4a: {  	[tilespmem:s18], [sflag:$0x1] =	stream.indirect.gather [hbm4b:s4+s19], $0x80, s30, s19, $0xb8;
	[tilespmem:$0x1E800] =	vst v63  }
0x4b: {  	_ =	swait.ge [sflag:s16], $0x2800  }
0x4c: {  	[sflag:s16] =	ssyncset.done $0x0  }
0x4d: {  	s31 =	simm.s32 $0x4000;
	[sflag:s16] =	ssyncadd.s32 $0xFFFFD800  }
0x4e: {  	[spmem:s1] =	stream.indirect.scatter.add.f32 [tilespmem:s18], [sflag:$0x1], $0x80, s31, s19, $0xb8;
	[tilespmem:$0x1E800] =	vst v63  }
0x4f: {  	_ =	swait.ge [sflag:s16], $0x2800  }
0x50: {  	s24 =	simm.s32 $0x200;
	s25 =	simm.s32 $0x400;
	[sflag:s16] =	ssyncset.done $0x0  }
.LBB2_4:
0x51: {  	s26 =	sshra.s32 s24, $0x2  }
0x52: {  	[sflag:s16] =	ssyncadd.s32 $0xFFFFD800;
	s24 =	smov.u32 s25;
	s28 =	sadd.s32 $0x200, s25  }
0x53: {  	[tilespmem:s18], [sflag:$0x1] =	stream.indirect.gather [hbm4b:s4+s19], $0x80, s26, s19, $0xb8;
	[tilespmem:$0x1E800] =	vst v63  }
0x54: {  	p0 =	sne.s32 s25, $0xF800;
	_ =	swait.ge [sflag:s16], $0x2800  }
.Ltmp1:
0x55: {  	[sflag:s16] =	ssyncset.done $0x0;
	(pc) =	sbr.rel @p0 .LBB2_4-.Ltmp1, $4  }
0x56: {  	s25 =	sadd.s32 $0x4000, s26;
	[sflag:s16] =	ssyncadd.s32 $0xFFFFD800  }
0x57: {  	[spmem:s1] =	stream.indirect.scatter.add.f32 [tilespmem:s18], [sflag:$0x1], $0x80, s25, s19, $0xb8;
	[tilespmem:$0x1E800] =	vst v63  }
0x58: {  	_ =	swait.ge [sflag:s16], $0x2800  }
0x59: {  	s25 =	smov.u32 s28;
	[sflag:s16] =	ssyncset.done $0x0  }
0x5a: {  	s24 =	sshra.s32 s24, $0x2;
	[sflag:s16] =	ssyncadd.s32 $0xFFFFD800  }
0x5b: {  	[tilespmem:s18], [sflag:$0x1] =	stream.indirect.gather [hbm4b:s4+s19], $0x80, s24, s19, $0xb8;
	[tilespmem:$0x1E800] =	vst v63  }
0x5c: {  	_ =	swait.ge [sflag:s16], $0x2800  }
0x5d: {  	[sflag:s16] =	ssyncset.done $0x0  }
0x5e: {  	s24 =	sadd.s32 $0x4000, s24;
	[sflag:s16] =	ssyncadd.s32 $0xFFFFD800  }
0x5f: {  	[spmem:s1] =	stream.indirect.scatter.add.f32 [tilespmem:s18], [sflag:$0x1], $0x80, s24, s19, $0xb8;
	[tilespmem:$0x1E800] =	vst v63  }
0x60: {  	_ =	swait.ge [sflag:s16], $0x2800  }
0x61: {  	s23 =	sadd.s32 $0x1, s23;
	[sflag:s16] =	ssyncset.done $0x0  }
0x62: {  	p0 =	sne.s32 s23, s15;
	[sflag:s16] =	ssyncadd.s32 $0xFFFFD800  }
.Ltmp2:
0x63: {  	[bflag:$0x0] =	sbarrier.arrive $0xFFFF;
	(pc) =	sbr.rel @p0 .LBB2_1-.Ltmp2, $4  }
0x64: {  	[hbm:s20], [sflag:s21] =	dma.local [spmem:s22], $0x2800  }
0x65: {  	_ =	swait.ge [sflag:s16], $0x2800  }
0x66: {  	[sflag:s16] =	ssyncset.done $0x0  }
0x67: {  	[sflag:s16] =	ssyncadd.s32 $0xFFFFD800  }
0x68: {  	_ =	sfence.sel $0x180000  }
0x69: {  	[bflag:$0x0] =	sbarrier.arrive $0xFFFF  }
0x6a: {  	p0 =	sne.s32 s3, $0x0;
	_ =	strace $0x90000050  }
0x6b: {  	s0 =	sadd.s32 @!p0 $0x100000, s0;
	[bflag:$0x2] =	sbarrier.arrive $0xFFFF  }
0x6c: {  	[sflag:s0] =	ssyncadd.tile.s32 @!p0 $0x1;
	_ =	shalt  }
.Lfunc_end2:
_tile_overlayer_lowered:
.L_overlay_start_2:
0x6d: {  	(tag) =	ssettag $0x2  }
0x6e: {  	s0 =	rddreg [dreg:$0x0];
	s2 =	stileid.u32  }
0x6f: {  	s1 =	rddreg [dreg:$0x1];
	p0 =	sne.s32 s2, $0x0  }
0x70: {  	s3 =	rddreg [dreg:$0x2];
	[bflag:$0x3] =	sbarrier.arrive $0xFFFF;
	s2 =	simm.s32 @!p0 $0x1C01  }
0x71: {  	[timem:s3], [sflag:s2] =	dma.local @!p0 [hbm:s0], s1  }
0x72: {  	s0 =	simm.s32 @!p0 $0x1  }
0x73: {  	_ =	swait.ge @!p0 [sflag:s0], s1  }
0x74: {  	s1 =	ssub.s32 @!p0 $0x0, s1;
	[sflag:s0] =	ssyncset.done @!p0 $0x0  }
0x75: {  	[sflag:s0] =	ssyncadd.s32 @!p0 s1  }
0x76: {  	[bflag:$0x3] =	sbarrier.arrive $0xFFFF  }
0x77: {  	_ =	shalt  }

</sc_bundles>
